<compile_context>
chip_gen: v7x
topology: tpu7x:2x2x1
jax: 0.10.2.dev20260603
libtpu: 0.0.44.dev20260713+nightly
codegen_flags: <defaults>
</compile_context>

<pallas_src>
import functools
import jax
import jax.numpy as jnp
from jax import lax
from jax.experimental import pallas as pl
from jax.experimental.pallas import tpu as pltpu
from jax.experimental.pallas import tpu_sc as plsc


def _prep_kernel(c_ref, srt_ref, mid_ref):
    c = c_ref[...]
    k = c.shape[1]
    ci = c[:, :, None]
    cj = c[:, None, :]
    ii = lax.broadcasted_iota(jnp.int32, (1, k, k), 1)
    jj = lax.broadcasted_iota(jnp.int32, (1, k, k), 2)
    rank = jnp.sum(
        jnp.where((cj < ci) | ((cj == ci) & (jj < ii)), 1, 0), axis=2)
    rr = lax.broadcasted_iota(jnp.int32, (1, k, k), 1)
    oh = (rank[:, None, :] == rr).astype(c.dtype)
    srt = jnp.sum(oh * c[:, None, :], axis=2)
    nxt = jnp.concatenate([srt[:, 1:], srt[:, k - 1:]], axis=1)
    srt_ref[...] = srt
    mid_ref[...] = 0.5 * (srt + nxt)


_NW = 32
_CH_ROWS = 256


def _sc_kernel(k, n_mels, rows, x_hbm, srt_hbm, mid_hbm, out_hbm,
               srt_v, mid_v, xbuf, obuf):
    wid = lax.axis_index("s") * 2 + lax.axis_index("c")
    rows_per_w = rows // _NW
    n_chunks = rows_per_w // _CH_ROWS
    base_row = wid * rows_per_w
    pltpu.sync_copy(srt_hbm, srt_v)
    pltpu.sync_copy(mid_hbm, mid_v)
    iota16 = lax.broadcasted_iota(jnp.int32, (16,), 0)
    bases = [(iota16 + 16 * p) * k for p in range(n_mels // 16)]

    def chunk_body(ci, carry):
        row0 = base_row + ci * _CH_ROWS
        pltpu.sync_copy(x_hbm.at[pl.ds(row0, _CH_ROWS)], xbuf)

        @plsc.parallel_loop(0, _CH_ROWS, unroll=4)
        def row_body(r):
            for p, base in enumerate(bases):
                x = xbuf[r, pl.ds(16 * p, 16)]
                pos = jnp.zeros((16,), jnp.int32)
                add = k // 2
                while add >= 1:
                    node = base + pos + (add - 1)
                    mval = plsc.load_gather(mid_v, [node])
                    pos = pos + jnp.where(x > mval, add, 0)
                    add //= 2
                obuf[r, pl.ds(16 * p, 16)] = plsc.load_gather(
                    srt_v, [base + pos])

        pltpu.sync_copy(obuf, out_hbm.at[pl.ds(row0, _CH_ROWS)])
        return carry

    lax.fori_loop(0, n_chunks, chunk_body, 0)


def kernel(melspecs, centroids):
    b, t, n_mels = melspecs.shape
    k = centroids.shape[1]
    srt, mid = pl.pallas_call(
        _prep_kernel,
        out_shape=[
            jax.ShapeDtypeStruct((n_mels, k), centroids.dtype),
            jax.ShapeDtypeStruct((n_mels, k), centroids.dtype),
        ],
    )(centroids)
    rows = b * t
    sc = functools.partial(
        pl.kernel,
        mesh=plsc.VectorSubcoreMesh(core_axis_name="c", subcore_axis_name="s"),
        compiler_params=pltpu.CompilerParams(needs_layout_passes=False),
        out_type=jax.ShapeDtypeStruct((rows, n_mels), melspecs.dtype),
        scratch_types=[
            pltpu.VMEM((n_mels * k,), melspecs.dtype),
            pltpu.VMEM((n_mels * k,), melspecs.dtype),
            pltpu.VMEM((_CH_ROWS, n_mels), melspecs.dtype),
            pltpu.VMEM((_CH_ROWS, n_mels), melspecs.dtype),
        ],
    )(functools.partial(_sc_kernel, k, n_mels, rows))
    out = sc(melspecs.reshape(rows, n_mels), srt.reshape(-1), mid.reshape(-1))
    return out.reshape(b, t, n_mels)

# --- scband reference (transcript-rebuilt; emitter-appended) ---
"""Pipeline reference for scband-local-mel-spec-discretizer-16286515987022 (READ-ONLY COPY).

The authoritative reference and input builder live on the scoring server;
editing this copy changes nothing except your own understanding.
"""

import jax, jax.numpy as jnp
import numpy as np

B, T, N_MELS, K = 16, 2048, 80, 32

def setup_inputs(seed: int = 0) -> dict:
    key = jax.random.key(seed)
    k1, k2 = jax.random.split(key)
    melspecs = jax.random.normal(k1, (B, T, N_MELS), dtype=jnp.float32)
    # learned param: per-mel-bin scalar codebook (torch.load('local_centroids_kh4.pt'))
    centroids = jax.random.normal(k2, (N_MELS, K), dtype=jnp.float32)
    return {"melspecs": melspecs, "centroids": centroids}

def reference(melspecs, centroids):
    # mel_to_class
    m = jnp.transpose(melspecs, (0, 2, 1))          # [B, n_mels, T]
    mt = jnp.transpose(m, (1, 0, 2))                # [n_mels, B, T]
    distances = jnp.abs(mt[:, None, :, :] - centroids[:, :, None, None])  # [n_mels, K, B, T]
    ca = jnp.argmin(distances, axis=1)              # [n_mels, B, T]
    ca_btm = jnp.transpose(jnp.transpose(ca, (1, 0, 2)), (0, 2, 1))  # [B, T, n_mels]
    # class_to_centroids: transpose back to [n_mels, B, T], then replace class id by centroid value
    ca2 = jnp.transpose(jnp.transpose(ca_btm, (0, 2, 1)), (1, 0, 2))  # [n_mels, B, T]
    n_mels = centroids.shape[0]
    # equivalent to the double python loop: values[i] = centroids[i, ca2[i]]
    values = centroids[jnp.arange(n_mels)[:, None, None], ca2]        # [n_mels, B, T]
    out = jnp.transpose(values, (1, 0, 2))          # [B, n_mels, T]
    out = jnp.transpose(out, (0, 2, 1))             # [B, T, n_mels]
    return out

if __name__ == "__main__":
    import jax
    _d = setup_inputs()
    print(jax.jit(kernel)(*tuple(_d.values())))

</pallas_src>

<mosaic_0001>
#map = affine_map<(d0, d1) -> (0, 0)>
#map1 = affine_map<(d0, d1) -> (0)>
module attributes {stable_mosaic.version = 14 : i64} {
  func.func @_sc_kernel(%arg0: i32, %arg1: i32, %arg2: memref<32768x80xf32, #tpu.memory_space<hbm>>, %arg3: memref<2560xf32, #tpu.memory_space<hbm>>, %arg4: memref<2560xf32, #tpu.memory_space<hbm>>, %arg5: memref<32768x80xf32, #tpu.memory_space<hbm>>, %arg6: memref<2560xf32, #tpu.memory_space<vmem>>, %arg7: memref<2560xf32, #tpu.memory_space<vmem>>, %arg8: memref<256x80xf32, #tpu.memory_space<vmem>>, %arg9: memref<256x80xf32, #tpu.memory_space<vmem>>) attributes {dimension_semantics = [#tpu.dimension_semantics<core_parallel>, #tpu.dimension_semantics<subcore_parallel>], iteration_bounds = array<i64: 2, 16>, scalar_prefetch = 0 : i64, scratch_operands = 4 : i64, tpu.core_type = #tpu.core_type<sc_vector_subcore>, window_params = [{transform_indices = #map}, {transform_indices = #map1}, {transform_indices = #map1}, {transform_indices = #map}]} {
    %mul3A = arith.constant 2 : i32
    %mul3A_0 = arith.muli %arg1, %mul3A : i32
    %add3A = arith.addi %mul3A_0, %arg0 : i32
    %mul3A_1 = arith.constant 1024 : i32
    %mul3A_2 = arith.muli %add3A, %mul3A_1 : i32
    "tpu.region"() ({
      %run_scoped3A = tpu.sem_alloc : memref<!tpu.dma_semaphore, #tpu.memory_space<semaphore_mem>>
      tpu.enqueue_dma source(%arg3 : memref<2560xf32, #tpu.memory_space<hbm>>) target(%arg6 : memref<2560xf32, #tpu.memory_space<vmem>>) target_semaphore(%run_scoped3A : memref<!tpu.dma_semaphore, #tpu.memory_space<semaphore_mem>>)
      tpu.wait_dma2 semaphore(%run_scoped3A : memref<!tpu.dma_semaphore, #tpu.memory_space<semaphore_mem>>) src(%arg3 : memref<2560xf32, #tpu.memory_space<hbm>>) dst(%arg6 : memref<2560xf32, #tpu.memory_space<vmem>>)
      tpu.yield
    }) : () -> ()
    "tpu.region"() ({
      %run_scoped3A = tpu.sem_alloc : memref<!tpu.dma_semaphore, #tpu.memory_space<semaphore_mem>>
      tpu.enqueue_dma source(%arg4 : memref<2560xf32, #tpu.memory_space<hbm>>) target(%arg7 : memref<2560xf32, #tpu.memory_space<vmem>>) target_semaphore(%run_scoped3A : memref<!tpu.dma_semaphore, #tpu.memory_space<semaphore_mem>>)
      tpu.wait_dma2 semaphore(%run_scoped3A : memref<!tpu.dma_semaphore, #tpu.memory_space<semaphore_mem>>) src(%arg4 : memref<2560xf32, #tpu.memory_space<hbm>>) dst(%arg7 : memref<2560xf32, #tpu.memory_space<vmem>>)
      tpu.yield
    }) : () -> ()
    %iota3A = tpu.iota {dimensions = array<i32: 0>} : vector<16xi32>
    %add3A_3 = arith.constant 0 : i32
    %add3A_4 = vector.broadcast %add3A_3 : i32 to vector<16xi32>
    %add3A_5 = arith.addi %iota3A, %add3A_4 : vector<16xi32>
    %mul3A_6 = arith.constant 32 : i32
    %mul3A_7 = vector.broadcast %mul3A_6 : i32 to vector<16xi32>
    %mul3A_8 = arith.muli %add3A_5, %mul3A_7 : vector<16xi32>
    %add3A_9 = arith.constant 16 : i32
    %add3A_10 = vector.broadcast %add3A_9 : i32 to vector<16xi32>
    %add3A_11 = arith.addi %iota3A, %add3A_10 : vector<16xi32>
    %mul3A_12 = arith.constant 32 : i32
    %mul3A_13 = vector.broadcast %mul3A_12 : i32 to vector<16xi32>
    %mul3A_14 = arith.muli %add3A_11, %mul3A_13 : vector<16xi32>
    %add3A_15 = arith.constant 32 : i32
    %add3A_16 = vector.broadcast %add3A_15 : i32 to vector<16xi32>
    %add3A_17 = arith.addi %iota3A, %add3A_16 : vector<16xi32>
    %mul3A_18 = arith.constant 32 : i32
    %mul3A_19 = vector.broadcast %mul3A_18 : i32 to vector<16xi32>
    %mul3A_20 = arith.muli %add3A_17, %mul3A_19 : vector<16xi32>
    %add3A_21 = arith.constant 48 : i32
    %add3A_22 = vector.broadcast %add3A_21 : i32 to vector<16xi32>
    %add3A_23 = arith.addi %iota3A, %add3A_22 : vector<16xi32>
    %mul3A_24 = arith.constant 32 : i32
    %mul3A_25 = vector.broadcast %mul3A_24 : i32 to vector<16xi32>
    %mul3A_26 = arith.muli %add3A_23, %mul3A_25 : vector<16xi32>
    %add3A_27 = arith.constant 64 : i32
    %add3A_28 = vector.broadcast %add3A_27 : i32 to vector<16xi32>
    %add3A_29 = arith.addi %iota3A, %add3A_28 : vector<16xi32>
    %mul3A_30 = arith.constant 32 : i32
    %mul3A_31 = vector.broadcast %mul3A_30 : i32 to vector<16xi32>
    %mul3A_32 = arith.muli %add3A_29, %mul3A_31 : vector<16xi32>
    %scan3A = arith.constant 0 : i32
    %scan3A_33 = arith.constant 0 : i32
    %scan3A_34 = arith.constant 4 : i32
    %scan3A_35 = arith.addi %scan3A_33, %scan3A_34 : i32
    %scan3A_36 = arith.constant 1 : i32
    scf.for %scan3A_38 = %scan3A_33 to %scan3A_35 step %scan3A_36  : i32 {
      %mul3A_39 = arith.constant 256 : i32
      %mul3A_40 = arith.muli %scan3A_38, %mul3A_39 : i32
      %add3A_41 = arith.addi %mul3A_2, %mul3A_40 : i32
      "tpu.region"() ({
        %run_scoped3A = tpu.sem_alloc : memref<!tpu.dma_semaphore, #tpu.memory_space<semaphore_mem>>
        %dma_start3A = arith.constant 0 : i32
        %dma_start3A_44 = tpu.memref_slice %arg2[%add3A_41, %dma_start3A] : memref<32768x80xf32, #tpu.memory_space<hbm>> -> memref<256x80xf32, #tpu.memory_space<hbm>>
        %dma_start3A_45 = arith.constant 0 : i32
        %dma_start3A_46 = tpu.memref_slice %arg2[%add3A_41, %dma_start3A_45] : memref<32768x80xf32, #tpu.memory_space<hbm>> -> memref<256x80xf32, #tpu.memory_space<hbm>>
        tpu.enqueue_dma source(%dma_start3A_46 : memref<256x80xf32, #tpu.memory_space<hbm>>) target(%arg8 : memref<256x80xf32, #tpu.memory_space<vmem>>) target_semaphore(%run_scoped3A : memref<!tpu.dma_semaphore, #tpu.memory_space<semaphore_mem>>)
        %dma_wait3A = arith.constant 0 : i32
        %dma_wait3A_47 = tpu.memref_slice %arg2[%add3A_41, %dma_wait3A] : memref<32768x80xf32, #tpu.memory_space<hbm>> -> memref<256x80xf32, #tpu.memory_space<hbm>>
        %dma_wait3A_48 = arith.constant 0 : i32
        %dma_wait3A_49 = tpu.memref_slice %arg2[%add3A_41, %dma_wait3A_48] : memref<32768x80xf32, #tpu.memory_space<hbm>> -> memref<256x80xf32, #tpu.memory_space<hbm>>
        tpu.wait_dma2 semaphore(%run_scoped3A : memref<!tpu.dma_semaphore, #tpu.memory_space<semaphore_mem>>) src(%dma_wait3A_49 : memref<256x80xf32, #tpu.memory_space<hbm>>) dst(%arg8 : memref<256x80xf32, #tpu.memory_space<vmem>>)
        tpu.yield
      }) : () -> ()
      %parallel_loop3A = arith.constant 0 : i32
      %parallel_loop3A_42 = arith.constant 256 : i32
      %parallel_loop3A_43 = arith.constant 1 : i32
      scf.for %parallel_loop3A_44 = %parallel_loop3A to %parallel_loop3A_42 step %parallel_loop3A_43  : i32 {
        %parallel_loop3A_45 = arith.index_cast %parallel_loop3A_44 : i32 to index
        %parallel_loop3A_46 = arith.constant 0 : index
        %parallel_loop3A_47 = tpu.vector_load %arg8[%parallel_loop3A_45, %parallel_loop3A_46] {strides = array<i32>} : memref<256x80xf32, #tpu.memory_space<vmem>>, vector<16xf32>,
        %parallel_loop3A_48 = arith.constant 0 : i32
        %parallel_loop3A_49 = vector.broadcast %parallel_loop3A_48 : i32 to vector<16xi32>
        %parallel_loop3A_50 = arith.addi %mul3A_8, %parallel_loop3A_49 : vector<16xi32>
        %parallel_loop3A_51 = arith.constant 15 : i32
        %parallel_loop3A_52 = vector.broadcast %parallel_loop3A_51 : i32 to vector<16xi32>
        %parallel_loop3A_53 = arith.addi %parallel_loop3A_50, %parallel_loop3A_52 : vector<16xi32>
        %parallel_loop3A_54 = tpu.vector_load_idx %arg7[%parallel_loop3A_53] : memref<2560xf32, #tpu.memory_space<vmem>>[vector<16xi32>], vector<16xf32>,
        %parallel_loop3A_55 = arith.cmpf ogt, %parallel_loop3A_47, %parallel_loop3A_54 : vector<16xf32>
        %parallel_loop3A_56 = arith.constant 16 : i32
        %parallel_loop3A_57 = arith.constant 0 : i32
        %parallel_loop3A_58 = vector.broadcast %parallel_loop3A_56 : i32 to vector<16xi32>
        %parallel_loop3A_59 = vector.broadcast %parallel_loop3A_57 : i32 to vector<16xi32>
        %parallel_loop3A_60 = arith.select %parallel_loop3A_55, %parallel_loop3A_58, %parallel_loop3A_59 : vector<16xi1>, vector<16xi32>
        %parallel_loop3A_61 = arith.addi %parallel_loop3A_49, %parallel_loop3A_60 : vector<16xi32>
        %parallel_loop3A_62 = arith.addi %mul3A_8, %parallel_loop3A_61 : vector<16xi32>
        %parallel_loop3A_63 = arith.constant 7 : i32
        %parallel_loop3A_64 = vector.broadcast %parallel_loop3A_63 : i32 to vector<16xi32>
        %parallel_loop3A_65 = arith.addi %parallel_loop3A_62, %parallel_loop3A_64 : vector<16xi32>
        %parallel_loop3A_66 = tpu.vector_load_idx %arg7[%parallel_loop3A_65] : memref<2560xf32, #tpu.memory_space<vmem>>[vector<16xi32>], vector<16xf32>,
        %parallel_loop3A_67 = arith.cmpf ogt, %parallel_loop3A_47, %parallel_loop3A_66 : vector<16xf32>
        %parallel_loop3A_68 = arith.constant 8 : i32
        %parallel_loop3A_69 = arith.constant 0 : i32
        %parallel_loop3A_70 = vector.broadcast %parallel_loop3A_68 : i32 to vector<16xi32>
        %parallel_loop3A_71 = vector.broadcast %parallel_loop3A_69 : i32 to vector<16xi32>
        %parallel_loop3A_72 = arith.select %parallel_loop3A_67, %parallel_loop3A_70, %parallel_loop3A_71 : vector<16xi1>, vector<16xi32>
        %parallel_loop3A_73 = arith.addi %parallel_loop3A_61, %parallel_loop3A_72 : vector<16xi32>
        %parallel_loop3A_74 = arith.addi %mul3A_8, %parallel_loop3A_73 : vector<16xi32>
        %parallel_loop3A_75 = arith.constant 3 : i32
        %parallel_loop3A_76 = vector.broadcast %parallel_loop3A_75 : i32 to vector<16xi32>
        %parallel_loop3A_77 = arith.addi %parallel_loop3A_74, %parallel_loop3A_76 : vector<16xi32>
        %parallel_loop3A_78 = tpu.vector_load_idx %arg7[%parallel_loop3A_77] : memref<2560xf32, #tpu.memory_space<vmem>>[vector<16xi32>], vector<16xf32>,
        %parallel_loop3A_79 = arith.cmpf ogt, %parallel_loop3A_47, %parallel_loop3A_78 : vector<16xf32>
        %parallel_loop3A_80 = arith.constant 4 : i32
        %parallel_loop3A_81 = arith.constant 0 : i32
        %parallel_loop3A_82 = vector.broadcast %parallel_loop3A_80 : i32 to vector<16xi32>
        %parallel_loop3A_83 = vector.broadcast %parallel_loop3A_81 : i32 to vector<16xi32>
        %parallel_loop3A_84 = arith.select %parallel_loop3A_79, %parallel_loop3A_82, %parallel_loop3A_83 : vector<16xi1>, vector<16xi32>
        %parallel_loop3A_85 = arith.addi %parallel_loop3A_73, %parallel_loop3A_84 : vector<16xi32>
        %parallel_loop3A_86 = arith.addi %mul3A_8, %parallel_loop3A_85 : vector<16xi32>
        %parallel_loop3A_87 = arith.constant 1 : i32
        %parallel_loop3A_88 = vector.broadcast %parallel_loop3A_87 : i32 to vector<16xi32>
        %parallel_loop3A_89 = arith.addi %parallel_loop3A_86, %parallel_loop3A_88 : vector<16xi32>
        %parallel_loop3A_90 = tpu.vector_load_idx %arg7[%parallel_loop3A_89] : memref<2560xf32, #tpu.memory_space<vmem>>[vector<16xi32>], vector<16xf32>,
        %parallel_loop3A_91 = arith.cmpf ogt, %parallel_loop3A_47, %parallel_loop3A_90 : vector<16xf32>
        %parallel_loop3A_92 = arith.constant 2 : i32
        %parallel_loop3A_93 = arith.constant 0 : i32
        %parallel_loop3A_94 = vector.broadcast %parallel_loop3A_92 : i32 to vector<16xi32>
        %parallel_loop3A_95 = vector.broadcast %parallel_loop3A_93 : i32 to vector<16xi32>
        %parallel_loop3A_96 = arith.select %parallel_loop3A_91, %parallel_loop3A_94, %parallel_loop3A_95 : vector<16xi1>, vector<16xi32>
        %parallel_loop3A_97 = arith.addi %parallel_loop3A_85, %parallel_loop3A_96 : vector<16xi32>
        %parallel_loop3A_98 = arith.addi %mul3A_8, %parallel_loop3A_97 : vector<16xi32>
        %parallel_loop3A_99 = arith.constant 0 : i32
        %parallel_loop3A_100 = vector.broadcast %parallel_loop3A_99 : i32 to vector<16xi32>
        %parallel_loop3A_101 = arith.addi %parallel_loop3A_98, %parallel_loop3A_100 : vector<16xi32>
        %parallel_loop3A_102 = tpu.vector_load_idx %arg7[%parallel_loop3A_101] : memref<2560xf32, #tpu.memory_space<vmem>>[vector<16xi32>], vector<16xf32>,
        %parallel_loop3A_103 = arith.cmpf ogt, %parallel_loop3A_47, %parallel_loop3A_102 : vector<16xf32>
        %parallel_loop3A_104 = arith.constant 1 : i32
        %parallel_loop3A_105 = arith.constant 0 : i32
        %parallel_loop3A_106 = vector.broadcast %parallel_loop3A_104 : i32 to vector<16xi32>
        %parallel_loop3A_107 = vector.broadcast %parallel_loop3A_105 : i32 to vector<16xi32>
        %parallel_loop3A_108 = arith.select %parallel_loop3A_103, %parallel_loop3A_106, %parallel_loop3A_107 : vector<16xi1>, vector<16xi32>
        %parallel_loop3A_109 = arith.addi %parallel_loop3A_97, %parallel_loop3A_108 : vector<16xi32>
        %parallel_loop3A_110 = arith.addi %mul3A_8, %parallel_loop3A_109 : vector<16xi32>
        %parallel_loop3A_111 = tpu.vector_load_idx %arg6[%parallel_loop3A_110] : memref<2560xf32, #tpu.memory_space<vmem>>[vector<16xi32>], vector<16xf32>,
        %parallel_loop3A_112 = arith.index_cast %parallel_loop3A_44 : i32 to index
        %parallel_loop3A_113 = arith.constant 0 : index
        %parallel_loop3A_114 = tpu.vector_load %arg9[%parallel_loop3A_112, %parallel_loop3A_113] {strides = array<i32>} : memref<256x80xf32, #tpu.memory_space<vmem>>, vector<16xf32>,
        tpu.vector_store %arg9[%parallel_loop3A_112, %parallel_loop3A_113], %parallel_loop3A_111 {strides = array<i32>} : memref<256x80xf32, #tpu.memory_space<vmem>>, vector<16xf32>,
        %parallel_loop3A_115 = arith.index_cast %parallel_loop3A_44 : i32 to index
        %parallel_loop3A_116 = arith.constant 16 : index
        %parallel_loop3A_117 = tpu.vector_load %arg8[%parallel_loop3A_115, %parallel_loop3A_116] {strides = array<i32>} : memref<256x80xf32, #tpu.memory_space<vmem>>, vector<16xf32>,
        %parallel_loop3A_118 = arith.constant 0 : i32
        %parallel_loop3A_119 = vector.broadcast %parallel_loop3A_118 : i32 to vector<16xi32>
        %parallel_loop3A_120 = arith.addi %mul3A_14, %parallel_loop3A_119 : vector<16xi32>
        %parallel_loop3A_121 = arith.constant 15 : i32
        %parallel_loop3A_122 = vector.broadcast %parallel_loop3A_121 : i32 to vector<16xi32>
        %parallel_loop3A_123 = arith.addi %parallel_loop3A_120, %parallel_loop3A_122 : vector<16xi32>
        %parallel_loop3A_124 = tpu.vector_load_idx %arg7[%parallel_loop3A_123] : memref<2560xf32, #tpu.memory_space<vmem>>[vector<16xi32>], vector<16xf32>,
        %parallel_loop3A_125 = arith.cmpf ogt, %parallel_loop3A_117, %parallel_loop3A_124 : vector<16xf32>
        %parallel_loop3A_126 = arith.constant 16 : i32
        %parallel_loop3A_127 = arith.constant 0 : i32
        %parallel_loop3A_128 = vector.broadcast %parallel_loop3A_126 : i32 to vector<16xi32>
        %parallel_loop3A_129 = vector.broadcast %parallel_loop3A_127 : i32 to vector<16xi32>
        %parallel_loop3A_130 = arith.select %parallel_loop3A_125, %parallel_loop3A_128, %parallel_loop3A_129 : vector<16xi1>, vector<16xi32>
        %parallel_loop3A_131 = arith.addi %parallel_loop3A_119, %parallel_loop3A_130 : vector<16xi32>
        %parallel_loop3A_132 = arith.addi %mul3A_14, %parallel_loop3A_131 : vector<16xi32>
        %parallel_loop3A_133 = arith.constant 7 : i32
        %parallel_loop3A_134 = vector.broadcast %parallel_loop3A_133 : i32 to vector<16xi32>
        %parallel_loop3A_135 = arith.addi %parallel_loop3A_132, %parallel_loop3A_134 : vector<16xi32>
        %parallel_loop3A_136 = tpu.vector_load_idx %arg7[%parallel_loop3A_135] : memref<2560xf32, #tpu.memory_space<vmem>>[vector<16xi32>], vector<16xf32>,
        %parallel_loop3A_137 = arith.cmpf ogt, %parallel_loop3A_117, %parallel_loop3A_136 : vector<16xf32>
        %parallel_loop3A_138 = arith.constant 8 : i32
        %parallel_loop3A_139 = arith.constant 0 : i32
        %parallel_loop3A_140 = vector.broadcast %parallel_loop3A_138 : i32 to vector<16xi32>
        %parallel_loop3A_141 = vector.broadcast %parallel_loop3A_139 : i32 to vector<16xi32>
        %parallel_loop3A_142 = arith.select %parallel_loop3A_137, %parallel_loop3A_140, %parallel_loop3A_141 : vector<16xi1>, vector<16xi32>
        %parallel_loop3A_143 = arith.addi %parallel_loop3A_131, %parallel_loop3A_142 : vector<16xi32>
        %parallel_loop3A_144 = arith.addi %mul3A_14, %parallel_loop3A_143 : vector<16xi32>
        %parallel_loop3A_145 = arith.constant 3 : i32
        %parallel_loop3A_146 = vector.broadcast %parallel_loop3A_145 : i32 to vector<16xi32>
        %parallel_loop3A_147 = arith.addi %parallel_loop3A_144, %parallel_loop3A_146 : vector<16xi32>
        %parallel_loop3A_148 = tpu.vector_load_idx %arg7[%parallel_loop3A_147] : memref<2560xf32, #tpu.memory_space<vmem>>[vector<16xi32>], vector<16xf32>,
        %parallel_loop3A_149 = arith.cmpf ogt, %parallel_loop3A_117, %parallel_loop3A_148 : vector<16xf32>
        %parallel_loop3A_150 = arith.constant 4 : i32
        %parallel_loop3A_151 = arith.constant 0 : i32
        %parallel_loop3A_152 = vector.broadcast %parallel_loop3A_150 : i32 to vector<16xi32>
        %parallel_loop3A_153 = vector.broadcast %parallel_loop3A_151 : i32 to vector<16xi32>
        %parallel_loop3A_154 = arith.select %parallel_loop3A_149, %parallel_loop3A_152, %parallel_loop3A_153 : vector<16xi1>, vector<16xi32>
        %parallel_loop3A_155 = arith.addi %parallel_loop3A_143, %parallel_loop3A_154 : vector<16xi32>
        %parallel_loop3A_156 = arith.addi %mul3A_14, %parallel_loop3A_155 : vector<16xi32>
        %parallel_loop3A_157 = arith.constant 1 : i32
        %parallel_loop3A_158 = vector.broadcast %parallel_loop3A_157 : i32 to vector<16xi32>
        %parallel_loop3A_159 = arith.addi %parallel_loop3A_156, %parallel_loop3A_158 : vector<16xi32>
        %parallel_loop3A_160 = tpu.vector_load_idx %arg7[%parallel_loop3A_159] : memref<2560xf32, #tpu.memory_space<vmem>>[vector<16xi32>], vector<16xf32>,
        %parallel_loop3A_161 = arith.cmpf ogt, %parallel_loop3A_117, %parallel_loop3A_160 : vector<16xf32>
        %parallel_loop3A_162 = arith.constant 2 : i32
        %parallel_loop3A_163 = arith.constant 0 : i32
        %parallel_loop3A_164 = vector.broadcast %parallel_loop3A_162 : i32 to vector<16xi32>
        %parallel_loop3A_165 = vector.broadcast %parallel_loop3A_163 : i32 to vector<16xi32>
        %parallel_loop3A_166 = arith.select %parallel_loop3A_161, %parallel_loop3A_164, %parallel_loop3A_165 : vector<16xi1>, vector<16xi32>
        %parallel_loop3A_167 = arith.addi %parallel_loop3A_155, %parallel_loop3A_166 : vector<16xi32>
        %parallel_loop3A_168 = arith.addi %mul3A_14, %parallel_loop3A_167 : vector<16xi32>
        %parallel_loop3A_169 = arith.constant 0 : i32
        %parallel_loop3A_170 = vector.broadcast %parallel_loop3A_169 : i32 to vector<16xi32>
        %parallel_loop3A_171 = arith.addi %parallel_loop3A_168, %parallel_loop3A_170 : vector<16xi32>
        %parallel_loop3A_172 = tpu.vector_load_idx %arg7[%parallel_loop3A_171] : memref<2560xf32, #tpu.memory_space<vmem>>[vector<16xi32>], vector<16xf32>,
        %parallel_loop3A_173 = arith.cmpf ogt, %parallel_loop3A_117, %parallel_loop3A_172 : vector<16xf32>
        %parallel_loop3A_174 = arith.constant 1 : i32
        %parallel_loop3A_175 = arith.constant 0 : i32
        %parallel_loop3A_176 = vector.broadcast %parallel_loop3A_174 : i32 to vector<16xi32>
        %parallel_loop3A_177 = vector.broadcast %parallel_loop3A_175 : i32 to vector<16xi32>
        %parallel_loop3A_178 = arith.select %parallel_loop3A_173, %parallel_loop3A_176, %parallel_loop3A_177 : vector<16xi1>, vector<16xi32>
        %parallel_loop3A_179 = arith.addi %parallel_loop3A_167, %parallel_loop3A_178 : vector<16xi32>
        %parallel_loop3A_180 = arith.addi %mul3A_14, %parallel_loop3A_179 : vector<16xi32>
        %parallel_loop3A_181 = tpu.vector_load_idx %arg6[%parallel_loop3A_180] : memref<2560xf32, #tpu.memory_space<vmem>>[vector<16xi32>], vector<16xf32>,
        %parallel_loop3A_182 = arith.index_cast %parallel_loop3A_44 : i32 to index
        %parallel_loop3A_183 = arith.constant 16 : index
        %parallel_loop3A_184 = tpu.vector_load %arg9[%parallel_loop3A_182, %parallel_loop3A_183] {strides = array<i32>} : memref<256x80xf32, #tpu.memory_space<vmem>>, vector<16xf32>,
        tpu.vector_store %arg9[%parallel_loop3A_182, %parallel_loop3A_183], %parallel_loop3A_181 {strides = array<i32>} : memref<256x80xf32, #tpu.memory_space<vmem>>, vector<16xf32>,
        %parallel_loop3A_185 = arith.index_cast %parallel_loop3A_44 : i32 to index
        %parallel_loop3A_186 = arith.constant 32 : index
        %parallel_loop3A_187 = tpu.vector_load %arg8[%parallel_loop3A_185, %parallel_loop3A_186] {strides = array<i32>} : memref<256x80xf32, #tpu.memory_space<vmem>>, vector<16xf32>,
        %parallel_loop3A_188 = arith.constant 0 : i32
        %parallel_loop3A_189 = vector.broadcast %parallel_loop3A_188 : i32 to vector<16xi32>
        %parallel_loop3A_190 = arith.addi %mul3A_20, %parallel_loop3A_189 : vector<16xi32>
        %parallel_loop3A_191 = arith.constant 15 : i32
        %parallel_loop3A_192 = vector.broadcast %parallel_loop3A_191 : i32 to vector<16xi32>
        %parallel_loop3A_193 = arith.addi %parallel_loop3A_190, %parallel_loop3A_192 : vector<16xi32>
        %parallel_loop3A_194 = tpu.vector_load_idx %arg7[%parallel_loop3A_193] : memref<2560xf32, #tpu.memory_space<vmem>>[vector<16xi32>], vector<16xf32>,
        %parallel_loop3A_195 = arith.cmpf ogt, %parallel_loop3A_187, %parallel_loop3A_194 : vector<16xf32>
        %parallel_loop3A_196 = arith.constant 16 : i32
        %parallel_loop3A_197 = arith.constant 0 : i32
        %parallel_loop3A_198 = vector.broadcast %parallel_loop3A_196 : i32 to vector<16xi32>
        %parallel_loop3A_199 = vector.broadcast %parallel_loop3A_197 : i32 to vector<16xi32>
        %parallel_loop3A_200 = arith.select %parallel_loop3A_195, %parallel_loop3A_198, %parallel_loop3A_199 : vector<16xi1>, vector<16xi32>
        %parallel_loop3A_201 = arith.addi %parallel_loop3A_189, %parallel_loop3A_200 : vector<16xi32>
        %parallel_loop3A_202 = arith.addi %mul3A_20, %parallel_loop3A_201 : vector<16xi32>
        %parallel_loop3A_203 = arith.constant 7 : i32
        %parallel_loop3A_204 = vector.broadcast %parallel_loop3A_203 : i32 to vector<16xi32>
        %parallel_loop3A_205 = arith.addi %parallel_loop3A_202, %parallel_loop3A_204 : vector<16xi32>
        %parallel_loop3A_206 = tpu.vector_load_idx %arg7[%parallel_loop3A_205] : memref<2560xf32, #tpu.memory_space<vmem>>[vector<16xi32>], vector<16xf32>,
        %parallel_loop3A_207 = arith.cmpf ogt, %parallel_loop3A_187, %parallel_loop3A_206 : vector<16xf32>
        %parallel_loop3A_208 = arith.constant 8 : i32
        %parallel_loop3A_209 = arith.constant 0 : i32
        %parallel_loop3A_210 = vector.broadcast %parallel_loop3A_208 : i32 to vector<16xi32>
        %parallel_loop3A_211 = vector.broadcast %parallel_loop3A_209 : i32 to vector<16xi32>
        %parallel_loop3A_212 = arith.select %parallel_loop3A_207, %parallel_loop3A_210, %parallel_loop3A_211 : vector<16xi1>, vector<16xi32>
        %parallel_loop3A_213 = arith.addi %parallel_loop3A_201, %parallel_loop3A_212 : vector<16xi32>
        %parallel_loop3A_214 = arith.addi %mul3A_20, %parallel_loop3A_213 : vector<16xi32>
        %parallel_loop3A_215 = arith.constant 3 : i32
        %parallel_loop3A_216 = vector.broadcast %parallel_loop3A_215 : i32 to vector<16xi32>
        %parallel_loop3A_217 = arith.addi %parallel_loop3A_214, %parallel_loop3A_216 : vector<16xi32>
        %parallel_loop3A_218 = tpu.vector_load_idx %arg7[%parallel_loop3A_217] : memref<2560xf32, #tpu.memory_space<vmem>>[vector<16xi32>], vector<16xf32>,
        %parallel_loop3A_219 = arith.cmpf ogt, %parallel_loop3A_187, %parallel_loop3A_218 : vector<16xf32>
        %parallel_loop3A_220 = arith.constant 4 : i32
        %parallel_loop3A_221 = arith.constant 0 : i32
        %parallel_loop3A_222 = vector.broadcast %parallel_loop3A_220 : i32 to vector<16xi32>
        %parallel_loop3A_223 = vector.broadcast %parallel_loop3A_221 : i32 to vector<16xi32>
        %parallel_loop3A_224 = arith.select %parallel_loop3A_219, %parallel_loop3A_222, %parallel_loop3A_223 : vector<16xi1>, vector<16xi32>
        %parallel_loop3A_225 = arith.addi %parallel_loop3A_213, %parallel_loop3A_224 : vector<16xi32>
        %parallel_loop3A_226 = arith.addi %mul3A_20, %parallel_loop3A_225 : vector<16xi32>
        %parallel_loop3A_227 = arith.constant 1 : i32
        %parallel_loop3A_228 = vector.broadcast %parallel_loop3A_227 : i32 to vector<16xi32>
        %parallel_loop3A_229 = arith.addi %parallel_loop3A_226, %parallel_loop3A_228 : vector<16xi32>
        %parallel_loop3A_230 = tpu.vector_load_idx %arg7[%parallel_loop3A_229] : memref<2560xf32, #tpu.memory_space<vmem>>[vector<16xi32>], vector<16xf32>,
        %parallel_loop3A_231 = arith.cmpf ogt, %parallel_loop3A_187, %parallel_loop3A_230 : vector<16xf32>
        %parallel_loop3A_232 = arith.constant 2 : i32
        %parallel_loop3A_233 = arith.constant 0 : i32
        %parallel_loop3A_234 = vector.broadcast %parallel_loop3A_232 : i32 to vector<16xi32>
        %parallel_loop3A_235 = vector.broadcast %parallel_loop3A_233 : i32 to vector<16xi32>
        %parallel_loop3A_236 = arith.select %parallel_loop3A_231, %parallel_loop3A_234, %parallel_loop3A_235 : vector<16xi1>, vector<16xi32>
        %parallel_loop3A_237 = arith.addi %parallel_loop3A_225, %parallel_loop3A_236 : vector<16xi32>
        %parallel_loop3A_238 = arith.addi %mul3A_20, %parallel_loop3A_237 : vector<16xi32>
        %parallel_loop3A_239 = arith.constant 0 : i32
        %parallel_loop3A_240 = vector.broadcast %parallel_loop3A_239 : i32 to vector<16xi32>
        %parallel_loop3A_241 = arith.addi %parallel_loop3A_238, %parallel_loop3A_240 : vector<16xi32>
        %parallel_loop3A_242 = tpu.vector_load_idx %arg7[%parallel_loop3A_241] : memref<2560xf32, #tpu.memory_space<vmem>>[vector<16xi32>], vector<16xf32>,
        %parallel_loop3A_243 = arith.cmpf ogt, %parallel_loop3A_187, %parallel_loop3A_242 : vector<16xf32>
        %parallel_loop3A_244 = arith.constant 1 : i32
        %parallel_loop3A_245 = arith.constant 0 : i32
        %parallel_loop3A_246 = vector.broadcast %parallel_loop3A_244 : i32 to vector<16xi32>
        %parallel_loop3A_247 = vector.broadcast %parallel_loop3A_245 : i32 to vector<16xi32>
        %parallel_loop3A_248 = arith.select %parallel_loop3A_243, %parallel_loop3A_246, %parallel_loop3A_247 : vector<16xi1>, vector<16xi32>
        %parallel_loop3A_249 = arith.addi %parallel_loop3A_237, %parallel_loop3A_248 : vector<16xi32>
        %parallel_loop3A_250 = arith.addi %mul3A_20, %parallel_loop3A_249 : vector<16xi32>
        %parallel_loop3A_251 = tpu.vector_load_idx %arg6[%parallel_loop3A_250] : memref<2560xf32, #tpu.memory_space<vmem>>[vector<16xi32>], vector<16xf32>,
        %parallel_loop3A_252 = arith.index_cast %parallel_loop3A_44 : i32 to index
        %parallel_loop3A_253 = arith.constant 32 : index
        %parallel_loop3A_254 = tpu.vector_load %arg9[%parallel_loop3A_252, %parallel_loop3A_253] {strides = array<i32>} : memref<256x80xf32, #tpu.memory_space<vmem>>, vector<16xf32>,
        tpu.vector_store %arg9[%parallel_loop3A_252, %parallel_loop3A_253], %parallel_loop3A_251 {strides = array<i32>} : memref<256x80xf32, #tpu.memory_space<vmem>>, vector<16xf32>,
        %parallel_loop3A_255 = arith.index_cast %parallel_loop3A_44 : i32 to index
        %parallel_loop3A_256 = arith.constant 48 : index
        %parallel_loop3A_257 = tpu.vector_load %arg8[%parallel_loop3A_255, %parallel_loop3A_256] {strides = array<i32>} : memref<256x80xf32, #tpu.memory_space<vmem>>, vector<16xf32>,
        %parallel_loop3A_258 = arith.constant 0 : i32
        %parallel_loop3A_259 = vector.broadcast %parallel_loop3A_258 : i32 to vector<16xi32>
        %parallel_loop3A_260 = arith.addi %mul3A_26, %parallel_loop3A_259 : vector<16xi32>
        %parallel_loop3A_261 = arith.constant 15 : i32
        %parallel_loop3A_262 = vector.broadcast %parallel_loop3A_261 : i32 to vector<16xi32>
        %parallel_loop3A_263 = arith.addi %parallel_loop3A_260, %parallel_loop3A_262 : vector<16xi32>
        %parallel_loop3A_264 = tpu.vector_load_idx %arg7[%parallel_loop3A_263] : memref<2560xf32, #tpu.memory_space<vmem>>[vector<16xi32>], vector<16xf32>,
        %parallel_loop3A_265 = arith.cmpf ogt, %parallel_loop3A_257, %parallel_loop3A_264 : vector<16xf32>
        %parallel_loop3A_266 = arith.constant 16 : i32
        %parallel_loop3A_267 = arith.constant 0 : i32
        %parallel_loop3A_268 = vector.broadcast %parallel_loop3A_266 : i32 to vector<16xi32>
        %parallel_loop3A_269 = vector.broadcast %parallel_loop3A_267 : i32 to vector<16xi32>
        %parallel_loop3A_270 = arith.select %parallel_loop3A_265, %parallel_loop3A_268, %parallel_loop3A_269 : vector<16xi1>, vector<16xi32>
        %parallel_loop3A_271 = arith.addi %parallel_loop3A_259, %parallel_loop3A_270 : vector<16xi32>
        %parallel_loop3A_272 = arith.addi %mul3A_26, %parallel_loop3A_271 : vector<16xi32>
        %parallel_loop3A_273 = arith.constant 7 : i32
        %parallel_loop3A_274 = vector.broadcast %parallel_loop3A_273 : i32 to vector<16xi32>
        %parallel_loop3A_275 = arith.addi %parallel_loop3A_272, %parallel_loop3A_274 : vector<16xi32>
        %parallel_loop3A_276 = tpu.vector_load_idx %arg7[%parallel_loop3A_275] : memref<2560xf32, #tpu.memory_space<vmem>>[vector<16xi32>], vector<16xf32>,
        %parallel_loop3A_277 = arith.cmpf ogt, %parallel_loop3A_257, %parallel_loop3A_276 : vector<16xf32>
        %parallel_loop3A_278 = arith.constant 8 : i32
        %parallel_loop3A_279 = arith.constant 0 : i32
        %parallel_loop3A_280 = vector.broadcast %parallel_loop3A_278 : i32 to vector<16xi32>
        %parallel_loop3A_281 = vector.broadcast %parallel_loop3A_279 : i32 to vector<16xi32>
        %parallel_loop3A_282 = arith.select %parallel_loop3A_277, %parallel_loop3A_280, %parallel_loop3A_281 : vector<16xi1>, vector<16xi32>
        %parallel_loop3A_283 = arith.addi %parallel_loop3A_271, %parallel_loop3A_282 : vector<16xi32>
        %parallel_loop3A_284 = arith.addi %mul3A_26, %parallel_loop3A_283 : vector<16xi32>
        %parallel_loop3A_285 = arith.constant 3 : i32
        %parallel_loop3A_286 = vector.broadcast %parallel_loop3A_285 : i32 to vector<16xi32>
        %parallel_loop3A_287 = arith.addi %parallel_loop3A_284, %parallel_loop3A_286 : vector<16xi32>
        %parallel_loop3A_288 = tpu.vector_load_idx %arg7[%parallel_loop3A_287] : memref<2560xf32, #tpu.memory_space<vmem>>[vector<16xi32>], vector<16xf32>,
        %parallel_loop3A_289 = arith.cmpf ogt, %parallel_loop3A_257, %parallel_loop3A_288 : vector<16xf32>
        %parallel_loop3A_290 = arith.constant 4 : i32
        %parallel_loop3A_291 = arith.constant 0 : i32
        %parallel_loop3A_292 = vector.broadcast %parallel_loop3A_290 : i32 to vector<16xi32>
        %parallel_loop3A_293 = vector.broadcast %parallel_loop3A_291 : i32 to vector<16xi32>
        %parallel_loop3A_294 = arith.select %parallel_loop3A_289, %parallel_loop3A_292, %parallel_loop3A_293 : vector<16xi1>, vector<16xi32>
        %parallel_loop3A_295 = arith.addi %parallel_loop3A_283, %parallel_loop3A_294 : vector<16xi32>
        %parallel_loop3A_296 = arith.addi %mul3A_26, %parallel_loop3A_295 : vector<16xi32>
        %parallel_loop3A_297 = arith.constant 1 : i32
        %parallel_loop3A_298 = vector.broadcast %parallel_loop3A_297 : i32 to vector<16xi32>
        %parallel_loop3A_299 = arith.addi %parallel_loop3A_296, %parallel_loop3A_298 : vector<16xi32>
        %parallel_loop3A_300 = tpu.vector_load_idx %arg7[%parallel_loop3A_299] : memref<2560xf32, #tpu.memory_space<vmem>>[vector<16xi32>], vector<16xf32>,
        %parallel_loop3A_301 = arith.cmpf ogt, %parallel_loop3A_257, %parallel_loop3A_300 : vector<16xf32>
        %parallel_loop3A_302 = arith.constant 2 : i32
        %parallel_loop3A_303 = arith.constant 0 : i32
        %parallel_loop3A_304 = vector.broadcast %parallel_loop3A_302 : i32 to vector<16xi32>
        %parallel_loop3A_305 = vector.broadcast %parallel_loop3A_303 : i32 to vector<16xi32>
        %parallel_loop3A_306 = arith.select %parallel_loop3A_301, %parallel_loop3A_304, %parallel_loop3A_305 : vector<16xi1>, vector<16xi32>
        %parallel_loop3A_307 = arith.addi %parallel_loop3A_295, %parallel_loop3A_306 : vector<16xi32>
        %parallel_loop3A_308 = arith.addi %mul3A_26, %parallel_loop3A_307 : vector<16xi32>
        %parallel_loop3A_309 = arith.constant 0 : i32
        %parallel_loop3A_310 = vector.broadcast %parallel_loop3A_309 : i32 to vector<16xi32>
        %parallel_loop3A_311 = arith.addi %parallel_loop3A_308, %parallel_loop3A_310 : vector<16xi32>
        %parallel_loop3A_312 = tpu.vector_load_idx %arg7[%parallel_loop3A_311] : memref<2560xf32, #tpu.memory_space<vmem>>[vector<16xi32>], vector<16xf32>,
        %parallel_loop3A_313 = arith.cmpf ogt, %parallel_loop3A_257, %parallel_loop3A_312 : vector<16xf32>
        %parallel_loop3A_314 = arith.constant 1 : i32
        %parallel_loop3A_315 = arith.constant 0 : i32
        %parallel_loop3A_316 = vector.broadcast %parallel_loop3A_314 : i32 to vector<16xi32>
        %parallel_loop3A_317 = vector.broadcast %parallel_loop3A_315 : i32 to vector<16xi32>
        %parallel_loop3A_318 = arith.select %parallel_loop3A_313, %parallel_loop3A_316, %parallel_loop3A_317 : vector<16xi1>, vector<16xi32>
        %parallel_loop3A_319 = arith.addi %parallel_loop3A_307, %parallel_loop3A_318 : vector<16xi32>
        %parallel_loop3A_320 = arith.addi %mul3A_26, %parallel_loop3A_319 : vector<16xi32>
        %parallel_loop3A_321 = tpu.vector_load_idx %arg6[%parallel_loop3A_320] : memref<2560xf32, #tpu.memory_space<vmem>>[vector<16xi32>], vector<16xf32>,
        %parallel_loop3A_322 = arith.index_cast %parallel_loop3A_44 : i32 to index
        %parallel_loop3A_323 = arith.constant 48 : index
        %parallel_loop3A_324 = tpu.vector_load %arg9[%parallel_loop3A_322, %parallel_loop3A_323] {strides = array<i32>} : memref<256x80xf32, #tpu.memory_space<vmem>>, vector<16xf32>,
        tpu.vector_store %arg9[%parallel_loop3A_322, %parallel_loop3A_323], %parallel_loop3A_321 {strides = array<i32>} : memref<256x80xf32, #tpu.memory_space<vmem>>, vector<16xf32>,
        %parallel_loop3A_325 = arith.index_cast %parallel_loop3A_44 : i32 to index
        %parallel_loop3A_326 = arith.constant 64 : index
        %parallel_loop3A_327 = tpu.vector_load %arg8[%parallel_loop3A_325, %parallel_loop3A_326] {strides = array<i32>} : memref<256x80xf32, #tpu.memory_space<vmem>>, vector<16xf32>,
        %parallel_loop3A_328 = arith.constant 0 : i32
        %parallel_loop3A_329 = vector.broadcast %parallel_loop3A_328 : i32 to vector<16xi32>
        %parallel_loop3A_330 = arith.addi %mul3A_32, %parallel_loop3A_329 : vector<16xi32>
        %parallel_loop3A_331 = arith.constant 15 : i32
        %parallel_loop3A_332 = vector.broadcast %parallel_loop3A_331 : i32 to vector<16xi32>
        %parallel_loop3A_333 = arith.addi %parallel_loop3A_330, %parallel_loop3A_332 : vector<16xi32>
        %parallel_loop3A_334 = tpu.vector_load_idx %arg7[%parallel_loop3A_333] : memref<2560xf32, #tpu.memory_space<vmem>>[vector<16xi32>], vector<16xf32>,
        %parallel_loop3A_335 = arith.cmpf ogt, %parallel_loop3A_327, %parallel_loop3A_334 : vector<16xf32>
        %parallel_loop3A_336 = arith.constant 16 : i32
        %parallel_loop3A_337 = arith.constant 0 : i32
        %parallel_loop3A_338 = vector.broadcast %parallel_loop3A_336 : i32 to vector<16xi32>
        %parallel_loop3A_339 = vector.broadcast %parallel_loop3A_337 : i32 to vector<16xi32>
        %parallel_loop3A_340 = arith.select %parallel_loop3A_335, %parallel_loop3A_338, %parallel_loop3A_339 : vector<16xi1>, vector<16xi32>
        %parallel_loop3A_341 = arith.addi %parallel_loop3A_329, %parallel_loop3A_340 : vector<16xi32>
        %parallel_loop3A_342 = arith.addi %mul3A_32, %parallel_loop3A_341 : vector<16xi32>
        %parallel_loop3A_343 = arith.constant 7 : i32
        %parallel_loop3A_344 = vector.broadcast %parallel_loop3A_343 : i32 to vector<16xi32>
        %parallel_loop3A_345 = arith.addi %parallel_loop3A_342, %parallel_loop3A_344 : vector<16xi32>
        %parallel_loop3A_346 = tpu.vector_load_idx %arg7[%parallel_loop3A_345] : memref<2560xf32, #tpu.memory_space<vmem>>[vector<16xi32>], vector<16xf32>,
        %parallel_loop3A_347 = arith.cmpf ogt, %parallel_loop3A_327, %parallel_loop3A_346 : vector<16xf32>
        %parallel_loop3A_348 = arith.constant 8 : i32
        %parallel_loop3A_349 = arith.constant 0 : i32
        %parallel_loop3A_350 = vector.broadcast %parallel_loop3A_348 : i32 to vector<16xi32>
        %parallel_loop3A_351 = vector.broadcast %parallel_loop3A_349 : i32 to vector<16xi32>
        %parallel_loop3A_352 = arith.select %parallel_loop3A_347, %parallel_loop3A_350, %parallel_loop3A_351 : vector<16xi1>, vector<16xi32>
        %parallel_loop3A_353 = arith.addi %parallel_loop3A_341, %parallel_loop3A_352 : vector<16xi32>
        %parallel_loop3A_354 = arith.addi %mul3A_32, %parallel_loop3A_353 : vector<16xi32>
        %parallel_loop3A_355 = arith.constant 3 : i32
        %parallel_loop3A_356 = vector.broadcast %parallel_loop3A_355 : i32 to vector<16xi32>
        %parallel_loop3A_357 = arith.addi %parallel_loop3A_354, %parallel_loop3A_356 : vector<16xi32>
        %parallel_loop3A_358 = tpu.vector_load_idx %arg7[%parallel_loop3A_357] : memref<2560xf32, #tpu.memory_space<vmem>>[vector<16xi32>], vector<16xf32>,
        %parallel_loop3A_359 = arith.cmpf ogt, %parallel_loop3A_327, %parallel_loop3A_358 : vector<16xf32>
        %parallel_loop3A_360 = arith.constant 4 : i32
        %parallel_loop3A_361 = arith.constant 0 : i32
        %parallel_loop3A_362 = vector.broadcast %parallel_loop3A_360 : i32 to vector<16xi32>
        %parallel_loop3A_363 = vector.broadcast %parallel_loop3A_361 : i32 to vector<16xi32>
        %parallel_loop3A_364 = arith.select %parallel_loop3A_359, %parallel_loop3A_362, %parallel_loop3A_363 : vector<16xi1>, vector<16xi32>
        %parallel_loop3A_365 = arith.addi %parallel_loop3A_353, %parallel_loop3A_364 : vector<16xi32>
        %parallel_loop3A_366 = arith.addi %mul3A_32, %parallel_loop3A_365 : vector<16xi32>
        %parallel_loop3A_367 = arith.constant 1 : i32
        %parallel_loop3A_368 = vector.broadcast %parallel_loop3A_367 : i32 to vector<16xi32>
        %parallel_loop3A_369 = arith.addi %parallel_loop3A_366, %parallel_loop3A_368 : vector<16xi32>
        %parallel_loop3A_370 = tpu.vector_load_idx %arg7[%parallel_loop3A_369] : memref<2560xf32, #tpu.memory_space<vmem>>[vector<16xi32>], vector<16xf32>,
        %parallel_loop3A_371 = arith.cmpf ogt, %parallel_loop3A_327, %parallel_loop3A_370 : vector<16xf32>
        %parallel_loop3A_372 = arith.constant 2 : i32
        %parallel_loop3A_373 = arith.constant 0 : i32
        %parallel_loop3A_374 = vector.broadcast %parallel_loop3A_372 : i32 to vector<16xi32>
        %parallel_loop3A_375 = vector.broadcast %parallel_loop3A_373 : i32 to vector<16xi32>
        %parallel_loop3A_376 = arith.select %parallel_loop3A_371, %parallel_loop3A_374, %parallel_loop3A_375 : vector<16xi1>, vector<16xi32>
        %parallel_loop3A_377 = arith.addi %parallel_loop3A_365, %parallel_loop3A_376 : vector<16xi32>
        %parallel_loop3A_378 = arith.addi %mul3A_32, %parallel_loop3A_377 : vector<16xi32>
        %parallel_loop3A_379 = arith.constant 0 : i32
        %parallel_loop3A_380 = vector.broadcast %parallel_loop3A_379 : i32 to vector<16xi32>
        %parallel_loop3A_381 = arith.addi %parallel_loop3A_378, %parallel_loop3A_380 : vector<16xi32>
        %parallel_loop3A_382 = tpu.vector_load_idx %arg7[%parallel_loop3A_381] : memref<2560xf32, #tpu.memory_space<vmem>>[vector<16xi32>], vector<16xf32>,
        %parallel_loop3A_383 = arith.cmpf ogt, %parallel_loop3A_327, %parallel_loop3A_382 : vector<16xf32>
        %parallel_loop3A_384 = arith.constant 1 : i32
        %parallel_loop3A_385 = arith.constant 0 : i32
        %parallel_loop3A_386 = vector.broadcast %parallel_loop3A_384 : i32 to vector<16xi32>
        %parallel_loop3A_387 = vector.broadcast %parallel_loop3A_385 : i32 to vector<16xi32>
        %parallel_loop3A_388 = arith.select %parallel_loop3A_383, %parallel_loop3A_386, %parallel_loop3A_387 : vector<16xi1>, vector<16xi32>
        %parallel_loop3A_389 = arith.addi %parallel_loop3A_377, %parallel_loop3A_388 : vector<16xi32>
        %parallel_loop3A_390 = arith.addi %mul3A_32, %parallel_loop3A_389 : vector<16xi32>
        %parallel_loop3A_391 = tpu.vector_load_idx %arg6[%parallel_loop3A_390] : memref<2560xf32, #tpu.memory_space<vmem>>[vector<16xi32>], vector<16xf32>,
        %parallel_loop3A_392 = arith.index_cast %parallel_loop3A_44 : i32 to index
        %parallel_loop3A_393 = arith.constant 64 : index
        %parallel_loop3A_394 = tpu.vector_load %arg9[%parallel_loop3A_392, %parallel_loop3A_393] {strides = array<i32>} : memref<256x80xf32, #tpu.memory_space<vmem>>, vector<16xf32>,
        tpu.vector_store %arg9[%parallel_loop3A_392, %parallel_loop3A_393], %parallel_loop3A_391 {strides = array<i32>} : memref<256x80xf32, #tpu.memory_space<vmem>>, vector<16xf32>,
      } {sc.loop_unroll_factor = 4 : i64, sc.parallel_access}
      "tpu.region"() ({
        %run_scoped3A = tpu.sem_alloc : memref<!tpu.dma_semaphore, #tpu.memory_space<semaphore_mem>>
        %dma_start3A = arith.constant 0 : i32
        %dma_start3A_44 = tpu.memref_slice %arg5[%add3A_41, %dma_start3A] : memref<32768x80xf32, #tpu.memory_space<hbm>> -> memref<256x80xf32, #tpu.memory_space<hbm>>
        %dma_start3A_45 = arith.constant 0 : i32
        %dma_start3A_46 = tpu.memref_slice %arg5[%add3A_41, %dma_start3A_45] : memref<32768x80xf32, #tpu.memory_space<hbm>> -> memref<256x80xf32, #tpu.memory_space<hbm>>
        tpu.enqueue_dma source(%arg9 : memref<256x80xf32, #tpu.memory_space<vmem>>) target(%dma_start3A_46 : memref<256x80xf32, #tpu.memory_space<hbm>>) target_semaphore(%run_scoped3A : memref<!tpu.dma_semaphore, #tpu.memory_space<semaphore_mem>>)
        %dma_wait3A = arith.constant 0 : i32
        %dma_wait3A_47 = tpu.memref_slice %arg5[%add3A_41, %dma_wait3A] : memref<32768x80xf32, #tpu.memory_space<hbm>> -> memref<256x80xf32, #tpu.memory_space<hbm>>
        %dma_wait3A_48 = arith.constant 0 : i32
        %dma_wait3A_49 = tpu.memref_slice %arg5[%add3A_41, %dma_wait3A_48] : memref<32768x80xf32, #tpu.memory_space<hbm>> -> memref<256x80xf32, #tpu.memory_space<hbm>>
        tpu.wait_dma2 semaphore(%run_scoped3A : memref<!tpu.dma_semaphore, #tpu.memory_space<semaphore_mem>>) src(%arg9 : memref<256x80xf32, #tpu.memory_space<vmem>>) dst(%dma_wait3A_49 : memref<256x80xf32, #tpu.memory_space<hbm>>)
        tpu.yield
      }) : () -> ()
    }
    %scan3A_37 = arith.constant 4 : i32
    return
  }
}

module attributes {stable_mosaic.version = 14 : i64} {
  func.func @_prep_kernel(%arg0: memref<80x32xf32, #tpu.memory_space<vmem>>, %arg1: memref<80x32xf32, #tpu.memory_space<vmem>>, %arg2: memref<80x32xf32, #tpu.memory_space<vmem>>) attributes {dimension_semantics = [], scalar_prefetch = 0 : i64, scratch_operands = 0 : i64, tpu.core_type = #tpu.core_type<tc>} {
    %get3A = arith.constant 0 : index
    %get3A_0 = arith.constant 0 : index
    %get3A_1 = vector.load %arg0[%get3A, %get3A_0] : memref<80x32xf32, #tpu.memory_space<vmem>>, vector<80x32xf32>
    %broadcast_in_dim3A = vector.shape_cast %get3A_1 : vector<80x32xf32> to vector<80x32x1xf32>
    %broadcast_in_dim3A_2 = vector.shape_cast %get3A_1 : vector<80x32xf32> to vector<80x1x32xf32>
    %iota3A = tpu.iota {dimensions = array<i32: 1>} : vector<1x32x32xi32>
    %iota3A_3 = tpu.iota {dimensions = array<i32: 2>} : vector<1x32x32xi32>
    %lt3A = vector.broadcast %broadcast_in_dim3A_2 : vector<80x1x32xf32> to vector<80x32x32xf32>
    %lt3A_4 = vector.broadcast %broadcast_in_dim3A : vector<80x32x1xf32> to vector<80x32x32xf32>
    %lt3A_5 = arith.cmpf olt, %lt3A, %lt3A_4 : vector<80x32x32xf32>
    %eq3A = vector.broadcast %broadcast_in_dim3A_2 : vector<80x1x32xf32> to vector<80x32x32xf32>
    %eq3A_6 = vector.broadcast %broadcast_in_dim3A : vector<80x32x1xf32> to vector<80x32x32xf32>
    %eq3A_7 = arith.cmpf oeq, %eq3A, %eq3A_6 : vector<80x32x32xf32>
    %lt3A_8 = arith.cmpi slt, %iota3A_3, %iota3A : vector<1x32x32xi32>
    %and3A = vector.broadcast %lt3A_8 : vector<1x32x32xi1> to vector<80x32x32xi1>
    %and3A_9 = arith.andi %eq3A_7, %and3A : vector<80x32x32xi1>
    %or3A = arith.ori %lt3A_5, %and3A_9 : vector<80x32x32xi1>
    %jit3A = arith.constant 1 : i32
    %jit3A_10 = arith.constant 0 : i32
    %broadcast_in_dim3A_11 = vector.broadcast %jit3A : i32 to vector<80x32x32xi32>
    %broadcast_in_dim3A_12 = vector.broadcast %jit3A_10 : i32 to vector<80x32x32xi32>
    %select_n3A = arith.select %or3A, %broadcast_in_dim3A_11, %broadcast_in_dim3A_12 : vector<80x32x32xi1>, vector<80x32x32xi32>
    %reduce_sum3A = arith.constant dense<0> : vector<80x32xi32>
    %reduce_sum3A_13 = vector.multi_reduction <add>, %select_n3A, %reduce_sum3A [2] : vector<80x32x32xi32> to vector<80x32xi32>
    %iota3A_14 = tpu.iota {dimensions = array<i32: 1>} : vector<1x32x32xi32>
    %broadcast_in_dim3A_15 = vector.shape_cast %reduce_sum3A_13 : vector<80x32xi32> to vector<80x1x32xi32>
    %eq3A_16 = vector.broadcast %broadcast_in_dim3A_15 : vector<80x1x32xi32> to vector<80x32x32xi32>
    %eq3A_17 = vector.broadcast %iota3A_14 : vector<1x32x32xi32> to vector<80x32x32xi32>
    %eq3A_18 = arith.cmpi eq, %eq3A_16, %eq3A_17 : vector<80x32x32xi32>
    %convert_element_type3A = arith.extui %eq3A_18 : vector<80x32x32xi1> to vector<80x32x32xi32>
    %convert_element_type3A_19 = arith.sitofp %convert_element_type3A : vector<80x32x32xi32> to vector<80x32x32xf32>
    %broadcast_in_dim3A_20 = vector.shape_cast %get3A_1 : vector<80x32xf32> to vector<80x1x32xf32>
    %mul3A = vector.broadcast %broadcast_in_dim3A_20 : vector<80x1x32xf32> to vector<80x32x32xf32>
    %mul3A_21 = arith.mulf %convert_element_type3A_19, %mul3A : vector<80x32x32xf32>
    %reduce_sum3A_22 = arith.constant dense<0.000000e+00> : vector<80x32xf32>
    %reduce_sum3A_23 = vector.multi_reduction <add>, %mul3A_21, %reduce_sum3A_22 [2] : vector<80x32x32xf32> to vector<80x32xf32>
    %slice3A = vector.extract_strided_slice %reduce_sum3A_23 {offsets = [0, 1], sizes = [80, 31], strides = [1, 1]} : vector<80x32xf32> to vector<80x31xf32>
    %slice3A_24 = vector.extract_strided_slice %reduce_sum3A_23 {offsets = [0, 31], sizes = [80, 1], strides = [1, 1]} : vector<80x32xf32> to vector<80x1xf32>
    %concatenate3A = tpu.concatenate %slice3A, %slice3A_24 in 1 : vector<80x31xf32>, vector<80x1xf32> -> vector<80x32xf32>
    %swap3A = arith.constant 0 : index
    %swap3A_25 = arith.constant 0 : index
    %swap3A_26 = vector.load %arg1[%swap3A, %swap3A_25] : memref<80x32xf32, #tpu.memory_space<vmem>>, vector<80x32xf32>
    tpu.vector_store %arg1[%swap3A, %swap3A_25], %reduce_sum3A_23 {strides = array<i32>} : memref<80x32xf32, #tpu.memory_space<vmem>>, vector<80x32xf32>,
    %add3A = arith.addf %reduce_sum3A_23, %concatenate3A : vector<80x32xf32>
    %mul3A_27 = arith.constant 5.000000e-01 : f32
    %mul3A_28 = vector.broadcast %mul3A_27 : f32 to vector<80x32xf32>
    %mul3A_29 = arith.mulf %mul3A_28, %add3A : vector<80x32xf32>
    %swap3A_30 = arith.constant 0 : index
    %swap3A_31 = arith.constant 0 : index
    %swap3A_32 = vector.load %arg2[%swap3A_30, %swap3A_31] : memref<80x32xf32, #tpu.memory_space<vmem>>, vector<80x32xf32>
    tpu.vector_store %arg2[%swap3A_30, %swap3A_31], %mul3A_29 {strides = array<i32>} : memref<80x32xf32, #tpu.memory_space<vmem>>, vector<80x32xf32>,
    return
  }
}

</mosaic_0001>

<sc_bundles>
// kernel: kernel.4.cloned.1.call-start
scs
__scs_entry_jumppad:
0x0: {  	(pc) =	sbr.rel $0x88, $3  }
0x1: {  	(tag) =	ssettag $0x0;
	lr =	simm.s32 $0x1  }
0x2: {  	[smem:$0x3F9F] =	sst lr;
	_ =	strace $0xD0000000  }
0x3: {  	_ = 	snop  }
0x4: {  	_ = 	snop  }
0x5: {  	_ = 	snop  }
0x6: {  	_ = 	snop  }
0x7: {  	_ = 	snop  }
__scs_overlays_trampoline_lowered:
0x8: {  	[smem:$0x3FAE] =	sst s0  }
0x9: {  	[smem:$0x3FAF] =	sst s1  }
0xa: {  	[smem:$0x3FB0] =	sst s2  }
0xb: {  	[smem:$0x3FB1] =	sst s3  }
0xc: {  	[smem:$0x3FB2] =	sst s4  }
0xd: {  	[smem:$0x3FB3] =	sst s5  }
0xe: {  	[smem:$0x3FB4] =	sst s6  }
0xf: {  	[smem:$0x3FB5] =	sst s7  }
0x10: {  	[smem:$0x3FB6] =	sst s8  }
0x11: {  	[smem:$0x3FB7] =	sst s9;
	s0 =	simm.s32 @!p0 $0x0  }
0x12: {  	s1 =	sld [smem:$0x3F9D];
	s0 =	simm.s32 @p0 $0x1  }
0x13: {  	[smem:$0x3FB8] =	sst s0;
	s0 =	simm.s32 @!p1 $0x0  }
0x14: {  	s2 =	sld [smem:$0x3F9C];
	s0 =	simm.s32 @p1 $0x1  }
0x15: {  	[smem:$0x3FB9] =	sst s0;
	s0 =	simm.s32 @!p2 $0x0  }
0x16: {  	s3 =	sld [smem:$0x3FDB];
	s0 =	simm.s32 @p2 $0x1  }
0x17: {  	s4 =	simm.s32 $0x1BF5;
	[smem:$0x3FBB] =	sst s0  }
0x18: {  	s0 =	sld [smem:$0x3F9E];
	_ =	swait.ge [sflag:s4], $0x0  }
0x19: {  	s7 =	sld [smem:$0x3F9F]  }
0x1a: {  	s8 =	sadd.s32 $0xFFFFE003, lr  }
0x1b: {  	s9 =	sadd.s32 $0xFFFFFEF7, lr;
	s5 =	simm.s32 $0xFFFFFFFF;
	p2 =	slt.u32 s8, $0xFFFFF086  }
0x1c: {  	p1 =	slt.u32 s9, $0xF7A;
	s5 =	simm.s32 @!p2 $0x0  }
0x1d: {  	s5 =	simm.s32 @p1 $0x1;
	p0 =	seq.s32 s7, s2  }
0x1e: {  	s7 =	smul.u32 @!p0 $0xF7A, s2;
	p2 =	seq.s32 @!p0 s5, $0x0  }
0x1f: {  	s9 =	smul.u32 $0xF7A, s1;
	s8 =	simm.s32 @!p0 $0x1BF5;
	p2 =	por !p2, p0  }
0x20: {  	[sflag:s8] =	ssyncset.s32 @!p0 $0xFFFFF086;
	s6 =	sadd.s32 @!p0 s3, s7;
	s7 =	simm.s32 @!p0 $0x108  }
0x21: {  	s3 =	sadd.s32 s3, s9;
	s6 =	sadd.s32 @!p0 $0x88, s6;
	s7 =	simm.s32 @p2 $0x1082  }
0x22: {  	[simem:s7], [sflag:s8] =	dma.local @!p0 [hbm:s6], $0xF7A  }
0x23: {  	s9 =	sor.u32 $0xD0000000, s2;
	s6 =	simm.s32 $0x108;
	_ =	swait.ge @!p0 [sflag:s8], $0x0  }
0x24: {  	s3 =	sadd.s32 $0x88, s3;
	s6 =	simm.s32 @!p1 $0x1082;
	[sflag:s4] =	ssyncset.s32 $0xFFFFF086  }
0x25: {  	[simem:s6], [sflag:s4] =	dma.local [hbm:s3], $0xF7A  }
0x26: {  	[smem:$0x3F9F] =	sst s1;
	(tag) =	ssettag s2;
	_ =	strace s9  }
0x27: {  	s1 =	sld [smem:$0x3FAF]  }
0x28: {  	s2 =	sld [smem:$0x3FB0]  }
0x29: {  	s4 =	sld [smem:$0x3FB2]  }
0x2a: {  	p0 =	seq.s32 s5, $0x0;
	s5 =	sld [smem:$0x3FB3]  }
0x2b: {  	s6 =	sld [smem:$0x3FB4]  }
0x2c: {  	s7 =	sld [smem:$0x3FB5]  }
0x2d: {  	s3 =	simm.s32 $0x108;
	s8 =	sld [smem:$0x3FB6]  }
0x2e: {  	s3 =	simm.s32 @!p0 $0x1082;
	s9 =	sld [smem:$0x3FB7]  }
0x2f: {  	lr =	sadd.s32 s0, s3;
	s0 =	sld [smem:$0x3FAE]  }
0x30: {  	s3 =	sld [smem:$0x3FB1]  }
0x31: {  	[smem:$0x3FBA] =	sst s10  }
0x32: {  	s10 =	sld [smem:$0x3FB8];
	_ =	sdelay $0x3  }
0x33: {  	p0 =	seq.s32 s10, $0x1;
	s10 =	sld [smem:$0x3FBA];
	_ =	sdelay $0x3  }
0x34: {  	[smem:$0x3FBA] =	sst s10  }
0x35: {  	s10 =	sld [smem:$0x3FB9];
	_ =	sdelay $0x3  }
0x36: {  	p1 =	seq.s32 s10, $0x1;
	s10 =	sld [smem:$0x3FBA];
	_ =	sdelay $0x3  }
0x37: {  	[smem:$0x3FBA] =	sst s10  }
0x38: {  	s10 =	sld [smem:$0x3FBB]  }
0x39: {  	_ = 	snop;
	(pc) =	sbr.ind lr, $3  }
0x3a: {  	_ = 	snop  }
0x3b: {  	_ = 	snop  }
0x3c: {  	p2 =	seq.s32 s10, $0x1;
	s10 =	sld [smem:$0x3FBA]  }
0x3d: {  	_ =	shalt  }
0x3e: {  	_ =	shalt  }
0x3f: {  	_ =	shalt  }
0x40: {  	_ =	shalt  }
0x41: {  	_ =	shalt  }
0x42: {  	_ =	shalt  }
0x43: {  	_ =	shalt  }
0x44: {  	_ =	shalt  }
0x45: {  	_ =	shalt  }
0x46: {  	_ =	shalt  }
0x47: {  	_ =	shalt  }
0x48: {  	_ =	shalt  }
0x49: {  	_ =	shalt  }
0x4a: {  	_ =	shalt  }
0x4b: {  	_ =	shalt  }
0x4c: {  	_ =	shalt  }
0x4d: {  	_ =	shalt  }
0x4e: {  	_ =	shalt  }
0x4f: {  	_ =	shalt  }
0x50: {  	_ =	shalt  }
0x51: {  	_ =	shalt  }
0x52: {  	_ =	shalt  }
0x53: {  	_ =	shalt  }
0x54: {  	_ =	shalt  }
0x55: {  	_ =	shalt  }
0x56: {  	_ =	shalt  }
0x57: {  	_ =	shalt  }
0x58: {  	_ =	shalt  }
0x59: {  	_ =	shalt  }
0x5a: {  	_ =	shalt  }
0x5b: {  	_ =	shalt  }
0x5c: {  	_ =	shalt  }
0x5d: {  	_ =	shalt  }
0x5e: {  	_ =	shalt  }
0x5f: {  	_ =	shalt  }
0x60: {  	_ =	shalt  }
0x61: {  	_ =	shalt  }
0x62: {  	_ =	shalt  }
0x63: {  	_ =	shalt  }
0x64: {  	_ =	shalt  }
0x65: {  	_ =	shalt  }
0x66: {  	_ =	shalt  }
0x67: {  	_ =	shalt  }
0x68: {  	_ =	shalt  }
0x69: {  	_ =	shalt  }
0x6a: {  	_ =	shalt  }
0x6b: {  	_ =	shalt  }
0x6c: {  	_ =	shalt  }
0x6d: {  	_ =	shalt  }
0x6e: {  	_ =	shalt  }
0x6f: {  	_ =	shalt  }
0x70: {  	_ =	shalt  }
0x71: {  	_ =	shalt  }
0x72: {  	_ =	shalt  }
0x73: {  	_ =	shalt  }
0x74: {  	_ =	shalt  }
0x75: {  	_ =	shalt  }
0x76: {  	_ =	shalt  }
0x77: {  	_ =	shalt  }
0x78: {  	_ =	shalt  }
0x79: {  	_ =	shalt  }
0x7a: {  	_ =	shalt  }
0x7b: {  	_ =	shalt  }
0x7c: {  	_ =	shalt  }
0x7d: {  	_ =	shalt  }
0x7e: {  	_ =	shalt  }
0x7f: {  	_ =	shalt  }
0x80: {  	_ =	shalt  }
0x81: {  	_ =	shalt  }
0x82: {  	_ =	shalt  }
0x83: {  	_ =	shalt  }
0x84: {  	_ =	shalt  }
0x85: {  	_ =	shalt  }
0x86: {  	_ =	shalt  }
0x87: {  	_ =	shalt  }
.Lfunc_end0:
.L_simem_size_0:
called_computation_lowered:
.L_overlay_start_0:
0x88: {  	s2 =	sld [smem:$0x3FD9]  }
0x89: {  	s3 =	sld [smem:$0x3FFE];
	_ =	sdelay $0x1  }
0x8a: {  	s1 =	srdreg.scid  }
0x8b: {  	s0 =	sand.u32 $0x1, s1  }
0x8c: {  	s17 =	sshll.u32 s0, $0xA;
	s2 =	sadd.s32 s3, s2  }
0x8d: {  	s2 =	sadd.s32 s2, s17  }
0x8e: {  	[smem:$0x3FC6] =	sst s2  }
0x8f: {  	_ = 	snop  }
0x90: {  	s2 =	sld [smem:$0x3FD0];
	(tm) =	ssettm $0x1  }
0x91: {  	s18 =	sld [smem:$0x3FFB];
	_ =	sdelay $0x3  }
0x92: {  	_ =	strace s18  }
0x93: {  	s3 =	sld [smem:$0x3FFC];
	_ =	sdelay $0x3  }
0x94: {  	_ =	strace s3  }
0x95: {  	s3 =	sld [smem:$0x3FFD];
	_ =	sdelay $0x3  }
0x96: {  	_ =	strace s3  }
0x97: {  	_ =	strace $0x8FFFFFFF  }
0x98: {  	s19 =	sld [smem:$0x3FDB];
	_ =	sdelay $0x1  }
0x99: {  	s4 =	simm.s32 $_scs_section_size  }
0x9a: {  	s5 =	simm.s32 $_size__tile_overlayer_lowered;
	s6 =	simm.s32 $_tile_overlayer_lowered  }
0x9b: {  	s22 =	simm.s32 $0x1BFF;
	s21 =	sshll.u32 s6, $0x1;
	s3 =	sadd.s32 s4, s19  }
0x9c: {  	s7 =	simm.s32 $0x0;
	s20 =	sshll.u32 s5, $0x1;
	s5 =	sadd.s32 s21, s3  }
0x9d: {  	[timem:s7], [sflag:s22] =	dma.local [hbm:s5], s20  }
0x9e: {  	_ =	swait.ge [sflag:s22], s20  }
0x9f: {  	s4 =	ssub.s32 $0x0, s20;
	[sflag:s22] =	ssyncset.done $0x0  }
0xa0: {  	[sflag:s22] =	ssyncadd.s32 s4;
	_ =	sdelay $0x1  }
0xa1: {  	s23 =	simm.s32 $0x1B8B  }
0xa2: {  	_ =	swait.ge [sflag:s23], $0x1  }
0xa3: {  	[sflag:s23] =	ssyncset.done $0x0  }
0xa4: {  	s25 =	simm.s32 $0x1B8E;
	s24 =	sld [smem:$0x3FFE];
	[sflag:s23] =	ssyncadd.s32 $0xFFFFFFFF  }
0xa5: {  	s26 =	simm.s32 $execute0_lowered;
	[smem:$0x3FD2] =	sst s25  }
0xa6: {  	s5 =	sshll.u32 s26, $0x1;
	_ =	strace $0x80000046;
	[dreg:$0x1] =	wrdreg $0xFFFFFFFF  }
0xa7: {  	s28 =	simm.s32 $_size_execute0_lowered;
	s3 =	sadd.s32 s3, s5;
	[dreg:$0x0] =	wrdreg $0x0  }
0xa8: {  	s5 =	sshll.u32 s28, $0x1;
	[dreg:$0x2] =	wrdreg s3  }
0xa9: {  	[dreg:$0x3] =	wrdreg s5  }
0xaa: {  	[dreg:$0x4] =	wrdreg $0xC0  }
0xab: {  	_ =	task [dreg:s7], $0x5FFFF  }
0xac: {  	[dreg:$0x1] =	wrdreg $0xFFFFFFFF  }
0xad: {  	[dreg:$0x0] =	wrdreg $0x60  }
0xae: {  	[dreg:$0x2] =	wrdreg s24  }
0xaf: {  	[dreg:$0x3] =	wrdreg s2  }
0xb0: {  	[dreg:$0x4] =	wrdreg $0x9  }
0xb1: {  	_ =	task.clear_ibuf [dreg:s7], $0x5FFFF;
	_ =	strace $0x90000046  }
0xb2: {  	s29 =	simm.s32 $0x9;
	_ =	strace $0x80000048  }
0xb3: {  	_ =	swait.ge [sflag:s29], $0x1  }
0xb4: {  	[sflag:s29] =	ssyncadd.s32 $0xFFFFFFFF  }
0xb5: {  	_ =	strace $0x90000048  }
0xb6: {  	_ =	sfence  }
0xb7: {  	s30 =	sld [smem:$0x0];
	_ =	sdelay $0x2  }
0xb8: {  	s31 =	sshll.u32 s1, $0xD;
	s1 =	sshrl.u32 s1, $0x2  }
0xb9: {  	s3 =	sand.u32 $0x4000, s31;
	s1 =	sadd.s32 s1, s30  }
0xba: {  	s0 =	sor.u32 s3, s0;
	s1 =	sshll.u32 s1, $0x11  }
0xbb: {  	s0 =	sor.u32 s1, s0  }
0xbc: {  	s0 =	sadd.s32 $0x8F2B, s0  }
0xbd: {  	[sflag:s0] =	ssyncadd.remote.s32 $0x1  }
0xbe: {  	_ =	sfence.sel $0xFFFF  }
0xbf: {  	[dreg:$0x0] =	wrdreg $0xFFFFFFFF;
	(pc) =	sbr.abs _section_cstart, $3  }
0xc0: {  	[dreg:$0x1] =	wrdreg $0xFFFFFFFF  }
0xc1: {  	_ =	task.clear_ibuf [dreg:s7], $0x2FFFF;
	_ =	strace $0x9FFFFFFF  }
0xc2: {  	(tm) =	ssettm $0x7FFFFFFF  }
0xc3: {  	_ =	shalt  }
tec
execute0_lowered:
.L_overlay_start_1:
0x0: {  	(tag) =	ssettag $0x1  }
0x1: {  	v0 =	vlaneseq.u32;
	s6 =	rddreg [dreg:$0x0]  }
0x2: {  	s1 =	rddreg [dreg:$0x1];
	s2 =	simm.s32 $0x0;
	v5 =	vmul.u32 $0x20, v0  }
0x3: {  	[smem:$0x7FF] =	sst s2  }
0x4: {  	s0 =	rddreg [dreg:$0x2];
	_ =	strace $0x80000047;
	v17 =	vor.u32 $0x601, v5;
	[tilespmem:$0x1FF90] =	vst v5  }
0x5: {  	v11 =	vor.u32 $0x600, v5;
	[tilespmem:$0x1FE90] =	vst v17  }
0x6: {  	v16 =	vor.u32 $0x603, v5;
	[tilespmem:$0x1FEA0] =	vst v11  }
0x7: {  	v10 =	vor.u32 $0x80F, v5;
	[tilespmem:$0x1FEB0] =	vst v16  }
0x8: {  	v62 =	vor.u32 $0x807, v5;
	[tilespmem:$0x1FEC0] =	vst v10  }
0x9: {  	v13 =	vor.u32 $0x40F, v5;
	[tilespmem:$0x1FED0] =	vst v62  }
0xa: {  	v14 =	vor.u32 $0x407, v5;
	[tilespmem:$0x1FEE0] =	vst v13  }
0xb: {  	v15 =	vor.u32 $0x403, v5;
	[tilespmem:$0x1FEF0] =	vst v14  }
0xc: {  	v25 =	vor.u32 $0x401, v5;
	[tilespmem:$0x1FF00] =	vst v15  }
0xd: {  	v21 =	vor.u32 $0x400, v5;
	[tilespmem:$0x1FF10] =	vst v25  }
0xe: {  	v59 =	vor.u32 $0x60F, v5;
	[tilespmem:$0x1FF20] =	vst v21  }
0xf: {  	v60 =	vor.u32 $0x607, v5;
	[tilespmem:$0x1FF30] =	vst v59  }
0x10: {  	v61 =	vor.u32 $0x803, v5;
	[tilespmem:$0x1FF40] =	vst v60  }
0x11: {  	v56 =	vor.u32 $0x801, v5;
	[tilespmem:$0x1FF50] =	vst v61  }
0x12: {  	v48 =	vor.u32 $0x800, v5;
	[tilespmem:$0x1FF60] =	vst v56  }
0x13: {  	v19 =	vor.u32 $0x200, v5;
	[tilespmem:$0x1FF70] =	vst v48  }
0x14: {  	v0 =	vor.u32 $0xF, v5;
	[tilespmem:$0x1FF80] =	vst v19  }
0x15: {  	s4 =	srdreg.scid;
	s11 =	simm.s32 $0x1400;
	s12 =	simm.s32 $0x9400;
	v9 =	vor.u32 $0x7, v5;
	[tilespmem:$0x1FFA0] =	vst v0  }
0x16: {  	s13 =	simm.s32 $0x0;
	s3 =	sadd.s32 $0x800, s6;
	s7 =	sand.u32 $0x1, s4;
	v7 =	vor.u32 $0x3, v5;
	[tilespmem:$0x1FFB0] =	vst v9  }
0x17: {  	s5 =	sadd.s32 $0x600, s6;
	s4 =	stileid.u32;
	s8 =	ssub.s32 $0x2, s7;
	v8 =	vor.u32 $0x20F, v5;
	[tilespmem:$0x1FFC0] =	vst v7  }
0x18: {  	s10 =	sshll.u32 s4, $0xF;
	s7 =	sshll.u32 s7, $0xE;
	v12 =	vor.u32 $0x207, v5;
	s9 =	sshrl.u32 s8, $0x1;
	[tilespmem:$0x1FFD0] =	vst v8  }
0x19: {  	s6 =	sadd.s32 $0x80800, s6;
	v18 =	vor.u32 $0x203, v5;
	s7 =	sor.u32 s7, s10;
	s8 =	ssub.s32 s8, s9;
	[tilespmem:$0x1FFE0] =	vst v12  }
0x1a: {  	v2 =	vimm.s32 $0x0;
	v3 =	vor.u32 $0x1, v5;
	v20 =	vor.u32 $0x201, v5;
	s10 =	simm.s32 $0xA00;
	s9 =	simm.s32 $0x1;
	[tilespmem:$0x1FFF0] =	vst v18;
	s8 =	smax.u32 s8, $0x1  }
.LBB2_1:
0x1b: {  	[tilespmem:s2], [sflag:$0x1] =	stream.linear.gather [hbm4b:s1+s2], $0xA00, $0x38;
	[tilespmem:$0x11400] =	vst v63  }
0x1c: {  	_ =	swait.ge [sflag:s9], $0xA00  }
0x1d: {  	[sflag:s9] =	ssyncset.done $0x0  }
0x1e: {  	[sflag:s9] =	ssyncadd.s32 $0xFFFFF600  }
0x1f: {  	[tilespmem:s10], [sflag:$0x1] =	stream.linear.gather [hbm4b:s5+s2], $0xA00, $0x38;
	[tilespmem:$0x11400] =	vst v63  }
0x20: {  	_ =	swait.ge [sflag:s9], $0xA00  }
0x21: {  	[sflag:s9] =	ssyncset.done $0x0  }
0x22: {  	s14 =	simm.s32 $0x0;
	[sflag:s9] =	ssyncadd.s32 $0xFFFFF600  }
.LBB2_2:
0x23: {  	s15 =	sshll.u32 s14, $0xC  }
0x24: {  	s15 =	sadd.s32 s7, s15  }
0x25: {  	s16 =	sadd.s32 s3, s15  }
0x26: {  	[tilespmem:s11], [sflag:$0x1] =	stream.linear.gather [hbm4b:s16+s2], $0x8000, $0x38;
	[tilespmem:$0x11400] =	vst v63  }
0x27: {  	_ =	swait.ge [sflag:s9], $0x8000  }
0x28: {  	[sflag:s9] =	ssyncset.done $0x0  }
0x29: {  	[sflag:s9] =	ssyncadd.s32 $0xFFFF8000  }
0x2a: {  	s19 =	simm.s32 $0x1500;
	v1 =	vmov v0;
	v0 =	vld.idx.msk [tilespmem:v0+s10+$0x0], $0xffff  }
0x2b: {  	v4 =	vmov v1;
	v1 =	vld [tilespmem:s19+$0x80];
	_ =	sdelay $0x3  }
0x2c: {  	v26 =	vld [tilespmem:s19+$0xFFFFFF00]  }
0x2d: {  	vm0 =	vgt.f32 v1, v0  }
0x2e: {  	v27 =	vsel vm0, $0x10, v2  }
0x2f: {  	v28 =	vor.u32 v9, v27;
	_ =	sdelay $0x1  }
0x30: {  	vm0 =	vgt.f32 v26, v0  }
0x31: {  	v29 =	vsel vm0, $0x10, v2  }
0x32: {  	v31 =	vld [tilespmem:s19+$0xFFFFFF80];
	v30 =	vor.u32 v9, v29  }
0x33: {  	v28 =	vld.idx.msk [tilespmem:v28+s10+$0x0], $0xffff;
	_ =	sdelay $0x1  }
0x34: {  	v32 =	vld [tilespmem:s19+$0x0];
	_ =	sdelay $0x1  }
0x35: {  	vm0 =	vgt.f32 v31, v0;
	v30 =	vld.idx.msk [tilespmem:v30+s10+$0x0], $0xffff  }
0x36: {  	v33 =	vsel vm0, $0x10, v2;
	vm0 =	vgt.f32 v1, v28  }
0x37: {  	v28 =	vor.u32 v9, v33;
	v34 =	vsel vm0, $0x8, v2  }
0x38: {  	vm0 =	vgt.f32 v32, v0;
	v0 =	vor.u32 v27, v34  }
0x39: {  	v27 =	vsel vm0, $0x10, v2;
	v34 =	vor.u32 v7, v0  }
0x3a: {  	vm0 =	vgt.f32 v26, v30;
	v30 =	vor.u32 v9, v27  }
0x3b: {  	v35 =	vsel vm0, $0x8, v2  }
0x3c: {  	v29 =	vor.u32 v29, v35;
	v28 =	vld.idx.msk [tilespmem:v28+s10+$0x0], $0xffff  }
0x3d: {  	v35 =	vor.u32 v7, v29  }
0x3e: {  	v34 =	vld.idx.msk [tilespmem:v34+s10+$0x0], $0xffff  }
0x3f: {  	v30 =	vld.idx.msk [tilespmem:v30+s10+$0x0], $0xffff;
	_ =	sdelay $0x1  }
0x40: {  	vm0 =	vgt.f32 v31, v28  }
0x41: {  	v28 =	vld.idx.msk [tilespmem:v35+s10+$0x0], $0xffff;
	v40 =	vsel vm0, $0x8, v2  }
0x42: {  	v33 =	vor.u32 v33, v40;
	vm0 =	vgt.f32 v1, v34  }
0x43: {  	v41 =	vor.u32 v7, v33;
	vm1 =	vgt.f32 v32, v30;
	v30 =	vsel vm0, $0x4, v2  }
0x44: {  	v42 =	vsel vm1, $0x8, v2;
	v0 =	vor.u32 v30, v0  }
0x45: {  	v27 =	vor.u32 v27, v42;
	v30 =	vor.u32 v3, v0  }
0x46: {  	vm0 =	vgt.f32 v26, v28;
	v28 =	vor.u32 v7, v27  }
0x47: {  	v43 =	vsel vm0, $0x4, v2  }
0x48: {  	v29 =	vor.u32 v43, v29;
	v34 =	vld.idx.msk [tilespmem:v41+s10+$0x0], $0xffff  }
0x49: {  	v35 =	vor.u32 v3, v29  }
0x4a: {  	v30 =	vld.idx.msk [tilespmem:v30+s10+$0x0], $0xffff  }
0x4b: {  	v28 =	vld.idx.msk [tilespmem:v28+s10+$0x0], $0xffff;
	_ =	sdelay $0x1  }
0x4c: {  	vm0 =	vgt.f32 v31, v34  }
0x4d: {  	v44 =	vld.idx.msk [tilespmem:v35+s10+$0x0], $0xffff;
	v45 =	vsel vm0, $0x4, v2  }
0x4e: {  	v33 =	vor.u32 v45, v33;
	vm0 =	vgt.f32 v1, v30  }
0x4f: {  	vm1 =	vgt.f32 v32, v28;
	v28 =	vor.u32 v3, v33;
	v30 =	vsel vm0, $0x2, v2  }
0x50: {  	v46 =	vsel vm1, $0x4, v2;
	v0 =	vor.u32 v30, v0  }
0x51: {  	v27 =	vor.u32 v46, v27;
	v0 =	vor.u32 v5, v0  }
0x52: {  	vm0 =	vgt.f32 v26, v44;
	v30 =	vor.u32 v3, v27  }
0x53: {  	v34 =	vsel vm0, $0x2, v2  }
0x54: {  	v29 =	vor.u32 v34, v29;
	v28 =	vld.idx.msk [tilespmem:v28+s10+$0x0], $0xffff  }
0x55: {  	v29 =	vor.u32 v5, v29  }
0x56: {  	v47 =	vld.idx.msk [tilespmem:v0+s10+$0x0], $0xffff  }
0x57: {  	v30 =	vld.idx.msk [tilespmem:v30+s10+$0x0], $0xffff;
	_ =	sdelay $0x1  }
0x58: {  	vm0 =	vgt.f32 v31, v28  }
0x59: {  	v28 =	vld.idx.msk [tilespmem:v29+s10+$0x0], $0xffff;
	v48 =	vsel vm0, $0x2, v2  }
0x5a: {  	v33 =	vor.u32 v48, v33;
	vm0 =	vgt.f32 v1, v47  }
0x5b: {  	vm1 =	vgt.f32 v32, v30;
	v1 =	vor.u32 v5, v33;
	v30 =	vsel vm0, $0x1, v2  }
0x5c: {  	v49 =	vsel vm1, $0x2, v2;
	v0 =	vor.u32 v30, v0  }
0x5d: {  	v27 =	vor.u32 v49, v27  }
0x5e: {  	vm0 =	vgt.f32 v26, v28;
	v26 =	vor.u32 v5, v27  }
0x5f: {  	v27 =	vsel vm0, $0x1, v2  }
0x60: {  	v27 =	vor.u32 v27, v29;
	v28 =	vld.idx.msk [tilespmem:v1+s10+$0x0], $0xffff  }
0x61: {  	v0 =	vld.idx.msk [tilespmem:v0+s2+$0x0], $0xffff;
	_ =	sdelay $0x1  }
0x62: {  	v29 =	vld.idx.msk [tilespmem:v26+s10+$0x0], $0xffff;
	_ =	sdelay $0x1  }
0x63: {  	s16 =	simm.s32 $0x9500;
	v27 =	vld.idx.msk [tilespmem:v27+s2+$0x0], $0xffff;
	vm0 =	vgt.f32 v31, v28  }
0x64: {  	v28 =	vsel vm0, $0x1, v2;
	[tilespmem:s16+$0x80] =	vst v0  }
0x65: {  	v0 =	vor.u32 v28, v1;
	v1 =	vld.idx.msk [tilespmem:v8+s10+$0x0], $0xffff  }
0x66: {  	vm0 =	vgt.f32 v32, v29;
	v28 =	vld [tilespmem:s19+$0x90]  }
0x67: {  	v29 =	vsel vm0, $0x1, v2  }
0x68: {  	[tilespmem:s16+$0xFFFFFF00] =	vst v27;
	v26 =	vor.u32 v29, v26  }
0x69: {  	v27 =	vld.idx.msk [tilespmem:v8+s10+$0x0], $0xffff  }
0x6a: {  	v0 =	vld.idx.msk [tilespmem:v0+s2+$0x0], $0xffff  }
0x6b: {  	v29 =	vld [tilespmem:s19+$0xFFFFFF10];
	vm0 =	vgt.f32 v28, v1  }
0x6c: {  	v1 =	vsel vm0, $0x10, v2  }
0x6d: {  	v26 =	vld.idx.msk [tilespmem:v26+s2+$0x0], $0xffff;
	v30 =	vor.u32 v12, v1;
	_ =	sdelay $0x1  }
0x6e: {  	[tilespmem:s16+$0xFFFFFF80] =	vst v0  }
0x6f: {  	vm0 =	vgt.f32 v29, v27;
	v27 =	vld.idx.msk [tilespmem:v8+s10+$0x0], $0xffff  }
0x70: {  	v0 =	vsel vm0, $0x10, v2;
	v50 =	vld [tilespmem:s19+$0xFFFFFF90]  }
0x71: {  	v31 =	vor.u32 v12, v0;
	[tilespmem:s16+$0x0] =	vst v26;
	v26 =	vld.idx.msk [tilespmem:v30+s10+$0x0], $0xffff;
	_ =	sdelay $0x2  }
0x72: {  	v30 =	vld.idx.msk [tilespmem:v8+s10+$0x0], $0xffff  }
0x73: {  	v51 =	vld [tilespmem:s19+$0x10]  }
0x74: {  	v31 =	vld.idx.msk [tilespmem:v31+s10+$0x0], $0xffff;
	vm0 =	vgt.f32 v50, v27;
	vm1 =	vgt.f32 v28, v26  }
0x75: {  	v26 =	vsel vm0, $0x10, v2;
	v27 =	vsel vm1, $0x8, v2  }
0x76: {  	v52 =	vor.u32 v12, v26;
	v1 =	vor.u32 v1, v27  }
0x77: {  	v27 =	vor.u32 v18, v1  }
0x78: {  	vm0 =	vgt.f32 v51, v30  }
0x79: {  	v30 =	vsel vm0, $0x10, v2;
	vm1 =	vgt.f32 v29, v31  }
0x7a: {  	v53 =	vor.u32 v12, v30;
	v31 =	vsel vm1, $0x8, v2  }
0x7b: {  	v0 =	vor.u32 v0, v31;
	v32 =	vld.idx.msk [tilespmem:v52+s10+$0x0], $0xffff  }
0x7c: {  	v31 =	vor.u32 v18, v0;
	v27 =	vld.idx.msk [tilespmem:v27+s10+$0x0], $0xffff;
	_ =	sdelay $0x2  }
0x7d: {  	v33 =	vld.idx.msk [tilespmem:v53+s10+$0x0], $0xffff  }
0x7e: {  	vm0 =	vgt.f32 v50, v32  }
0x7f: {  	v31 =	vld.idx.msk [tilespmem:v31+s10+$0x0], $0xffff;
	v32 =	vsel vm0, $0x8, v2;
	vm0 =	vgt.f32 v28, v27  }
0x80: {  	v27 =	vsel vm0, $0x4, v2  }
0x81: {  	v1 =	vor.u32 v27, v1  }
0x82: {  	vm0 =	vgt.f32 v51, v33;
	v54 =	vor.u32 v20, v1  }
0x83: {  	v26 =	vor.u32 v26, v32;
	v27 =	vsel vm0, $0x8, v2  }
0x84: {  	v32 =	vor.u32 v18, v26;
	vm0 =	vgt.f32 v29, v31;
	v27 =	vor.u32 v30, v27  }
0x85: {  	v30 =	vsel vm0, $0x4, v2;
	v31 =	vor.u32 v18, v27  }
0x86: {  	v0 =	vor.u32 v30, v0  }
0x87: {  	v30 =	vor.u32 v20, v0;
	v33 =	vld.idx.msk [tilespmem:v54+s10+$0x0], $0xffff;
	_ =	sdelay $0x1  }
0x88: {  	v32 =	vld.idx.msk [tilespmem:v32+s10+$0x0], $0xffff  }
0x89: {  	v31 =	vld.idx.msk [tilespmem:v31+s10+$0x0], $0xffff;
	_ =	sdelay $0x1  }
0x8a: {  	v30 =	vld.idx.msk [tilespmem:v30+s10+$0x0], $0xffff;
	vm1 =	vgt.f32 v28, v33  }
0x8b: {  	v33 =	vsel vm1, $0x2, v2  }
0x8c: {  	vm0 =	vgt.f32 v50, v32;
	v1 =	vor.u32 v33, v1  }
0x8d: {  	v32 =	vsel vm0, $0x4, v2;
	vm0 =	vgt.f32 v51, v31;
	v1 =	vor.u32 v19, v1  }
0x8e: {  	v26 =	vor.u32 v32, v26;
	v31 =	vsel vm0, $0x4, v2  }
0x8f: {  	vm0 =	vgt.f32 v29, v30;
	v30 =	vor.u32 v20, v26;
	v27 =	vor.u32 v31, v27  }
0x90: {  	v31 =	vsel vm0, $0x2, v2;
	v55 =	vor.u32 v20, v27  }
0x91: {  	v0 =	vor.u32 v31, v0  }
0x92: {  	v0 =	vor.u32 v19, v0;
	v31 =	vld.idx.msk [tilespmem:v1+s10+$0x0], $0xffff  }
0x93: {  	v37 =	vld.idx.msk [tilespmem:v4+s10+$0x0], $0xffff  }
0x94: {  	v56 =	vld.idx.msk [tilespmem:v30+s10+$0x0], $0xffff  }
0x95: {  	s21 =	simm.s32 $0x1700;
	v32 =	vld.idx.msk [tilespmem:v55+s10+$0x0], $0xffff  }
0x96: {  	v30 =	vld [tilespmem:s21+$0x80]  }
0x97: {  	v36 =	vld.idx.msk [tilespmem:v0+s10+$0x0], $0xffff;
	vm0 =	vgt.f32 v28, v31  }
0x98: {  	v28 =	vsel vm0, $0x1, v2  }
0x99: {  	vm1 =	vgt.f32 v50, v56;
	v1 =	vor.u32 v28, v1  }
0x9a: {  	v31 =	vsel vm1, $0x2, v2;
	vm0 =	vgt.f32 v51, v32;
	v32 =	vld [tilespmem:s21+$0xFFFFFF00]  }
0x9b: {  	vm1 =	vgt.f32 v30, v37;
	v26 =	vor.u32 v31, v26;
	v28 =	vsel vm0, $0x2, v2  }
0x9c: {  	v31 =	vld [tilespmem:s21+$0xFFFFFF80];
	v26 =	vor.u32 v19, v26;
	v27 =	vor.u32 v28, v27;
	vm0 =	vgt.f32 v29, v36  }
0x9d: {  	v57 =	vsel vm1, $0x10, v2;
	v29 =	vld [tilespmem:s21+$0x0];
	v27 =	vor.u32 v19, v27;
	v28 =	vsel vm0, $0x1, v2  }
0x9e: {  	v0 =	vor.u32 v28, v0;
	v28 =	vor.u32 v9, v57;
	v1 =	vld.idx.msk [tilespmem:v1+s2+$0x0], $0xffff  }
0x9f: {  	vm0 =	vgt.f32 v32, v37  }
0xa0: {  	v39 =	vsel vm0, $0x10, v2  }
0xa1: {  	vm1 =	vgt.f32 v31, v37;
	v38 =	vld.idx.msk [tilespmem:v26+s10+$0x0], $0xffff;
	v58 =	vor.u32 v9, v39  }
0xa2: {  	v41 =	vsel vm1, $0x10, v2;
	vm0 =	vgt.f32 v29, v37;
	v40 =	vld.idx.msk [tilespmem:v27+s10+$0x0], $0xffff  }
0xa3: {  	v42 =	vor.u32 v9, v41;
	v43 =	vsel vm0, $0x10, v2;
	v28 =	vld.idx.msk [tilespmem:v28+s10+$0x0], $0xffff;
	[tilespmem:s16+$0x90] =	vst v1  }
0xa4: {  	v44 =	vor.u32 v9, v43;
	v1 =	vld.idx.msk [tilespmem:v13+s10+$0x0], $0xffff  }
0xa5: {  	v33 =	vld [tilespmem:s19+$0xA0]  }
0xa6: {  	v63 =	vld.idx.msk [tilespmem:v58+s10+$0x0], $0xffff  }
0xa7: {  	v0 =	vld.idx.msk [tilespmem:v0+s2+$0x0], $0xffff;
	vm0 =	vgt.f32 v50, v38  }
0xa8: {  	v6 =	vsel vm0, $0x1, v2;
	v45 =	vld.idx.msk [tilespmem:v42+s10+$0x0], $0xffff;
	vm1 =	vgt.f32 v30, v28  }
0xa9: {  	vm0 =	vgt.f32 v51, v40;
	v26 =	vor.u32 v6, v26;
	v46 =	vld.idx.msk [tilespmem:v44+s10+$0x0], $0xffff;
	v47 =	vsel vm1, $0x8, v2  }
0xaa: {  	v28 =	vsel vm0, $0x1, v2;
	v36 =	vor.u32 v57, v47;
	vm0 =	vgt.f32 v33, v1  }
0xab: {  	v1 =	vor.u32 v7, v36;
	v48 =	vsel vm0, $0x10, v2;
	vm0 =	vgt.f32 v32, v63  }
0xac: {  	[tilespmem:s16+$0xFFFFFF10] =	vst v0;
	v28 =	vor.u32 v28, v27;
	v49 =	vor.u32 v14, v48;
	v27 =	vsel vm0, $0x8, v2  }
0xad: {  	v51 =	vld.idx.msk [tilespmem:v13+s10+$0x0], $0xffff;
	vm1 =	vgt.f32 v31, v45;
	v50 =	vor.u32 v39, v27  }
0xae: {  	v0 =	vld.idx.msk [tilespmem:v26+s2+$0x0], $0xffff;
	v26 =	vsel vm1, $0x8, v2;
	vm0 =	vgt.f32 v29, v46;
	v53 =	vor.u32 v7, v50  }
0xaf: {  	v52 =	vor.u32 v41, v26;
	v26 =	vsel vm0, $0x8, v2;
	v27 =	vld [tilespmem:s19+$0xFFFFFF20]  }
0xb0: {  	v41 =	vor.u32 v7, v52;
	v54 =	vor.u32 v43, v26;
	v1 =	vld.idx.msk [tilespmem:v1+s10+$0x0], $0xffff  }
0xb1: {  	v26 =	vor.u32 v7, v54;
	v34 =	vld.idx.msk [tilespmem:v49+s10+$0x0], $0xffff  }
0xb2: {  	v28 =	vld.idx.msk [tilespmem:v28+s2+$0x0], $0xffff  }
0xb3: {  	v40 =	vld.idx.msk [tilespmem:v53+s10+$0x0], $0xffff  }
0xb4: {  	vm0 =	vgt.f32 v27, v51  }
0xb5: {  	v55 =	vld.idx.msk [tilespmem:v41+s10+$0x0], $0xffff;
	v56 =	vsel vm0, $0x10, v2;
	vm0 =	vgt.f32 v30, v1  }
0xb6: {  	[tilespmem:s16+$0xFFFFFF90] =	vst v0;
	v57 =	vld.idx.msk [tilespmem:v26+s10+$0x0], $0xffff;
	v0 =	vor.u32 v14, v56;
	v1 =	vsel vm0, $0x4, v2;
	vm0 =	vgt.f32 v33, v34  }
0xb7: {  	v58 =	vld.idx.msk [tilespmem:v13+s10+$0x0], $0xffff;
	v1 =	vor.u32 v1, v36;
	v26 =	vsel vm0, $0x8, v2  }
0xb8: {  	[tilespmem:s16+$0x10] =	vst v28;
	v28 =	vld [tilespmem:s19+$0xFFFFFFA0];
	v6 =	vor.u32 v3, v1;
	vm0 =	vgt.f32 v32, v40;
	v37 =	vor.u32 v48, v26  }
0xb9: {  	v63 =	vld.idx.msk [tilespmem:v13+s10+$0x0], $0xffff;
	v40 =	vsel vm0, $0x4, v2;
	v48 =	vor.u32 v15, v37  }
0xba: {  	v26 =	vld [tilespmem:s19+$0x20];
	vm0 =	vgt.f32 v31, v55;
	v35 =	vor.u32 v40, v50  }
0xbb: {  	v0 =	vld.idx.msk [tilespmem:v0+s10+$0x0], $0xffff;
	v45 =	vsel vm0, $0x4, v2;
	vm0 =	vgt.f32 v29, v57;
	v50 =	vor.u32 v3, v35  }
0xbc: {  	v39 =	vor.u32 v45, v52;
	v49 =	vsel vm0, $0x4, v2  }
0xbd: {  	v45 =	vor.u32 v3, v39;
	v40 =	vor.u32 v49, v54;
	v51 =	vld.idx.msk [tilespmem:v6+s10+$0x0], $0xffff  }
0xbe: {  	v52 =	vor.u32 v3, v40;
	v38 =	vld.idx.msk [tilespmem:v48+s10+$0x0], $0xffff;
	_ =	sdelay $0x1  }
0xbf: {  	vm0 =	vgt.f32 v28, v58;
	vm1 =	vgt.f32 v26, v63;
	vm2 =	vgt.f32 v27, v0;
	v53 =	vld.idx.msk [tilespmem:v50+s10+$0x0], $0xffff  }
0xc0: {  	v0 =	vsel vm0, $0x10, v2;
	v36 =	vsel vm1, $0x10, v2;
	v54 =	vsel vm2, $0x8, v2  }
0xc1: {  	v46 =	vor.u32 v14, v0;
	v47 =	vor.u32 v14, v36;
	v45 =	vld.idx.msk [tilespmem:v45+s10+$0x0], $0xffff;
	vm0 =	vgt.f32 v30, v51  }
0xc2: {  	v41 =	vor.u32 v56, v54;
	v55 =	vld.idx.msk [tilespmem:v52+s10+$0x0], $0xffff;
	v56 =	vsel vm0, $0x2, v2;
	vm0 =	vgt.f32 v33, v38  }
0xc3: {  	v1 =	vor.u32 v56, v1;
	v38 =	vsel vm0, $0x4, v2  }
0xc4: {  	v1 =	vor.u32 v5, v1;
	vm0 =	vgt.f32 v32, v53;
	v34 =	vor.u32 v38, v37  }
0xc5: {  	v58 =	vsel vm0, $0x2, v2;
	v63 =	vor.u32 v25, v34  }
0xc6: {  	v43 =	vor.u32 v15, v41;
	v57 =	vld.idx.msk [tilespmem:v46+s10+$0x0], $0xffff;
	vm0 =	vgt.f32 v31, v45;
	v35 =	vor.u32 v58, v35  }
0xc7: {  	v6 =	vld.idx.msk [tilespmem:v47+s10+$0x0], $0xffff;
	v48 =	vsel vm0, $0x2, v2;
	vm0 =	vgt.f32 v29, v55;
	v35 =	vor.u32 v5, v35  }
0xc8: {  	v38 =	vor.u32 v48, v39;
	v50 =	vsel vm0, $0x2, v2  }
0xc9: {  	v38 =	vor.u32 v5, v38;
	v39 =	vor.u32 v50, v40;
	v51 =	vld.idx.msk [tilespmem:v1+s10+$0x0], $0xffff  }
0xca: {  	v39 =	vor.u32 v5, v39;
	v52 =	vld.idx.msk [tilespmem:v63+s10+$0x0], $0xffff  }
0xcb: {  	v49 =	vld.idx.msk [tilespmem:v43+s10+$0x0], $0xffff;
	vm0 =	vgt.f32 v28, v57  }
0xcc: {  	v37 =	vsel vm0, $0x8, v2;
	vm0 =	vgt.f32 v26, v6;
	v53 =	vld.idx.msk [tilespmem:v35+s10+$0x0], $0xffff  }
0xcd: {  	v0 =	vor.u32 v0, v37;
	v54 =	vsel vm0, $0x8, v2  }
0xce: {  	v57 =	vor.u32 v15, v0;
	v36 =	vor.u32 v36, v54;
	v56 =	vld.idx.msk [tilespmem:v38+s10+$0x0], $0xffff;
	vm0 =	vgt.f32 v30, v51  }
0xcf: {  	v30 =	vor.u32 v15, v36;
	v58 =	vld.idx.msk [tilespmem:v39+s10+$0x0], $0xffff;
	v40 =	vsel vm0, $0x1, v2;
	vm0 =	vgt.f32 v33, v52  }
0xd0: {  	v1 =	vor.u32 v40, v1;
	v63 =	vsel vm0, $0x2, v2  }
0xd1: {  	vm1 =	vgt.f32 v27, v49;
	vm0 =	vgt.f32 v32, v53;
	v47 =	vor.u32 v63, v34  }
0xd2: {  	v55 =	vsel vm1, $0x4, v2;
	v48 =	vsel vm0, $0x1, v2;
	v32 =	vor.u32 v21, v47  }
0xd3: {  	v41 =	vor.u32 v55, v41;
	vm0 =	vgt.f32 v31, v56;
	v31 =	vld.idx.msk [tilespmem:v57+s10+$0x0], $0xffff;
	v34 =	vor.u32 v48, v35  }
0xd4: {  	v6 =	vor.u32 v25, v41;
	v49 =	vsel vm0, $0x1, v2;
	vm0 =	vgt.f32 v29, v58;
	v29 =	vld.idx.msk [tilespmem:v30+s10+$0x0], $0xffff  }
0xd5: {  	v30 =	vor.u32 v49, v38;
	v1 =	vld.idx.msk [tilespmem:v1+s2+$0x0], $0xffff;
	_ =	sdelay $0x1  }
0xd6: {  	v50 =	vsel vm0, $0x1, v2;
	v52 =	vld.idx.msk [tilespmem:v32+s10+$0x0], $0xffff  }
0xd7: {  	v35 =	vor.u32 v50, v39;
	vm0 =	vgt.f32 v28, v31;
	v34 =	vld.idx.msk [tilespmem:v34+s2+$0x0], $0xffff  }
0xd8: {  	s17 =	simm.s32 $0x9700;
	v51 =	vld.idx.msk [tilespmem:v6+s10+$0x0], $0xffff;
	v31 =	vsel vm0, $0x4, v2  }
0xd9: {  	v30 =	vld.idx.msk [tilespmem:v30+s2+$0x0], $0xffff;
	v0 =	vor.u32 v31, v0;
	[tilespmem:s17+$0x80] =	vst v1  }
0xda: {  	v1 =	vor.u32 v25, v0;
	v53 =	vld.idx.msk [tilespmem:v8+s10+$0x0], $0xffff  }
0xdb: {  	v31 =	vld [tilespmem:s21+$0x90];
	vm0 =	vgt.f32 v33, v52  }
0xdc: {  	v35 =	vld.idx.msk [tilespmem:v35+s2+$0x0], $0xffff;
	[tilespmem:s17+$0xFFFFFF00] =	vst v34;
	v33 =	vsel vm0, $0x1, v2  }
0xdd: {  	vm0 =	vgt.f32 v26, v29;
	v29 =	vld.idx.msk [tilespmem:v8+s10+$0x0], $0xffff;
	v32 =	vor.u32 v33, v32  }
0xde: {  	vm1 =	vgt.f32 v27, v51;
	v54 =	vsel vm0, $0x4, v2;
	v37 =	vld [tilespmem:s21+$0xFFFFFF10]  }
0xdf: {  	v55 =	vsel vm1, $0x2, v2;
	[tilespmem:s17+$0xFFFFFF80] =	vst v30;
	v56 =	vor.u32 v54, v36;
	v1 =	vld.idx.msk [tilespmem:v1+s10+$0x0], $0xffff  }
0xe0: {  	v57 =	vor.u32 v55, v41;
	v63 =	vld.idx.msk [tilespmem:v8+s10+$0x0], $0xffff;
	vm0 =	vgt.f32 v31, v53;
	v58 =	vor.u32 v25, v56  }
0xe1: {  	v6 =	vor.u32 v21, v57;
	v33 =	vld [tilespmem:s21+$0xFFFFFF90];
	v48 =	vsel vm0, $0x10, v2  }
0xe2: {  	[tilespmem:s17+$0x0] =	vst v35;
	v49 =	vor.u32 v12, v48;
	v32 =	vld.idx.msk [tilespmem:v32+s2+$0x0], $0xffff  }
0xe3: {  	v47 =	vld.idx.msk [tilespmem:v8+s10+$0x0], $0xffff;
	vm0 =	vgt.f32 v37, v29  }
0xe4: {  	v30 =	vld [tilespmem:s21+$0x10];
	vm1 =	vgt.f32 v28, v1;
	v1 =	vsel vm0, $0x10, v2  }
0xe5: {  	v29 =	vsel vm1, $0x2, v2;
	v34 =	vld.idx.msk [tilespmem:v58+s10+$0x0], $0xffff;
	v50 =	vor.u32 v12, v1  }
0xe6: {  	v0 =	vor.u32 v29, v0;
	v29 =	vld.idx.msk [tilespmem:v6+s10+$0x0], $0xffff  }
0xe7: {  	v41 =	vld.idx.msk [tilespmem:v49+s10+$0x0], $0xffff;
	v0 =	vor.u32 v21, v0;
	[tilespmem:s16+$0xA0] =	vst v32  }
0xe8: {  	vm0 =	vgt.f32 v33, v63;
	v32 =	vld.idx.msk [tilespmem:v59+s10+$0x0], $0xffff  }
0xe9: {  	v43 =	vsel vm0, $0x10, v2;
	vm0 =	vgt.f32 v30, v47;
	v36 =	vld [tilespmem:s19+$0xB0]  }
0xea: {  	v51 =	vor.u32 v12, v43;
	v44 =	vsel vm0, $0x10, v2;
	vm0 =	vgt.f32 v26, v34;
	v52 =	vld.idx.msk [tilespmem:v50+s10+$0x0], $0xffff  }
0xeb: {  	v53 =	vor.u32 v12, v44;
	v54 =	vsel vm0, $0x2, v2  }
0xec: {  	vm0 =	vgt.f32 v27, v29;
	vm1 =	vgt.f32 v31, v41;
	v55 =	vld.idx.msk [tilespmem:v0+s10+$0x0], $0xffff;
	v27 =	vor.u32 v54, v56  }
0xed: {  	v29 =	vsel vm0, $0x1, v2;
	v56 =	vsel vm1, $0x8, v2;
	v27 =	vor.u32 v21, v27  }
0xee: {  	v29 =	vor.u32 v29, v6;
	v57 =	vor.u32 v48, v56;
	vm0 =	vgt.f32 v36, v32  }
0xef: {  	v58 =	vld.idx.msk [tilespmem:v51+s10+$0x0], $0xffff;
	v38 =	vor.u32 v18, v57;
	v63 =	vsel vm0, $0x10, v2;
	vm0 =	vgt.f32 v37, v52  }
0xf0: {  	v6 =	vld.idx.msk [tilespmem:v53+s10+$0x0], $0xffff;
	v45 =	vor.u32 v60, v63;
	v47 =	vsel vm0, $0x8, v2  }
0xf1: {  	vm0 =	vgt.f32 v28, v55;
	v1 =	vor.u32 v1, v47  }
0xf2: {  	v28 =	vsel vm0, $0x1, v2;
	v48 =	vld.idx.msk [tilespmem:v27+s10+$0x0], $0xffff;
	v49 =	vor.u32 v18, v1  }
0xf3: {  	v0 =	vor.u32 v28, v0;
	v28 =	vld.idx.msk [tilespmem:v29+s2+$0x0], $0xffff  }
0xf4: {  	vm0 =	vgt.f32 v33, v58;
	v29 =	vld.idx.msk [tilespmem:v38+s10+$0x0], $0xffff  }
0xf5: {  	v32 =	vsel vm0, $0x8, v2;
	vm0 =	vgt.f32 v30, v6;
	v50 =	vld.idx.msk [tilespmem:v45+s10+$0x0], $0xffff  }
0xf6: {  	v32 =	vor.u32 v43, v32;
	v51 =	vsel vm0, $0x8, v2  }
0xf7: {  	v52 =	vor.u32 v18, v32;
	v38 =	vor.u32 v44, v51;
	v42 =	vld.idx.msk [tilespmem:v49+s10+$0x0], $0xffff  }
0xf8: {  	v53 =	vor.u32 v18, v38;
	vm0 =	vgt.f32 v26, v48;
	v0 =	vld.idx.msk [tilespmem:v0+s2+$0x0], $0xffff  }
0xf9: {  	[tilespmem:s16+$0xFFFFFF20] =	vst v28;
	v26 =	vsel vm0, $0x1, v2;
	vm0 =	vgt.f32 v31, v29  }
0xfa: {  	v54 =	vld.idx.msk [tilespmem:v59+s10+$0x0], $0xffff;
	v26 =	vor.u32 v26, v27;
	v27 =	vsel vm0, $0x4, v2;
	vm0 =	vgt.f32 v36, v50  }
0xfb: {  	v29 =	vld [tilespmem:s19+$0xFFFFFF30];
	v27 =	vor.u32 v27, v57;
	v28 =	vsel vm0, $0x8, v2  }
0xfc: {  	v55 =	vld.idx.msk [tilespmem:v52+s10+$0x0], $0xffff;
	v35 =	vor.u32 v20, v27;
	v39 =	vor.u32 v63, v28  }
0xfd: {  	v56 =	vld.idx.msk [tilespmem:v53+s10+$0x0], $0xffff;
	vm0 =	vgt.f32 v37, v42;
	[tilespmem:s16+$0xFFFFFFA0] =	vst v0;
	v0 =	vor.u32 v16, v39  }
0xfe: {  	v28 =	vsel vm0, $0x4, v2;
	v57 =	vld.idx.msk [tilespmem:v59+s10+$0x0], $0xffff  }
0xff: {  	v1 =	vor.u32 v28, v1;
	v26 =	vld.idx.msk [tilespmem:v26+s2+$0x0], $0xffff  }
0x100: {  	v28 =	vld [tilespmem:s19+$0xFFFFFFB0];
	v58 =	vor.u32 v20, v1  }
0x101: {  	vm0 =	vgt.f32 v33, v55;
	v35 =	vld.idx.msk [tilespmem:v35+s10+$0x0], $0xffff  }
0x102: {  	v34 =	vsel vm0, $0x4, v2;
	v0 =	vld.idx.msk [tilespmem:v0+s10+$0x0], $0xffff  }
0x103: {  	vm1 =	vgt.f32 v29, v54;
	vm0 =	vgt.f32 v30, v56;
	v32 =	vor.u32 v34, v32  }
0x104: {  	v63 =	vsel vm1, $0x10, v2;
	v6 =	vsel vm0, $0x4, v2;
	v50 =	vor.u32 v20, v32  }
0x105: {  	v49 =	vor.u32 v60, v63;
	v34 =	vor.u32 v6, v38;
	v48 =	vld.idx.msk [tilespmem:v58+s10+$0x0], $0xffff  }
0x106: {  	vm0 =	vgt.f32 v28, v57;
	v38 =	vor.u32 v20, v34;
	[tilespmem:s16+$0x20] =	vst v26;
	vm1 =	vgt.f32 v31, v35  }
0x107: {  	v26 =	vsel vm0, $0x10, v2;
	v35 =	vsel vm1, $0x2, v2;
	vm0 =	vgt.f32 v36, v0;
	v0 =	vld.idx.msk [tilespmem:v59+s10+$0x0], $0xffff  }
0x108: {  	v51 =	vor.u32 v60, v26;
	v35 =	vor.u32 v35, v27;
	v27 =	vld [tilespmem:s19+$0x30];
	v52 =	vsel vm0, $0x4, v2  }
0x109: {  	v44 =	vld.idx.msk [tilespmem:v50+s10+$0x0], $0xffff;
	v53 =	vor.u32 v19, v35;
	v39 =	vor.u32 v52, v39  }
0x10a: {  	v54 =	vld.idx.msk [tilespmem:v49+s10+$0x0], $0xffff;
	vm0 =	vgt.f32 v37, v48;
	v55 =	vor.u32 v17, v39  }
0x10b: {  	v38 =	vld.idx.msk [tilespmem:v38+s10+$0x0], $0xffff;
	v56 =	vsel vm0, $0x2, v2  }
0x10c: {  	v1 =	vor.u32 v56, v1  }
0x10d: {  	v42 =	vld.idx.msk [tilespmem:v51+s10+$0x0], $0xffff;
	v1 =	vor.u32 v19, v1  }
0x10e: {  	vm0 =	vgt.f32 v27, v0;
	vm1 =	vgt.f32 v33, v44;
	v0 =	vld.idx.msk [tilespmem:v53+s10+$0x0], $0xffff  }
0x10f: {  	v43 =	vsel vm0, $0x10, v2;
	vm0 =	vgt.f32 v29, v54;
	v44 =	vsel vm1, $0x2, v2;
	v41 =	vld.idx.msk [tilespmem:v55+s10+$0x0], $0xffff  }
0x110: {  	s22 =	simm.s32 $0x1900;
	v6 =	vld.idx.msk [tilespmem:v4+s10+$0x0], $0xffff;
	v57 =	vor.u32 v60, v43;
	v35 =	vsel vm0, $0x8, v2;
	vm0 =	vgt.f32 v30, v38  }
0x111: {  	v32 =	vor.u32 v44, v32;
	v40 =	vor.u32 v63, v35;
	v63 =	vsel vm0, $0x2, v2;
	v35 =	vld [tilespmem:s22+$0x80]  }
0x112: {  	vm0 =	vgt.f32 v28, v42;
	v42 =	vor.u32 v19, v32;
	v54 =	vor.u32 v63, v34;
	v58 =	vld.idx.msk [tilespmem:v1+s10+$0x0], $0xffff  }
0x113: {  	v48 =	vsel vm0, $0x8, v2;
	v47 =	vor.u32 v19, v54;
	vm1 =	vgt.f32 v31, v0;
	v31 =	vld [tilespmem:s22+$0xFFFFFF80]  }
0x114: {  	v32 =	vld [tilespmem:s22+$0x0];
	v0 =	vor.u32 v16, v40;
	v55 =	vsel vm1, $0x1, v2;
	vm2 =	vgt.f32 v36, v41  }
0x115: {  	v34 =	vld [tilespmem:s22+$0xFFFFFF00];
	v26 =	vor.u32 v26, v48;
	v46 =	vor.u32 v55, v53;
	v56 =	vsel vm2, $0x2, v2  }
0x116: {  	v41 =	vld.idx.msk [tilespmem:v57+s10+$0x0], $0xffff;
	v57 =	vor.u32 v16, v26;
	vm1 =	vgt.f32 v35, v6;
	v39 =	vor.u32 v56, v39  }
0x117: {  	v49 =	vsel vm1, $0x10, v2;
	vm0 =	vgt.f32 v37, v58;
	v58 =	vld.idx.msk [tilespmem:v42+s10+$0x0], $0xffff;
	v39 =	vor.u32 v11, v39  }
0x118: {  	v24 =	vmovc v4;
	v4 =	vld.idx.msk [tilespmem:v47+s10+$0x0], $0xffff;
	v50 =	vor.u32 v9, v49;
	v63 =	vsel vm0, $0x1, v2;
	vm0 =	vgt.f32 v31, v6  }
0x119: {  	v0 =	vld.idx.msk [tilespmem:v0+s10+$0x0], $0xffff;
	v1 =	vor.u32 v63, v1;
	v45 =	vsel vm0, $0x10, v2  }
0x11a: {  	v46 =	vld.idx.msk [tilespmem:v46+s2+$0x0], $0xffff;
	v51 =	vor.u32 v9, v45  }
0x11b: {  	vm0 =	vgt.f32 v34, v6;
	v53 =	vld.idx.msk [tilespmem:v57+s10+$0x0], $0xffff  }
0x11c: {  	vm1 =	vgt.f32 v32, v6;
	v44 =	vsel vm0, $0x10, v2;
	vm0 =	vgt.f32 v33, v58;
	v52 =	vld.idx.msk [tilespmem:v39+s10+$0x0], $0xffff  }
0x11d: {  	v55 =	vor.u32 v9, v44;
	v6 =	vsel vm0, $0x1, v2;
	vm0 =	vgt.f32 v30, v4;
	v30 =	vld.idx.msk [tilespmem:v50+s10+$0x0], $0xffff  }
0x11e: {  	v1 =	vld.idx.msk [tilespmem:v1+s2+$0x0], $0xffff;
	v56 =	vor.u32 v6, v42  }
0x11f: {  	v54 =	vsel vm1, $0x10, v2;
	v58 =	vld.idx.msk [tilespmem:v51+s10+$0x0], $0xffff;
	[tilespmem:s17+$0x90] =	vst v46  }
0x120: {  	v33 =	vor.u32 v9, v54;
	v57 =	vsel vm0, $0x1, v2;
	v6 =	vld.idx.msk [tilespmem:v13+s10+$0x0], $0xffff  }
0x121: {  	vm1 =	vgt.f32 v27, v41;
	v4 =	vor.u32 v57, v47;
	v37 =	vld [tilespmem:s21+$0xA0];
	vm0 =	vgt.f32 v36, v52  }
0x122: {  	v41 =	vsel vm1, $0x8, v2;
	v36 =	vsel vm0, $0x1, v2;
	vm0 =	vgt.f32 v29, v0;
	v0 =	vld.idx.msk [tilespmem:v55+s10+$0x0], $0xffff  }
0x123: {  	v38 =	vld.idx.msk [tilespmem:v56+s2+$0x0], $0xffff;
	v36 =	vor.u32 v36, v39;
	v39 =	vor.u32 v43, v41  }
0x124: {  	v51 =	vsel vm0, $0x4, v2;
	vm0 =	vgt.f32 v35, v30;
	vm2 =	vgt.f32 v31, v58  }
0x125: {  	v33 =	vld.idx.msk [tilespmem:v33+s10+$0x0], $0xffff;
	[tilespmem:s17+$0xFFFFFF10] =	vst v1;
	v43 =	vor.u32 v16, v39;
	v40 =	vor.u32 v51, v40;
	v1 =	vsel vm0, $0x8, v2  }
0x126: {  	v46 =	vld.idx.msk [tilespmem:v4+s2+$0x0], $0xffff;
	vm0 =	vgt.f32 v37, v6;
	v41 =	vor.u32 v17, v40;
	v1 =	vor.u32 v49, v1  }
0x127: {  	v48 =	vld.idx.msk [tilespmem:v13+s10+$0x0], $0xffff;
	v56 =	vsel vm2, $0x8, v2;
	v49 =	vsel vm0, $0x10, v2;
	v52 =	vor.u32 v7, v1  }
0x128: {  	v30 =	vld [tilespmem:s21+$0xFFFFFF20];
	vm0 =	vgt.f32 v34, v0;
	v0 =	vor.u32 v14, v49;
	[tilespmem:s17+$0xFFFFFF90] =	vst v38;
	v38 =	vor.u32 v45, v56  }
0x129: {  	v36 =	vld.idx.msk [tilespmem:v36+s2+$0x0], $0xffff;
	v50 =	vor.u32 v7, v38  }
0x12a: {  	v55 =	vsel vm0, $0x8, v2;
	v43 =	vld.idx.msk [tilespmem:v43+s10+$0x0], $0xffff  }
0x12b: {  	vm0 =	vgt.f32 v32, v33;
	v42 =	vor.u32 v44, v55;
	v33 =	vld.idx.msk [tilespmem:v41+s10+$0x0], $0xffff  }
0x12c: {  	v57 =	vsel vm0, $0x8, v2;
	v44 =	vor.u32 v7, v42;
	v47 =	vld.idx.msk [tilespmem:v52+s10+$0x0], $0xffff  }
0x12d: {  	v41 =	vor.u32 v54, v57;
	v0 =	vld.idx.msk [tilespmem:v0+s10+$0x0], $0xffff  }
0x12e: {  	vm1 =	vgt.f32 v28, v53;
	v4 =	vor.u32 v7, v41;
	[tilespmem:s16+$0xB0] =	vst v36;
	v50 =	vld.idx.msk [tilespmem:v50+s10+$0x0], $0xffff  }
0x12f: {  	v58 =	vsel vm1, $0x4, v2;
	v6 =	vld.idx.msk [tilespmem:v10+s10+$0x0], $0xffff  }
0x130: {  	v53 =	vor.u32 v58, v26;
	vm0 =	vgt.f32 v30, v48;
	v26 =	vld [tilespmem:s19+$0xC0]  }
0x131: {  	[tilespmem:s17+$0x10] =	vst v46;
	v48 =	vor.u32 v17, v53;
	v54 =	vsel vm0, $0x10, v2;
	vm0 =	vgt.f32 v27, v43;
	v44 =	vld.idx.msk [tilespmem:v44+s10+$0x0], $0xffff  }
0x132: {  	v43 =	vor.u32 v14, v54;
	vm1 =	vgt.f32 v29, v33;
	v56 =	vsel vm0, $0x4, v2;
	v33 =	vld [tilespmem:s21+$0x20]  }
0x133: {  	v57 =	vsel vm1, $0x2, v2;
	v39 =	vor.u32 v56, v39;
	vm0 =	vgt.f32 v35, v47;
	v46 =	vld.idx.msk [tilespmem:v4+s10+$0x0], $0xffff  }
0x134: {  	v47 =	vld.idx.msk [tilespmem:v13+s10+$0x0], $0xffff;
	v58 =	vor.u32 v57, v40;
	v40 =	vor.u32 v17, v39;
	v4 =	vsel vm0, $0x4, v2  }
0x135: {  	vm1 =	vgt.f32 v37, v0;
	v51 =	vor.u32 v11, v58;
	v1 =	vor.u32 v4, v1  }
0x136: {  	v45 =	vld.idx.msk [tilespmem:v13+s10+$0x0], $0xffff;
	vm0 =	vgt.f32 v26, v6;
	v52 =	vor.u32 v3, v1;
	v6 =	vsel vm1, $0x8, v2  }
0x137: {  	v36 =	vld [tilespmem:s21+$0xFFFFFFA0];
	v0 =	vsel vm0, $0x10, v2;
	vm0 =	vgt.f32 v34, v44;
	v44 =	vor.u32 v49, v6  }
0x138: {  	v43 =	vld.idx.msk [tilespmem:v43+s10+$0x0], $0xffff;
	v55 =	vor.u32 v62, v0;
	v56 =	vsel vm0, $0x4, v2;
	vm0 =	vgt.f32 v31, v50  }
0x139: {  	v48 =	vld.idx.msk [tilespmem:v48+s10+$0x0], $0xffff;
	v4 =	vor.u32 v15, v44;
	vm1 =	vgt.f32 v33, v47;
	v58 =	vsel vm0, $0x4, v2  }
0x13a: {  	vm0 =	vgt.f32 v32, v46;
	v40 =	vld.idx.msk [tilespmem:v40+s10+$0x0], $0xffff;
	v42 =	vor.u32 v56, v42;
	v47 =	vsel vm1, $0x10, v2  }
0x13b: {  	v38 =	vor.u32 v58, v38;
	v6 =	vsel vm0, $0x4, v2;
	v50 =	vor.u32 v3, v42  }
0x13c: {  	vm0 =	vgt.f32 v36, v45;
	v58 =	vor.u32 v14, v47;
	v56 =	vor.u32 v3, v38;
	v49 =	vld.idx.msk [tilespmem:v52+s10+$0x0], $0xffff  }
0x13d: {  	v63 =	vmovc v16;
	v41 =	vor.u32 v6, v41;
	vm2 =	vgt.f32 v30, v43;
	v43 =	vsel vm0, $0x10, v2;
	v45 =	vld.idx.msk [tilespmem:v55+s10+$0x0], $0xffff  }
0x13e: {  	v16 =	vmovc v10;
	vm0 =	vgt.f32 v28, v48;
	v52 =	vor.u32 v3, v41;
	v10 =	vsel vm2, $0x8, v2;
	v46 =	vld.idx.msk [tilespmem:v4+s10+$0x0], $0xffff  }
0x13f: {  	v57 =	vor.u32 v14, v43;
	v54 =	vor.u32 v54, v10;
	vm1 =	vgt.f32 v27, v40  }
0x140: {  	v55 =	vsel vm0, $0x2, v2;
	v40 =	vld.idx.msk [tilespmem:v51+s10+$0x0], $0xffff;
	v48 =	vor.u32 v15, v54;
	v4 =	vsel vm1, $0x2, v2  }
0x141: {  	v50 =	vld.idx.msk [tilespmem:v50+s10+$0x0], $0xffff;
	vm0 =	vgt.f32 v35, v49;
	v49 =	vor.u32 v55, v53;
	v39 =	vor.u32 v4, v39  }
0x142: {  	v53 =	vld.idx.msk [tilespmem:v56+s10+$0x0], $0xffff;
	v4 =	vsel vm0, $0x2, v2;
	v49 =	vor.u32 v11, v49;
	vm0 =	vgt.f32 v26, v45  }
0x143: {  	v45 =	vld.idx.msk [tilespmem:v52+s10+$0x0], $0xffff;
	v1 =	vor.u32 v4, v1;
	v56 =	vsel vm0, $0x8, v2;
	vm0 =	vgt.f32 v37, v46  }
0x144: {  	v10 =	vmovc v59;
	v1 =	vor.u32 v5, v1;
	v0 =	vor.u32 v0, v56;
	v46 =	vsel vm0, $0x4, v2  }
0x145: {  	v57 =	vld.idx.msk [tilespmem:v57+s10+$0x0], $0xffff;
	v39 =	vor.u32 v11, v39;
	v59 =	vor.u32 v61, v0;
	v44 =	vor.u32 v46, v44  }
0x146: {  	v4 =	vld.idx.msk [tilespmem:v58+s10+$0x0], $0xffff;
	vm0 =	vgt.f32 v29, v40;
	vm1 =	vgt.f32 v34, v50;
	v29 =	vor.u32 v25, v44  }
0x147: {  	v22 =	vmovc v11;
	v11 =	vld.idx.msk [tilespmem:v48+s10+$0x0], $0xffff;
	v48 =	vsel vm0, $0x1, v2;
	v50 =	vsel vm1, $0x2, v2;
	vm0 =	vgt.f32 v31, v53  }
0x148: {  	v42 =	vor.u32 v50, v42;
	v56 =	vsel vm0, $0x2, v2;
	vm0 =	vgt.f32 v32, v45  }
0x149: {  	v42 =	vor.u32 v5, v42;
	v38 =	vor.u32 v56, v38;
	v45 =	vsel vm0, $0x2, v2;
	v50 =	vld.idx.msk [tilespmem:v1+s10+$0x0], $0xffff  }
0x14a: {  	v38 =	vor.u32 v5, v38;
	vm0 =	vgt.f32 v36, v57;
	v41 =	vor.u32 v45, v41;
	v45 =	vld.idx.msk [tilespmem:v59+s10+$0x0], $0xffff  }
0x14b: {  	v52 =	vsel vm0, $0x8, v2;
	vm0 =	vgt.f32 v33, v4;
	v41 =	vor.u32 v5, v41;
	v29 =	vld.idx.msk [tilespmem:v29+s10+$0x0], $0xffff  }
0x14c: {  	vm1 =	vgt.f32 v30, v11;
	v40 =	vor.u32 v43, v52;
	v57 =	vsel vm0, $0x8, v2  }
0x14d: {  	v58 =	vld.idx.msk [tilespmem:v49+s10+$0x0], $0xffff;
	v59 =	vsel vm1, $0x4, v2;
	v4 =	vor.u32 v15, v40;
	v43 =	vor.u32 v47, v57  }
0x14e: {  	v52 =	vor.u32 v59, v54;
	v47 =	vld.idx.msk [tilespmem:v42+s10+$0x0], $0xffff;
	v11 =	vor.u32 v15, v43  }
0x14f: {  	v55 =	vor.u32 v25, v52;
	vm0 =	vgt.f32 v35, v50;
	v50 =	vld.idx.msk [tilespmem:v38+s10+$0x0], $0xffff;
	vm1 =	vgt.f32 v26, v45  }
0x150: {  	v35 =	vsel vm0, $0x1, v2;
	v45 =	vld.idx.msk [tilespmem:v41+s10+$0x0], $0xffff;
	v56 =	vsel vm1, $0x4, v2;
	vm0 =	vgt.f32 v37, v29  }
0x151: {  	v1 =	vor.u32 v35, v1;
	v29 =	vld.idx.msk [tilespmem:v39+s10+$0x0], $0xffff;
	v35 =	vor.u32 v56, v0;
	v0 =	vsel vm0, $0x2, v2  }
0x152: {  	v48 =	vor.u32 v48, v51;
	vm0 =	vgt.f32 v28, v58;
	v28 =	vld.idx.msk [tilespmem:v4+s10+$0x0], $0xffff;
	v0 =	vor.u32 v0, v44  }
0x153: {  	v4 =	vld [tilespmem:$0x1FF60];
	v58 =	vsel vm0, $0x1, v2;
	vm0 =	vgt.f32 v34, v47;
	v0 =	vor.u32 v21, v0  }
0x154: {  	v59 =	vld.idx.msk [tilespmem:v11+s10+$0x0], $0xffff;
	v11 =	vor.u32 v58, v49;
	v47 =	vsel vm0, $0x1, v2;
	vm0 =	vgt.f32 v31, v50  }
0x155: {  	v49 =	vld.idx.msk [tilespmem:v55+s10+$0x0], $0xffff;
	v31 =	vor.u32 v47, v42;
	v50 =	vsel vm0, $0x1, v2  }
0x156: {  	v1 =	vld.idx.msk [tilespmem:v1+s2+$0x0], $0xffff;
	v53 =	vor.u32 v50, v38  }
0x157: {  	vm0 =	vgt.f32 v32, v45;
	v45 =	vld.idx.msk [tilespmem:v48+s2+$0x0], $0xffff  }
0x158: {  	v55 =	vld.idx.msk [tilespmem:v0+s10+$0x0], $0xffff  }
0x159: {  	v54 =	vsel vm0, $0x1, v2;
	v57 =	vor.u32 v4, v35;
	vm0 =	vgt.f32 v36, v28;
	v46 =	vld.idx.msk [tilespmem:v11+s2+$0x0], $0xffff  }
0x15a: {  	s18 =	simm.s32 $0x9900;
	v41 =	vor.u32 v54, v41;
	v28 =	vsel vm0, $0x4, v2;
	v31 =	vld.idx.msk [tilespmem:v31+s2+$0x0], $0xffff  }
0x15b: {  	v28 =	vor.u32 v28, v40;
	[tilespmem:s18+$0x80] =	vst v1;
	v32 =	vld.idx.msk [tilespmem:v53+s2+$0x0], $0xffff  }
0x15c: {  	v56 =	vor.u32 v25, v28;
	[tilespmem:s16+$0xFFFFFF30] =	vst v45;
	v1 =	vld.idx.msk [tilespmem:v8+s10+$0x0], $0xffff  }
0x15d: {  	v50 =	vld.idx.msk [tilespmem:v16+s10+$0x0], $0xffff  }
0x15e: {  	v38 =	vld.idx.msk [tilespmem:v57+s10+$0x0], $0xffff  }
0x15f: {  	v57 =	vld.idx.msk [tilespmem:v41+s2+$0x0], $0xffff  }
0x160: {  	vm0 =	vgt.f32 v37, v55;
	v37 =	vld [tilespmem:s22+$0x90]  }
0x161: {  	vm1 =	vgt.f32 v33, v59;
	v58 =	vsel vm0, $0x1, v2;
	[tilespmem:s18+$0xFFFFFF00] =	vst v31;
	v31 =	vld.idx.msk [tilespmem:v56+s10+$0x0], $0xffff  }
0x162: {  	vm0 =	vgt.f32 v27, v29;
	v0 =	vor.u32 v58, v0;
	v27 =	vld.idx.msk [tilespmem:v8+s10+$0x0], $0xffff;
	[tilespmem:s18+$0xFFFFFF80] =	vst v32  }
0x163: {  	v59 =	vsel vm1, $0x4, v2;
	v29 =	vsel vm0, $0x1, v2;
	vm0 =	vgt.f32 v30, v49;
	v11 =	vld.idx.msk [tilespmem:v8+s10+$0x0], $0xffff  }
0x164: {  	v40 =	vor.u32 v59, v43;
	v29 =	vor.u32 v29, v39;
	v53 =	vsel vm0, $0x2, v2;
	v39 =	vld [tilespmem:s22+$0xFFFFFF10]  }
0x165: {  	v56 =	vor.u32 v25, v40;
	[tilespmem:s18+$0x0] =	vst v57;
	v32 =	vld [tilespmem:s22+$0xFFFFFF90];
	v55 =	vor.u32 v53, v52;
	vm0 =	vgt.f32 v37, v1  }
0x166: {  	v54 =	vld.idx.msk [tilespmem:v8+s10+$0x0], $0xffff;
	v1 =	vor.u32 v21, v55;
	v43 =	vsel vm0, $0x10, v2  }
0x167: {  	vm0 =	vgt.f32 v36, v31;
	v0 =	vld.idx.msk [tilespmem:v0+s2+$0x0], $0xffff;
	v57 =	vor.u32 v12, v43  }
0x168: {  	v31 =	vld [tilespmem:s22+$0x10];
	v58 =	vsel vm0, $0x2, v2  }
0x169: {  	v29 =	vld.idx.msk [tilespmem:v29+s2+$0x0], $0xffff;
	v28 =	vor.u32 v58, v28;
	vm0 =	vgt.f32 v39, v27  }
0x16a: {  	v27 =	vld.idx.msk [tilespmem:v56+s10+$0x0], $0xffff;
	v42 =	vor.u32 v21, v28;
	v47 =	vsel vm0, $0x10, v2  }
0x16b: {  	v28 =	vld.idx.msk [tilespmem:v1+s10+$0x0], $0xffff;
	v59 =	vor.u32 v12, v47  }
0x16c: {  	vm0 =	vgt.f32 v32, v11;
	v44 =	vld.idx.msk [tilespmem:v57+s10+$0x0], $0xffff;
	[tilespmem:s17+$0xA0] =	vst v0  }
0x16d: {  	v0 =	vsel vm0, $0x10, v2;
	v11 =	vld.idx.msk [tilespmem:v10+s10+$0x0], $0xffff  }
0x16e: {  	vm0 =	vgt.f32 v31, v54;
	v54 =	vor.u32 v12, v0;
	v34 =	vld [tilespmem:s21+$0xB0]  }
0x16f: {  	v55 =	vsel vm0, $0x10, v2;
	vm0 =	vgt.f32 v33, v27;
	v27 =	vld.idx.msk [tilespmem:v42+s10+$0x0], $0xffff  }
0x170: {  	v56 =	vor.u32 v12, v55;
	v57 =	vsel vm0, $0x2, v2;
	v48 =	vld.idx.msk [tilespmem:v59+s10+$0x0], $0xffff  }
0x171: {  	v23 =	vld [tilespmem:s19+$0xFFFFFF40];
	[tilespmem:s16+$0x30] =	vst v29;
	vm0 =	vgt.f32 v30, v28;
	v28 =	vor.u32 v57, v40;
	vm1 =	vgt.f32 v37, v44  }
0x172: {  	[tilespmem:s16+$0xFFFFFFB0] =	vst v46;
	v45 =	vld.idx.msk [tilespmem:v16+s10+$0x0], $0xffff;
	v30 =	vsel vm0, $0x1, v2;
	v46 =	vor.u32 v21, v28;
	v44 =	vsel vm1, $0x8, v2  }
0x173: {  	v1 =	vor.u32 v30, v1;
	v30 =	vld.idx.msk [tilespmem:v54+s10+$0x0], $0xffff;
	vm0 =	vgt.f32 v34, v11;
	v43 =	vor.u32 v43, v44  }
0x174: {  	v40 =	vld.idx.msk [tilespmem:v16+s10+$0x0], $0xffff;
	v44 =	vsel vm0, $0x10, v2;
	v58 =	vor.u32 v18, v43  }
0x175: {  	v29 =	vld.idx.msk [tilespmem:v56+s10+$0x0], $0xffff;
	vm0 =	vgt.f32 v36, v27;
	v27 =	vor.u32 v60, v44;
	vm1 =	vgt.f32 v39, v48  }
0x176: {  	v16 =	vld [tilespmem:s19+$0x40];
	v36 =	vsel vm0, $0x1, v2;
	v48 =	vsel vm1, $0x8, v2  }
0x177: {  	v36 =	vor.u32 v36, v42;
	v59 =	vld.idx.msk [tilespmem:v46+s10+$0x0], $0xffff;
	v47 =	vor.u32 v47, v48  }
0x178: {  	v1 =	vld.idx.msk [tilespmem:v1+s2+$0x0], $0xffff;
	v48 =	vor.u32 v18, v47;
	vm0 =	vgt.f32 v32, v30  }
0x179: {  	v30 =	vsel vm0, $0x8, v2;
	v41 =	vld.idx.msk [tilespmem:v58+s10+$0x0], $0xffff  }
0x17a: {  	vm1 =	vgt.f32 v23, v50;
	vm0 =	vgt.f32 v31, v29;
	v27 =	vld.idx.msk [tilespmem:v27+s10+$0x0], $0xffff;
	v0 =	vor.u32 v0, v30  }
0x17b: {  	v42 =	vsel vm1, $0x10, v2;
	v29 =	vsel vm0, $0x8, v2;
	v30 =	vld [tilespmem:s19+$0xFFFFFFC0];
	v51 =	vor.u32 v18, v0  }
0x17c: {  	v49 =	vor.u32 v55, v29;
	v11 =	vld.idx.msk [tilespmem:v36+s2+$0x0], $0xffff;
	vm0 =	vgt.f32 v33, v59;
	v59 =	vor.u32 v62, v42  }
0x17d: {  	v57 =	vor.u32 v18, v49;
	[tilespmem:s17+$0xFFFFFF20] =	vst v1;
	v58 =	vld.idx.msk [tilespmem:v48+s10+$0x0], $0xffff  }
0x17e: {  	v36 =	vld [tilespmem:s21+$0xFFFFFF30]  }
0x17f: {  	v1 =	vsel vm0, $0x1, v2;
	vm0 =	vgt.f32 v37, v41;
	v41 =	vld.idx.msk [tilespmem:v10+s10+$0x0], $0xffff  }
0x180: {  	vm1 =	vgt.f32 v30, v40;
	v40 =	vld.idx.msk [tilespmem:v51+s10+$0x0], $0xffff  }
0x181: {  	v1 =	vor.u32 v1, v46;
	v56 =	vsel vm0, $0x4, v2;
	vm0 =	vgt.f32 v34, v27;
	v46 =	vld.idx.msk [tilespmem:v59+s10+$0x0], $0xffff  }
0x182: {  	[tilespmem:s17+$0xFFFFFFA0] =	vst v11;
	v43 =	vor.u32 v56, v43;
	v27 =	vsel vm0, $0x8, v2;
	v48 =	vld.idx.msk [tilespmem:v57+s10+$0x0], $0xffff  }
0x183: {  	v59 =	vld [tilespmem:$0x1FF70];
	v50 =	vor.u32 v20, v43;
	v44 =	vor.u32 v44, v27  }
0x184: {  	v51 =	vsel vm1, $0x10, v2;
	vm1 =	vgt.f32 v26, v38;
	v52 =	vld.idx.msk [tilespmem:v10+s10+$0x0], $0xffff;
	v53 =	vor.u32 v63, v44  }
0x185: {  	v6 =	vmovc v13;
	v33 =	vor.u32 v62, v51;
	v12 =	vld [tilespmem:s21+$0xFFFFFFB0];
	vm0 =	vgt.f32 v39, v58;
	v58 =	vsel vm1, $0x2, v2  }
0x186: {  	v13 =	vmovc v14;
	v1 =	vld.idx.msk [tilespmem:v1+s2+$0x0], $0xffff;
	v57 =	vsel vm0, $0x4, v2;
	vm0 =	vgt.f32 v16, v45;
	v35 =	vor.u32 v58, v35  }
0x187: {  	v14 =	vmovc v62;
	v11 =	vmovc v10;
	v38 =	vor.u32 v57, v47;
	v45 =	vsel vm0, $0x10, v2;
	vm0 =	vgt.f32 v36, v41  }
0x188: {  	v47 =	vor.u32 v20, v38;
	v41 =	vor.u32 v62, v45;
	v54 =	vor.u32 v59, v35;
	v62 =	vld.idx.msk [tilespmem:v50+s10+$0x0], $0xffff  }
0x189: {  	vm1 =	vgt.f32 v31, v48;
	v50 =	vsel vm0, $0x10, v2;
	vm0 =	vgt.f32 v32, v40;
	v40 =	vld.idx.msk [tilespmem:v53+s10+$0x0], $0xffff  }
0x18a: {  	v33 =	vld.idx.msk [tilespmem:v33+s10+$0x0], $0xffff;
	v59 =	vsel vm1, $0x4, v2;
	v48 =	vor.u32 v60, v50;
	v58 =	vsel vm0, $0x4, v2  }
0x18b: {  	[tilespmem:s17+$0x20] =	vst v1;
	v1 =	vor.u32 v59, v49;
	vm0 =	vgt.f32 v12, v52;
	v0 =	vor.u32 v58, v0  }
0x18c: {  	v49 =	vld.idx.msk [tilespmem:v11+s10+$0x0], $0xffff;
	v53 =	vor.u32 v20, v1;
	v55 =	vsel vm0, $0x10, v2;
	v52 =	vor.u32 v20, v0  }
0x18d: {  	vm0 =	vgt.f32 v23, v46;
	v47 =	vld.idx.msk [tilespmem:v47+s10+$0x0], $0xffff;
	v56 =	vor.u32 v60, v55;
	[tilespmem:$0x1FE00] =	vst v23  }
0x18e: {  	v46 =	vsel vm0, $0x8, v2;
	v35 =	vld [tilespmem:s21+$0x30];
	vm1 =	vgt.f32 v37, v62;
	vm0 =	vgt.f32 v34, v40  }
0x18f: {  	v58 =	vld.idx.msk [tilespmem:v54+s10+$0x0], $0xffff;
	v62 =	vsel vm1, $0x2, v2;
	v57 =	vsel vm0, $0x4, v2  }
0x190: {  	v62 =	vor.u32 v62, v43;
	v43 =	vld.idx.msk [tilespmem:v48+s10+$0x0], $0xffff;
	[tilespmem:$0x1FE10] =	vst v30;
	v40 =	vor.u32 v57, v44  }
0x191: {  	v46 =	vor.u32 v42, v46;
	vm0 =	vgt.f32 v30, v33;
	v42 =	vld.idx.msk [tilespmem:v52+s10+$0x0], $0xffff;
	v48 =	vor.u32 v17, v40  }
0x192: {  	v33 =	vor.u32 v19, v62;
	v59 =	vsel vm0, $0x8, v2;
	v53 =	vld.idx.msk [tilespmem:v53+s10+$0x0], $0xffff  }
0x193: {  	v52 =	vor.u32 v61, v46;
	vm0 =	vgt.f32 v39, v47;
	v47 =	vld.idx.msk [tilespmem:v56+s10+$0x0], $0xffff;
	vm1 =	vgt.f32 v35, v49  }
0x194: {  	s19 =	simm.s32 $0x1B00;
	v57 =	vld.idx.msk [tilespmem:v41+s10+$0x0], $0xffff;
	v62 =	vsel vm0, $0x2, v2;
	v56 =	vsel vm1, $0x10, v2  }
0x195: {  	v41 =	vld [tilespmem:s19+$0x80];
	v38 =	vor.u32 v62, v38;
	v62 =	vor.u32 v60, v56  }
0x196: {  	v44 =	vor.u32 v51, v59;
	v51 =	vor.u32 v19, v38;
	v48 =	vld.idx.msk [tilespmem:v48+s10+$0x0], $0xffff  }
0x197: {  	v49 =	vor.u32 v61, v44;
	vm0 =	vgt.f32 v36, v43;
	v38 =	vld.idx.msk [tilespmem:v33+s10+$0x0], $0xffff;
	vm1 =	vgt.f32 v32, v42  }
0x198: {  	v10 =	vmov v60;
	v43 =	vld.idx.msk [tilespmem:v52+s10+$0x0], $0xffff;
	v59 =	vsel vm0, $0x8, v2;
	v60 =	vsel vm1, $0x2, v2  }
0x199: {  	vm0 =	vgt.f32 v31, v53;
	v53 =	vld.idx.msk [tilespmem:v24+s10+$0x0], $0xffff;
	v50 =	vor.u32 v50, v59;
	v0 =	vor.u32 v60, v0  }
0x19a: {  	v42 =	vld.idx.msk [tilespmem:v62+s10+$0x0], $0xffff;
	v62 =	vsel vm0, $0x2, v2;
	vm0 =	vgt.f32 v12, v47;
	v0 =	vor.u32 v19, v0  }
0x19b: {  	v27 =	vmovc v16;
	v47 =	vld.idx.msk [tilespmem:v51+s10+$0x0], $0xffff;
	v1 =	vor.u32 v62, v1;
	v52 =	vsel vm0, $0x8, v2;
	vm1 =	vgt.f32 v34, v48  }
0x19c: {  	v24 =	vmovc v4;
	v49 =	vld.idx.msk [tilespmem:v49+s10+$0x0], $0xffff;
	v1 =	vor.u32 v19, v1;
	vm0 =	vgt.f32 v37, v38;
	v4 =	vsel vm1, $0x2, v2  }
0x19d: {  	v37 =	vld [tilespmem:s19+$0xFFFFFF80];
	[tilespmem:$0x1FE60] =	vst v27;
	v52 =	vor.u32 v55, v52;
	v48 =	vor.u32 v63, v50;
	v60 =	vor.u32 v4, v40  }
0x19e: {  	v59 =	vsel vm0, $0x1, v2;
	vm0 =	vgt.f32 v27, v57;
	v38 =	vld [tilespmem:s19+$0x0];
	v57 =	vor.u32 v22, v60  }
0x19f: {  	v33 =	vor.u32 v59, v33;
	v62 =	vsel vm0, $0x8, v2;
	v59 =	vor.u32 v63, v52;
	v40 =	vld [tilespmem:s19+$0xFFFFFF00]  }
0x1a0: {  	vm1 =	vgt.f32 v41, v53;
	v55 =	vor.u32 v45, v62;
	vm0 =	vgt.f32 v39, v47;
	v39 =	vld.idx.msk [tilespmem:v0+s10+$0x0], $0xffff  }
0x1a1: {  	v16 =	vmovc v61;
	v47 =	vor.u32 v61, v55;
	v45 =	vsel vm0, $0x1, v2;
	v61 =	vsel vm1, $0x10, v2;
	v60 =	vld.idx.msk [tilespmem:v1+s10+$0x0], $0xffff  }
0x1a2: {  	vm1 =	vgt.f32 v26, v58;
	vm0 =	vgt.f32 v37, v53;
	v51 =	vor.u32 v45, v51;
	v48 =	vld.idx.msk [tilespmem:v48+s10+$0x0], $0xffff  }
0x1a3: {  	v4 =	vmovc v63;
	v26 =	vor.u32 v9, v61;
	v45 =	vsel vm1, $0x1, v2;
	v58 =	vsel vm0, $0x10, v2;
	v63 =	vld.idx.msk [tilespmem:v57+s10+$0x0], $0xffff  }
0x1a4: {  	v45 =	vor.u32 v45, v54;
	v33 =	vld.idx.msk [tilespmem:v33+s2+$0x0], $0xffff;
	v62 =	vor.u32 v9, v58  }
0x1a5: {  	vm0 =	vgt.f32 v23, v43;
	vm3 =	vgt.f32 v38, v53;
	v43 =	vld.idx.msk [tilespmem:v59+s10+$0x0], $0xffff;
	vm1 =	vgt.f32 v40, v53  }
0x1a6: {  	v54 =	vsel vm3, $0x10, v2;
	v53 =	vsel vm1, $0x10, v2;
	v47 =	vld.idx.msk [tilespmem:v47+s10+$0x0], $0xffff;
	vm1 =	vgt.f32 v32, v39  }
0x1a7: {  	v59 =	vor.u32 v9, v53;
	v39 =	vld.idx.msk [tilespmem:v51+s2+$0x0], $0xffff;
	v32 =	vsel vm1, $0x1, v2;
	vm1 =	vgt.f32 v31, v60  }
0x1a8: {  	v51 =	vor.u32 v9, v54;
	v26 =	vld.idx.msk [tilespmem:v26+s10+$0x0], $0xffff;
	v31 =	vsel vm1, $0x1, v2;
	vm1 =	vgt.f32 v34, v63  }
0x1a9: {  	vm3 =	vgt.f32 v30, v49;
	v0 =	vor.u32 v32, v0;
	v49 =	vld.idx.msk [tilespmem:v62+s10+$0x0], $0xffff;
	[tilespmem:s18+$0x90] =	vst v33;
	v63 =	vsel vm1, $0x1, v2  }
0x1aa: {  	v1 =	vor.u32 v31, v1;
	v62 =	vsel vm0, $0x4, v2;
	v31 =	vld.idx.msk [tilespmem:v6+s10+$0x0], $0xffff;
	v57 =	vor.u32 v63, v57  }
0x1ab: {  	vm2 =	vgt.f32 v35, v42;
	v42 =	vld [tilespmem:s22+$0xA0];
	v62 =	vor.u32 v62, v46  }
0x1ac: {  	vm0 =	vgt.f32 v36, v48;
	v48 =	vld.idx.msk [tilespmem:v59+s10+$0x0], $0xffff;
	[tilespmem:$0x1FE20] =	vst v62  }
0x1ad: {  	v51 =	vld.idx.msk [tilespmem:v51+s10+$0x0], $0xffff  }
0x1ae: {  	v28 =	vmov v27;
	v63 =	vsel vm0, $0x4, v2;
	vm0 =	vgt.f32 v41, v26;
	v0 =	vld.idx.msk [tilespmem:v0+s2+$0x0], $0xffff  }
0x1af: {  	v26 =	vsel vm0, $0x8, v2;
	vm0 =	vgt.f32 v28, v47;
	v47 =	vld.idx.msk [tilespmem:v57+s2+$0x0], $0xffff  }
0x1b0: {  	v60 =	vsel vm2, $0x8, v2;
	vm1 =	vgt.f32 v12, v43;
	v46 =	vor.u32 v63, v50  }
0x1b1: {  	v50 =	vor.u32 v24, v62;
	v62 =	vsel vm1, $0x4, v2;
	vm1 =	vgt.f32 v42, v31  }
0x1b2: {  	v34 =	vor.u32 v56, v60;
	[tilespmem:s18+$0xFFFFFF10] =	vst v39;
	v57 =	vsel vm1, $0x10, v2;
	vm1 =	vgt.f32 v40, v48  }
0x1b3: {  	v60 =	vsel vm3, $0x4, v2;
	[tilespmem:s18+$0xFFFFFF90] =	vst v0;
	v48 =	vsel vm1, $0x8, v2;
	vm1 =	vgt.f32 v38, v51  }
0x1b4: {  	v56 =	vor.u32 v4, v34;
	v33 =	vor.u32 v60, v44;
	v4 =	vsel vm1, $0x8, v2;
	[tilespmem:s17+$0xB0] =	vst v47  }
0x1b5: {  	v60 =	vor.u32 v17, v46;
	v43 =	vor.u32 v61, v26;
	v54 =	vor.u32 v54, v4;
	v4 =	vld [tilespmem:$0x1FEC0]  }
0x1b6: {  	v59 =	vld.idx.msk [tilespmem:v6+s10+$0x0], $0xffff;
	v31 =	vor.u32 v7, v43  }
0x1b7: {  	v32 =	vld [tilespmem:s22+$0xFFFFFF20]  }
0x1b8: {  	v27 =	vld.idx.msk [tilespmem:v1+s2+$0x0], $0xffff  }
0x1b9: {  	vm2 =	vgt.f32 v37, v49;
	v49 =	vld.idx.msk [tilespmem:v56+s10+$0x0], $0xffff  }
0x1ba: {  	v63 =	vsel vm2, $0x8, v2;
	v39 =	vor.u32 v13, v57;
	v48 =	vor.u32 v53, v48;
	v0 =	vld.idx.msk [tilespmem:v60+s10+$0x0], $0xffff  }
0x1bb: {  	v51 =	vor.u32 v58, v63;
	v53 =	vor.u32 v7, v48;
	v60 =	vld.idx.msk [tilespmem:v31+s10+$0x0], $0xffff;
	v31 =	vsel vm0, $0x4, v2  }
0x1bc: {  	v56 =	vld.idx.msk [tilespmem:v6+s10+$0x0], $0xffff;
	v58 =	vor.u32 v7, v51;
	vm0 =	vgt.f32 v32, v59;
	v1 =	vor.u32 v31, v55  }
0x1bd: {  	v52 =	vor.u32 v62, v52;
	v61 =	vor.u32 v7, v54;
	v59 =	vsel vm0, $0x10, v2;
	v62 =	vld.idx.msk [tilespmem:v4+s10+$0x0], $0xffff;
	[tilespmem:$0x1FE30] =	vst v1  }
0x1be: {  	vm0 =	vgt.f32 v35, v49;
	v49 =	vor.u32 v13, v59;
	v44 =	vld [tilespmem:s21+$0xC0]  }
0x1bf: {  	v39 =	vld.idx.msk [tilespmem:v39+s10+$0x0], $0xffff  }
0x1c0: {  	v55 =	vor.u32 v24, v1;
	vm1 =	vgt.f32 v36, v0;
	v53 =	vld.idx.msk [tilespmem:v53+s10+$0x0], $0xffff  }
0x1c1: {  	v0 =	vsel vm0, $0x4, v2;
	vm0 =	vgt.f32 v41, v60;
	v1 =	vsel vm1, $0x2, v2;
	v58 =	vld.idx.msk [tilespmem:v58+s10+$0x0], $0xffff  }
0x1c2: {  	v29 =	vor.u32 v0, v34;
	[tilespmem:s18+$0x10] =	vst v27;
	v27 =	vld.idx.msk [tilespmem:v61+s10+$0x0], $0xffff;
	v1 =	vor.u32 v1, v46;
	v46 =	vsel vm0, $0x4, v2  }
0x1c3: {  	v63 =	vor.u32 v17, v52;
	v34 =	vor.u32 v17, v29;
	v49 =	vld.idx.msk [tilespmem:v49+s10+$0x0], $0xffff;
	v46 =	vor.u32 v46, v43  }
0x1c4: {  	v60 =	vld.idx.msk [tilespmem:v6+s10+$0x0], $0xffff;
	v30 =	vor.u32 v22, v1;
	v61 =	vor.u32 v3, v46;
	vm0 =	vgt.f32 v44, v62  }
0x1c5: {  	v43 =	vld [tilespmem:s22+$0xFFFFFFA0];
	vm1 =	vgt.f32 v42, v39;
	v62 =	vsel vm0, $0x10, v2;
	vm0 =	vgt.f32 v40, v53  }
0x1c6: {  	v23 =	vmovc v6;
	v39 =	vld [tilespmem:s22+$0x20];
	v6 =	vsel vm1, $0x8, v2;
	v1 =	vor.u32 v14, v62;
	v0 =	vsel vm0, $0x4, v2  }
0x1c7: {  	vm0 =	vgt.f32 v37, v58;
	v53 =	vor.u32 v57, v6;
	v26 =	vor.u32 v0, v48;
	v0 =	vld.idx.msk [tilespmem:v45+s2+$0x0], $0xffff  }
0x1c8: {  	v57 =	vld.idx.msk [tilespmem:v63+s10+$0x0], $0xffff;
	v58 =	vsel vm0, $0x4, v2;
	vm0 =	vgt.f32 v38, v27;
	v27 =	vor.u32 v15, v53  }
0x1c9: {  	vm2 =	vgt.f32 v32, v49;
	v63 =	vld.idx.msk [tilespmem:v34+s10+$0x0], $0xffff;
	v48 =	vor.u32 v58, v51;
	v6 =	vsel vm0, $0x4, v2  }
0x1ca: {  	v61 =	vld.idx.msk [tilespmem:v61+s10+$0x0], $0xffff;
	v51 =	vor.u32 v3, v26;
	vm0 =	vgt.f32 v43, v56;
	v58 =	vor.u32 v3, v48  }
0x1cb: {  	v54 =	vor.u32 v6, v54;
	vm1 =	vgt.f32 v39, v60;
	v49 =	vsel vm0, $0x10, v2  }
0x1cc: {  	v6 =	vsel vm2, $0x8, v2;
	v34 =	vor.u32 v3, v54;
	v60 =	vsel vm1, $0x10, v2;
	v56 =	vld.idx.msk [tilespmem:v1+s10+$0x0], $0xffff;
	[tilespmem:$0x1FE70] =	vst v0  }
0x1cd: {  	v45 =	vor.u32 v59, v6;
	v1 =	vor.u32 v13, v49;
	v28 =	vor.u32 v13, v60;
	v27 =	vld.idx.msk [tilespmem:v27+s10+$0x0], $0xffff  }
0x1ce: {  	vm0 =	vgt.f32 v12, v57;
	vm1 =	vgt.f32 v35, v63;
	v59 =	vor.u32 v15, v45;
	v57 =	vld.idx.msk [tilespmem:v30+s10+$0x0], $0xffff  }
0x1cf: {  	v6 =	vsel vm0, $0x2, v2;
	v0 =	vsel vm1, $0x2, v2;
	vm0 =	vgt.f32 v41, v61;
	v51 =	vld.idx.msk [tilespmem:v51+s10+$0x0], $0xffff  }
0x1d0: {  	v52 =	vor.u32 v6, v52;
	v0 =	vor.u32 v0, v29;
	v6 =	vsel vm0, $0x2, v2;
	v29 =	vld.idx.msk [tilespmem:v58+s10+$0x0], $0xffff  }
0x1d1: {  	v61 =	vor.u32 v6, v46;
	v46 =	vld.idx.msk [tilespmem:v50+s10+$0x0], $0xffff;
	vm0 =	vgt.f32 v44, v56  }
0x1d2: {  	v52 =	vor.u32 v22, v52;
	v34 =	vld.idx.msk [tilespmem:v34+s10+$0x0], $0xffff;
	v63 =	vsel vm0, $0x8, v2  }
0x1d3: {  	v50 =	vor.u32 v5, v61;
	v56 =	vld.idx.msk [tilespmem:v59+s10+$0x0], $0xffff;
	vm0 =	vgt.f32 v42, v27;
	v27 =	vor.u32 v62, v63  }
0x1d4: {  	v1 =	vld.idx.msk [tilespmem:v1+s10+$0x0], $0xffff;
	vm1 =	vgt.f32 v40, v51;
	v6 =	vsel vm0, $0x4, v2;
	vm0 =	vgt.f32 v36, v57  }
0x1d5: {  	v28 =	vld.idx.msk [tilespmem:v28+s10+$0x0], $0xffff;
	v36 =	vor.u32 v16, v27;
	v61 =	vsel vm1, $0x2, v2;
	v51 =	vor.u32 v6, v53  }
0x1d6: {  	v53 =	vsel vm0, $0x1, v2;
	vm0 =	vgt.f32 v37, v29;
	v26 =	vor.u32 v61, v26  }
0x1d7: {  	v29 =	vor.u32 v25, v51;
	v62 =	vsel vm0, $0x2, v2;
	vm0 =	vgt.f32 v38, v34  }
0x1d8: {  	v26 =	vor.u32 v5, v26;
	vm1 =	vgt.f32 v32, v56;
	v63 =	vor.u32 v62, v48  }
0x1d9: {  	v58 =	vld.idx.msk [tilespmem:v52+s10+$0x0], $0xffff;
	v6 =	vsel vm0, $0x2, v2;
	vm0 =	vgt.f32 v43, v1;
	v34 =	vor.u32 v5, v63  }
0x1da: {  	v57 =	vld.idx.msk [tilespmem:v50+s10+$0x0], $0xffff;
	v48 =	vor.u32 v6, v54;
	v61 =	vsel vm0, $0x8, v2;
	vm0 =	vgt.f32 v39, v28  }
0x1db: {  	v1 =	vld.idx.msk [tilespmem:v36+s10+$0x0], $0xffff;
	v48 =	vor.u32 v5, v48;
	v28 =	vor.u32 v49, v61;
	v62 =	vsel vm0, $0x8, v2  }
0x1dc: {  	v63 =	vsel vm1, $0x4, v2;
	v6 =	vor.u32 v15, v28;
	v49 =	vor.u32 v60, v62;
	v29 =	vld.idx.msk [tilespmem:v29+s10+$0x0], $0xffff  }
0x1dd: {  	v45 =	vor.u32 v63, v45;
	v56 =	vld.idx.msk [tilespmem:v26+s10+$0x0], $0xffff;
	v61 =	vor.u32 v15, v49  }
0x1de: {  	v62 =	vor.u32 v25, v45  }
0x1df: {  	vm0 =	vgt.f32 v12, v58;
	vm1 =	vgt.f32 v41, v57;
	v58 =	vld.idx.msk [tilespmem:v34+s10+$0x0], $0xffff  }
0x1e0: {  	v41 =	vsel vm1, $0x1, v2;
	vm2 =	vgt.f32 v44, v1;
	v1 =	vld.idx.msk [tilespmem:v48+s10+$0x0], $0xffff  }
0x1e1: {  	v0 =	vor.u32 v22, v0;
	v41 =	vor.u32 v41, v50;
	v50 =	vld.idx.msk [tilespmem:v6+s10+$0x0], $0xffff;
	vm1 =	vgt.f32 v42, v29  }
0x1e2: {  	v29 =	vsel vm0, $0x1, v2;
	v54 =	vld.idx.msk [tilespmem:v61+s10+$0x0], $0xffff;
	vm0 =	vgt.f32 v40, v56;
	v6 =	vsel vm1, $0x2, v2  }
0x1e3: {  	v30 =	vor.u32 v53, v30;
	v61 =	vor.u32 v6, v51;
	v51 =	vld.idx.msk [tilespmem:v62+s10+$0x0], $0xffff;
	v62 =	vsel vm0, $0x1, v2  }
0x1e4: {  	v26 =	vor.u32 v62, v26  }
0x1e5: {  	v63 =	vsel vm2, $0x4, v2  }
0x1e6: {  	v57 =	vld.idx.msk [tilespmem:v0+s10+$0x0], $0xffff;
	v27 =	vor.u32 v63, v27  }
0x1e7: {  	v60 =	vor.u32 v24, v27;
	v53 =	vld.idx.msk [tilespmem:v41+s2+$0x0], $0xffff;
	vm0 =	vgt.f32 v37, v58  }
0x1e8: {  	v63 =	vor.u32 v21, v61;
	v6 =	vsel vm0, $0x1, v2;
	vm0 =	vgt.f32 v38, v1;
	v1 =	vld.idx.msk [tilespmem:v30+s2+$0x0], $0xffff  }
0x1e9: {  	v30 =	vor.u32 v6, v34;
	v26 =	vld.idx.msk [tilespmem:v26+s2+$0x0], $0xffff  }
0x1ea: {  	v29 =	vor.u32 v29, v52;
	v52 =	vsel vm0, $0x1, v2  }
0x1eb: {  	v36 =	vld.idx.msk [tilespmem:v55+s10+$0x0], $0xffff;
	v34 =	vor.u32 v52, v48  }
0x1ec: {  	s20 =	simm.s32 $0x9B00;
	vm1 =	vgt.f32 v35, v57;
	vm0 =	vgt.f32 v43, v50;
	v57 =	vld.idx.msk [tilespmem:v60+s10+$0x0], $0xffff  }
0x1ed: {  	v58 =	vsel vm0, $0x4, v2;
	[tilespmem:s20+$0x80] =	vst v53;
	v59 =	vld.idx.msk [tilespmem:v63+s10+$0x0], $0xffff  }
0x1ee: {  	v28 =	vor.u32 v58, v28;
	v30 =	vld.idx.msk [tilespmem:v30+s2+$0x0], $0xffff;
	[tilespmem:s20+$0xFFFFFF00] =	vst v26  }
0x1ef: {  	v17 =	vmovc v14;
	v14 =	vmov v13;
	v13 =	vmov v16;
	v60 =	vor.u32 v25, v28;
	v16 =	vld [tilespmem:$0x1FF70]  }
0x1f0: {  	v34 =	vld.idx.msk [tilespmem:v34+s2+$0x0], $0xffff  }
0x1f1: {  	v29 =	vld.idx.msk [tilespmem:v29+s2+$0x0], $0xffff;
	vm0 =	vgt.f32 v44, v57  }
0x1f2: {  	v35 =	vld.idx.msk [tilespmem:v8+s10+$0x0], $0xffff;
	v40 =	vsel vm0, $0x2, v2  }
0x1f3: {  	v38 =	vld [tilespmem:s19+$0x90];
	v27 =	vor.u32 v40, v27  }
0x1f4: {  	vm0 =	vgt.f32 v42, v59;
	v26 =	vld.idx.msk [tilespmem:v60+s10+$0x0], $0xffff;
	[tilespmem:s20+$0xFFFFFF80] =	vst v30;
	v27 =	vor.u32 v16, v27  }
0x1f5: {  	v61 =	vsel vm0, $0x1, v2;
	v62 =	vld.idx.msk [tilespmem:v8+s10+$0x0], $0xffff;
	[tilespmem:s20+$0x0] =	vst v34  }
0x1f6: {  	v56 =	vsel vm1, $0x1, v2;
	vm1 =	vgt.f32 v32, v51;
	v30 =	vor.u32 v61, v63;
	v12 =	vld [tilespmem:$0x1FFE0]  }
0x1f7: {  	v55 =	vsel vm1, $0x2, v2;
	vm0 =	vgt.f32 v39, v54;
	v6 =	vld.idx.msk [tilespmem:v8+s10+$0x0], $0xffff  }
0x1f8: {  	v63 =	vsel vm0, $0x4, v2;
	v34 =	vor.u32 v55, v45;
	v45 =	vld [tilespmem:s19+$0xFFFFFF10]  }
0x1f9: {  	vm0 =	vgt.f32 v38, v35;
	v48 =	vor.u32 v63, v49;
	v34 =	vor.u32 v21, v34;
	v58 =	vld.idx.msk [tilespmem:v27+s10+$0x0], $0xffff  }
0x1fa: {  	v42 =	vld [tilespmem:s19+$0xFFFFFF90];
	v35 =	vsel vm0, $0x10, v2;
	v57 =	vor.u32 v25, v48  }
0x1fb: {  	vm0 =	vgt.f32 v43, v26;
	v30 =	vld.idx.msk [tilespmem:v30+s2+$0x0], $0xffff;
	v59 =	vor.u32 v12, v35  }
0x1fc: {  	v0 =	vor.u32 v56, v0;
	v56 =	vld.idx.msk [tilespmem:v8+s10+$0x0], $0xffff;
	v26 =	vsel vm0, $0x2, v2  }
0x1fd: {  	v37 =	vld [tilespmem:s19+$0x10];
	v26 =	vor.u32 v26, v28;
	vm0 =	vgt.f32 v45, v62  }
0x1fe: {  	v26 =	vor.u32 v21, v26;
	v50 =	vsel vm0, $0x10, v2;
	v60 =	vld.idx.msk [tilespmem:v34+s10+$0x0], $0xffff;
	vm0 =	vgt.f32 v44, v58  }
0x1ff: {  	[tilespmem:s17+$0xFFFFFF30] =	vst v1;
	v28 =	vld.idx.msk [tilespmem:v57+s10+$0x0], $0xffff;
	v1 =	vor.u32 v12, v50;
	v61 =	vsel vm0, $0x1, v2  }
0x200: {  	[tilespmem:s18+$0xA0] =	vst v30;
	v52 =	vld.idx.msk [tilespmem:v59+s10+$0x0], $0xffff;
	v27 =	vor.u32 v61, v27  }
0x201: {  	v62 =	vld.idx.msk [tilespmem:v11+s10+$0x0], $0xffff  }
0x202: {  	vm1 =	vgt.f32 v42, v6;
	v44 =	vld [tilespmem:s22+$0xB0]  }
0x203: {  	v47 =	vor.u32 v24, v33;
	v51 =	vsel vm1, $0x10, v2;
	v57 =	vld.idx.msk [tilespmem:v26+s10+$0x0], $0xffff  }
0x204: {  	v63 =	vor.u32 v12, v51;
	v1 =	vld.idx.msk [tilespmem:v1+s10+$0x0], $0xffff;
	vm0 =	vgt.f32 v37, v56  }
0x205: {  	v6 =	vsel vm0, $0x10, v2;
	vm0 =	vgt.f32 v39, v28;
	vm1 =	vgt.f32 v38, v52;
	v27 =	vld.idx.msk [tilespmem:v27+s2+$0x0], $0xffff  }
0x206: {  	v8 =	vor.u32 v12, v6;
	v28 =	vsel vm0, $0x2, v2;
	vm0 =	vgt.f32 v32, v60  }
0x207: {  	v0 =	vld.idx.msk [tilespmem:v0+s2+$0x0], $0xffff;
	v58 =	vsel vm1, $0x8, v2;
	v32 =	vsel vm0, $0x1, v2;
	vm0 =	vgt.f32 v44, v62  }
0x208: {  	v47 =	vld.idx.msk [tilespmem:v47+s10+$0x0], $0xffff;
	[tilespmem:s17+$0xFFFFFFB0] =	vst v29;
	v28 =	vor.u32 v28, v48;
	v48 =	vsel vm0, $0x10, v2;
	vm0 =	vgt.f32 v43, v57  }
0x209: {  	v29 =	vld.idx.msk [tilespmem:v4+s10+$0x0], $0xffff;
	vm1 =	vgt.f32 v45, v1;
	v28 =	vor.u32 v21, v28;
	v1 =	vsel vm0, $0x1, v2  }
0x20a: {  	v30 =	vld.idx.msk [tilespmem:v4+s10+$0x0], $0xffff;
	v1 =	vor.u32 v1, v26;
	[tilespmem:$0x1FE80] =	vst v27  }
0x20b: {  	v59 =	vld.idx.msk [tilespmem:v63+s10+$0x0], $0xffff  }
0x20c: {  	[tilespmem:s17+$0x30] =	vst v0;
	v0 =	vld.idx.msk [tilespmem:v8+s10+$0x0], $0xffff  }
0x20d: {  	v61 =	vsel vm1, $0x8, v2;
	v27 =	vor.u32 v32, v34;
	v34 =	vor.u32 v35, v58;
	v31 =	vld [tilespmem:s21+$0xFFFFFF40]  }
0x20e: {  	v50 =	vor.u32 v50, v61;
	v35 =	vor.u32 v18, v34;
	v26 =	vld.idx.msk [tilespmem:v28+s10+$0x0], $0xffff  }
0x20f: {  	v63 =	vor.u32 v18, v50;
	v1 =	vld.idx.msk [tilespmem:v1+s2+$0x0], $0xffff  }
0x210: {  	v60 =	vor.u32 v10, v48;
	v49 =	vld.idx.msk [tilespmem:v4+s10+$0x0], $0xffff  }
0x211: {  	v4 =	vld [tilespmem:$0x1FE00]  }
0x212: {  	v62 =	vld.idx.msk [tilespmem:v27+s2+$0x0], $0xffff  }
0x213: {  	v8 =	vld.idx.msk [tilespmem:v35+s10+$0x0], $0xffff  }
0x214: {  	vm0 =	vgt.f32 v42, v59;
	vm2 =	vgt.f32 v31, v30;
	v30 =	vld.idx.msk [tilespmem:v63+s10+$0x0], $0xffff  }
0x215: {  	v27 =	vsel vm0, $0x8, v2;
	vm0 =	vgt.f32 v37, v0;
	v0 =	vld.idx.msk [tilespmem:v60+s10+$0x0], $0xffff  }
0x216: {  	v43 =	vor.u32 v51, v27;
	v27 =	vld [tilespmem:s21+$0xFFFFFFC0]  }
0x217: {  	v57 =	vsel vm0, $0x8, v2;
	vm0 =	vgt.f32 v39, v26;
	v26 =	vld [tilespmem:s21+$0x40];
	[tilespmem:s18+$0xFFFFFF20] =	vst v62  }
0x218: {  	v51 =	vor.u32 v18, v43;
	v53 =	vor.u32 v6, v57;
	v52 =	vld.idx.msk [tilespmem:v11+s10+$0x0], $0xffff  }
0x219: {  	[tilespmem:s18+$0xFFFFFFA0] =	vst v1;
	v59 =	vsel vm0, $0x1, v2;
	v58 =	vor.u32 v18, v53;
	v41 =	vld [tilespmem:s22+$0xFFFFFF30]  }
0x21a: {  	v28 =	vor.u32 v59, v28;
	vm0 =	vgt.f32 v38, v8;
	v8 =	vld [tilespmem:$0x1FE10]  }
0x21b: {  	vm1 =	vgt.f32 v4, v46;
	v39 =	vsel vm2, $0x10, v2;
	v40 =	vld [tilespmem:$0x1FEB0]  }
0x21c: {  	v54 =	vor.u32 v17, v39;
	v62 =	vld [tilespmem:$0x1FE20];
	v32 =	vsel vm0, $0x4, v2;
	vm0 =	vgt.f32 v44, v0  }
0x21d: {  	vm2 =	vgt.f32 v27, v29;
	v29 =	vor.u32 v32, v34;
	v60 =	vsel vm0, $0x8, v2;
	v0 =	vld.idx.msk [tilespmem:v51+s10+$0x0], $0xffff  }
0x21e: {  	v51 =	vor.u32 v20, v29;
	v1 =	vor.u32 v48, v60;
	v48 =	vsel vm2, $0x10, v2;
	v34 =	vld.idx.msk [tilespmem:v58+s10+$0x0], $0xffff  }
0x21f: {  	v61 =	vsel vm1, $0x2, v2;
	vm1 =	vgt.f32 v45, v30;
	v56 =	vor.u32 v17, v48;
	v28 =	vld.idx.msk [tilespmem:v28+s2+$0x0], $0xffff  }
0x220: {  	v6 =	vsel vm1, $0x4, v2;
	vm0 =	vgt.f32 v8, v47;
	v47 =	vld.idx.msk [tilespmem:v11+s10+$0x0], $0xffff;
	v55 =	vor.u32 v40, v1  }
0x221: {  	v35 =	vmov v11;
	v50 =	vor.u32 v6, v50;
	v63 =	vor.u32 v61, v62;
	v11 =	vld [tilespmem:s22+$0xFFFFFFB0]  }
0x222: {  	v60 =	vld.idx.msk [tilespmem:v54+s10+$0x0], $0xffff;
	v61 =	vor.u32 v20, v50;
	v30 =	vsel vm0, $0x2, v2;
	v18 =	vor.u32 v16, v63  }
0x223: {  	vm0 =	vgt.f32 v41, v52;
	v30 =	vor.u32 v30, v33;
	vm1 =	vgt.f32 v42, v0;
	v0 =	vld.idx.msk [tilespmem:v51+s10+$0x0], $0xffff  }
0x224: {  	v51 =	vsel vm0, $0x10, v2;
	v62 =	vsel vm1, $0x4, v2;
	vm0 =	vgt.f32 v37, v34;
	v56 =	vld.idx.msk [tilespmem:v56+s10+$0x0], $0xffff;
	[tilespmem:s18+$0x20] =	vst v28  }
0x225: {  	vm1 =	vgt.f32 v26, v49;
	v34 =	vld.idx.msk [tilespmem:v55+s10+$0x0], $0xffff;
	v55 =	vor.u32 v10, v51;
	v43 =	vor.u32 v62, v43  }
0x226: {  	v63 =	vsel vm0, $0x4, v2;
	vm0 =	vgt.f32 v11, v47;
	v54 =	vld.idx.msk [tilespmem:v35+s10+$0x0], $0xffff;
	v47 =	vor.u32 v16, v30  }
0x227: {  	v30 =	vsel vm1, $0x10, v2;
	v52 =	vld.idx.msk [tilespmem:v61+s10+$0x0], $0xffff;
	[tilespmem:$0x1FE50] =	vst v31;
	v49 =	vsel vm0, $0x10, v2;
	vm0 =	vgt.f32 v31, v60  }
0x228: {  	v57 =	vor.u32 v20, v43;
	v46 =	vld [tilespmem:s22+$0x30];
	vm1 =	vgt.f32 v38, v0;
	v0 =	vsel vm0, $0x8, v2  }
0x229: {  	v59 =	vor.u32 v17, v30;
	v6 =	vsel vm1, $0x2, v2;
	v35 =	vor.u32 v39, v0;
	v0 =	vld [tilespmem:$0x1FE60]  }
0x22a: {  	v53 =	vor.u32 v63, v53;
	v29 =	vor.u32 v6, v29;
	v6 =	vld [tilespmem:$0x1FE90]  }
0x22b: {  	v28 =	vor.u32 v20, v53;
	v55 =	vld.idx.msk [tilespmem:v55+s10+$0x0], $0xffff  }
0x22c: {  	v58 =	vor.u32 v10, v49;
	vm0 =	vgt.f32 v44, v34;
	v61 =	vld.idx.msk [tilespmem:v47+s10+$0x0], $0xffff  }
0x22d: {  	v34 =	vld.idx.msk [tilespmem:v57+s10+$0x0], $0xffff;
	v62 =	vsel vm0, $0x4, v2  }
0x22e: {  	v33 =	vor.u32 v13, v35;
	vm0 =	vgt.f32 v27, v56;
	v39 =	vld.idx.msk [tilespmem:v59+s10+$0x0], $0xffff;
	v1 =	vor.u32 v62, v1  }
0x22f: {  	v29 =	vor.u32 v19, v29;
	v59 =	vld.idx.msk [tilespmem:v18+s10+$0x0], $0xffff;
	v63 =	vsel vm0, $0x8, v2;
	v32 =	vor.u32 v6, v1  }
0x230: {  	vm1 =	vgt.f32 v46, v54;
	v28 =	vld.idx.msk [tilespmem:v28+s10+$0x0], $0xffff;
	vm0 =	vgt.f32 v45, v52;
	v60 =	vor.u32 v48, v63  }
0x231: {  	v16 =	vmovc v10;
	v56 =	vld.idx.msk [tilespmem:v58+s10+$0x0], $0xffff;
	v54 =	vsel vm1, $0x10, v2;
	v52 =	vsel vm0, $0x2, v2;
	v48 =	vor.u32 v13, v60  }
0x232: {  	v50 =	vor.u32 v52, v50;
	v52 =	vor.u32 v16, v54;
	vm0 =	vgt.f32 v0, v36;
	v0 =	vld [tilespmem:$0x1FFA0]  }
0x233: {  	v50 =	vor.u32 v19, v50;
	vm1 =	vgt.f32 v41, v55;
	v55 =	vld.idx.msk [tilespmem:v33+s10+$0x0], $0xffff  }
0x234: {  	v57 =	vld.idx.msk [tilespmem:v32+s10+$0x0], $0xffff  }
0x235: {  	v62 =	vld.idx.msk [tilespmem:v29+s10+$0x0], $0xffff  }
0x236: {  	v58 =	vsel vm0, $0x2, v2;
	vm0 =	vgt.f32 v42, v34;
	v34 =	vsel vm1, $0x8, v2;
	v63 =	vld.idx.msk [tilespmem:v48+s10+$0x0], $0xffff  }
0x237: {  	v34 =	vor.u32 v51, v34;
	v48 =	vsel vm0, $0x2, v2;
	vm0 =	vgt.f32 v37, v28;
	v33 =	vld.idx.msk [tilespmem:v52+s10+$0x0], $0xffff  }
0x238: {  	s23 =	simm.s32 $0x1D00;
	v36 =	vor.u32 v48, v43;
	v32 =	vsel vm0, $0x2, v2;
	vm0 =	vgt.f32 v11, v56;
	v48 =	vld.idx.msk [tilespmem:v50+s10+$0x0], $0xffff  }
0x239: {  	v43 =	vld [tilespmem:s23+$0x80];
	v51 =	vor.u32 v19, v36;
	v56 =	vor.u32 v32, v53;
	vm1 =	vgt.f32 v44, v57  }
0x23a: {  	v52 =	vsel vm0, $0x8, v2;
	vm0 =	vgt.f32 v38, v62;
	v53 =	vld.idx.msk [tilespmem:v0+s10+$0x0], $0xffff;
	v0 =	vsel vm1, $0x2, v2  }
0x23b: {  	v38 =	vld [tilespmem:s23+$0xFFFFFF80];
	v56 =	vor.u32 v19, v56;
	v62 =	vsel vm0, $0x1, v2;
	v0 =	vor.u32 v0, v1  }
0x23c: {  	v29 =	vor.u32 v62, v29;
	v28 =	vor.u32 v22, v0;
	v0 =	vld [tilespmem:$0x1FE30]  }
0x23d: {  	vm0 =	vgt.f32 v26, v39;
	v39 =	vld [tilespmem:s23+$0xFFFFFF00];
	v57 =	vor.u32 v40, v34  }
0x23e: {  	v10 =	vmov v31;
	v31 =	vmov v40;
	v62 =	vsel vm0, $0x8, v2;
	v40 =	vld [tilespmem:s23+$0x0]  }
0x23f: {  	v32 =	vor.u32 v49, v52;
	v49 =	vor.u32 v30, v62;
	vm0 =	vgt.f32 v45, v48;
	v30 =	vld.idx.msk [tilespmem:v51+s10+$0x0], $0xffff  }
0x240: {  	v48 =	vsel vm0, $0x1, v2;
	vm1 =	vgt.f32 v43, v53;
	v62 =	vld.idx.msk [tilespmem:v56+s10+$0x0], $0xffff;
	vm0 =	vgt.f32 v38, v53  }
0x241: {  	v16 =	vmovc v3;
	v50 =	vor.u32 v48, v50;
	v3 =	vsel vm1, $0x10, v2;
	v29 =	vld.idx.msk [tilespmem:v29+s2+$0x0], $0xffff;
	v0 =	vor.u32 v58, v0  }
0x242: {  	vm1 =	vgt.f32 v4, v59;
	v59 =	vsel vm0, $0x10, v2;
	v48 =	vor.u32 v9, v3;
	v57 =	vld.idx.msk [tilespmem:v57+s10+$0x0], $0xffff;
	[tilespmem:$0x1FE40] =	vst v0  }
0x243: {  	v0 =	vor.u32 v9, v59;
	v1 =	vld.idx.msk [tilespmem:v28+s10+$0x0], $0xffff  }
0x244: {  	v52 =	vor.u32 v31, v32;
	vm2 =	vgt.f32 v39, v53  }
0x245: {  	vm3 =	vgt.f32 v46, v33;
	v33 =	vsel vm2, $0x10, v2;
	vm2 =	vgt.f32 v42, v30  }
0x246: {  	v45 =	vor.u32 v13, v49;
	v42 =	vld.idx.msk [tilespmem:v50+s2+$0x0], $0xffff;
	v50 =	vsel vm2, $0x1, v2  }
0x247: {  	vm2 =	vgt.f32 v37, v62;
	v37 =	vld.idx.msk [tilespmem:v48+s10+$0x0], $0xffff;
	v48 =	vor.u32 v50, v51  }
0x248: {  	v58 =	vsel vm2, $0x1, v2;
	v50 =	vld.idx.msk [tilespmem:v0+s10+$0x0], $0xffff;
	v0 =	vsel vm3, $0x8, v2;
	vm2 =	vgt.f32 v44, v1  }
0x249: {  	v54 =	vor.u32 v54, v0;
	v0 =	vsel vm2, $0x1, v2  }
0x24a: {  	v36 =	vsel vm1, $0x1, v2;
	vm1 =	vgt.f32 v10, v55;
	v52 =	vld.idx.msk [tilespmem:v52+s10+$0x0], $0xffff;
	v28 =	vor.u32 v0, v28  }
0x24b: {  	v4 =	vor.u32 v9, v33;
	vm4 =	vgt.f32 v40, v53;
	v53 =	vld.idx.msk [tilespmem:v45+s10+$0x0], $0xffff;
	[tilespmem:s20+$0x90] =	vst v29  }
0x24c: {  	v55 =	vsel vm4, $0x10, v2;
	v62 =	vld.idx.msk [tilespmem:v23+s10+$0x0], $0xffff;
	v1 =	vsel vm1, $0x4, v2;
	vm1 =	vgt.f32 v41, v57  }
0x24d: {  	v30 =	vor.u32 v9, v55;
	v45 =	vld [tilespmem:s19+$0xA0];
	v10 =	vor.u32 v1, v35;
	v1 =	vsel vm1, $0x4, v2  }
0x24e: {  	v29 =	vor.u32 v58, v56;
	v1 =	vor.u32 v1, v34;
	v34 =	vld.idx.msk [tilespmem:v48+s2+$0x0], $0xffff  }
0x24f: {  	vm15 =	vgt.f32 v27, v63;
	v28 =	vld.idx.msk [tilespmem:v28+s2+$0x0], $0xffff  }
0x250: {  	v63 =	vsel vm15, $0x4, v2  }
0x251: {  	vm0 =	vgt.f32 v8, v61;
	v9 =	vor.u32 v63, v60;
	v4 =	vld.idx.msk [tilespmem:v4+s10+$0x0], $0xffff  }
0x252: {  	[tilespmem:s20+$0xFFFFFF10] =	vst v42;
	v44 =	vor.u32 v31, v54;
	v35 =	vld.idx.msk [tilespmem:v30+s10+$0x0], $0xffff;
	vm1 =	vgt.f32 v43, v37  }
0x253: {  	vm2 =	vgt.f32 v45, v62;
	v37 =	vsel vm1, $0x8, v2;
	v29 =	vld.idx.msk [tilespmem:v29+s2+$0x0], $0xffff;
	v57 =	vor.u32 v6, v1;
	[tilespmem:s20+$0xFFFFFF90] =	vst v34  }
0x254: {  	vm1 =	vgt.f32 v11, v52;
	v52 =	vld.idx.msk [tilespmem:v23+s10+$0x0], $0xffff;
	v60 =	vsel vm2, $0x10, v2;
	v42 =	vor.u32 v3, v37;
	[tilespmem:s18+$0xB0] =	vst v28  }
0x255: {  	v8 =	vmovc v31;
	v31 =	vsel vm1, $0x4, v2;
	vm1 =	vgt.f32 v26, v53;
	v53 =	vor.u32 v14, v60;
	v3 =	vld [tilespmem:$0x1FEC0]  }
0x256: {  	vm2 =	vgt.f32 v39, v4;
	v37 =	vld [tilespmem:s19+$0xFFFFFF20];
	v51 =	vor.u32 v7, v42  }
0x257: {  	v32 =	vor.u32 v31, v32;
	vm3 =	vgt.f32 v38, v50;
	v31 =	vsel vm2, $0x8, v2;
	v50 =	vld.idx.msk [tilespmem:v44+s10+$0x0], $0xffff  }
0x258: {  	v4 =	vsel vm3, $0x8, v2;
	v33 =	vor.u32 v33, v31;
	vm2 =	vgt.f32 v40, v35;
	v34 =	vld.idx.msk [tilespmem:v57+s10+$0x0], $0xffff  }
0x259: {  	v35 =	vor.u32 v59, v4;
	v56 =	vor.u32 v7, v33;
	v31 =	vsel vm2, $0x8, v2;
	v57 =	vld.idx.msk [tilespmem:v23+s10+$0x0], $0xffff  }
0x25a: {  	v61 =	vor.u32 v7, v35;
	v55 =	vor.u32 v55, v31;
	v53 =	vld.idx.msk [tilespmem:v53+s10+$0x0], $0xffff  }
0x25b: {  	v48 =	vor.u32 v24, v10;
	v31 =	vsel vm1, $0x4, v2;
	v51 =	vld.idx.msk [tilespmem:v51+s10+$0x0], $0xffff;
	v63 =	vor.u32 v7, v55  }
0x25c: {  	v4 =	vor.u32 v31, v49;
	v28 =	vsel vm0, $0x1, v2;
	vm0 =	vgt.f32 v37, v52;
	v52 =	vld [tilespmem:s22+$0xC0]  }
0x25d: {  	v58 =	vor.u32 v28, v47;
	v28 =	vsel vm0, $0x10, v2;
	vm0 =	vgt.f32 v46, v50;
	v49 =	vld.idx.msk [tilespmem:v3+s10+$0x0], $0xffff  }
0x25e: {  	v44 =	vor.u32 v36, v18;
	v50 =	vld.idx.msk [tilespmem:v56+s10+$0x0], $0xffff;
	vm1 =	vgt.f32 v41, v34;
	v7 =	vsel vm0, $0x4, v2  }
0x25f: {  	v56 =	vld.idx.msk [tilespmem:v61+s10+$0x0], $0xffff;
	[tilespmem:s20+$0x10] =	vst v29;
	v47 =	vor.u32 v14, v28;
	v29 =	vor.u32 v7, v54  }
0x260: {  	v36 =	vsel vm1, $0x2, v2;
	vm0 =	vgt.f32 v43, v51;
	v34 =	vld.idx.msk [tilespmem:v63+s10+$0x0], $0xffff;
	v54 =	vor.u32 v6, v29  }
0x261: {  	v62 =	vor.u32 v6, v32;
	v61 =	vld.idx.msk [tilespmem:v23+s10+$0x0], $0xffff;
	v1 =	vor.u32 v36, v1;
	v51 =	vsel vm0, $0x4, v2  }
0x262: {  	v36 =	vor.u32 v22, v1;
	v63 =	vor.u32 v51, v42;
	v51 =	vld [tilespmem:s19+$0xFFFFFFA0];
	vm0 =	vgt.f32 v52, v49  }
0x263: {  	vm1 =	vgt.f32 v45, v53;
	v42 =	vld [tilespmem:s19+$0x20];
	v49 =	vor.u32 v16, v63;
	v31 =	vsel vm0, $0x10, v2  }
0x264: {  	v7 =	vsel vm1, $0x8, v2;
	v47 =	vld.idx.msk [tilespmem:v47+s10+$0x0], $0xffff;
	vm0 =	vgt.f32 v39, v50;
	v53 =	vor.u32 v17, v31  }
0x265: {  	v54 =	vld.idx.msk [tilespmem:v54+s10+$0x0], $0xffff;
	v50 =	vor.u32 v60, v7;
	v0 =	vsel vm0, $0x4, v2;
	vm0 =	vgt.f32 v38, v56  }
0x266: {  	v56 =	vld.idx.msk [tilespmem:v62+s10+$0x0], $0xffff;
	v60 =	vsel vm0, $0x4, v2;
	vm0 =	vgt.f32 v40, v34;
	v34 =	vor.u32 v15, v50  }
0x267: {  	v59 =	vor.u32 v24, v9;
	v30 =	vor.u32 v0, v33;
	v60 =	vor.u32 v60, v35;
	v35 =	vld.idx.msk [tilespmem:v36+s10+$0x0], $0xffff  }
0x268: {  	v7 =	vsel vm0, $0x4, v2;
	v62 =	vor.u32 v16, v30;
	v49 =	vld.idx.msk [tilespmem:v49+s10+$0x0], $0xffff  }
0x269: {  	vm0 =	vgt.f32 v51, v57;
	v33 =	vor.u32 v7, v55;
	v55 =	vor.u32 v16, v60;
	v57 =	vld.idx.msk [tilespmem:v53+s10+$0x0], $0xffff  }
0x26a: {  	vm1 =	vgt.f32 v42, v61;
	vm2 =	vgt.f32 v37, v47;
	v61 =	vsel vm0, $0x10, v2;
	v53 =	vld.idx.msk [tilespmem:v48+s10+$0x0], $0xffff  }
0x26b: {  	v7 =	vsel vm2, $0x8, v2;
	v1 =	vor.u32 v16, v33;
	vm0 =	vgt.f32 v11, v56;
	v34 =	vld.idx.msk [tilespmem:v34+s10+$0x0], $0xffff  }
0x26c: {  	v28 =	vor.u32 v28, v7;
	v7 =	vsel vm0, $0x2, v2;
	vm0 =	vgt.f32 v46, v54;
	v54 =	vld.idx.msk [tilespmem:v59+s10+$0x0], $0xffff  }
0x26d: {  	v47 =	vsel vm1, $0x10, v2;
	v48 =	vld.idx.msk [tilespmem:v62+s10+$0x0], $0xffff  }
0x26e: {  	v0 =	vor.u32 v14, v47;
	v56 =	vor.u32 v14, v61;
	v32 =	vor.u32 v7, v32;
	v55 =	vld.idx.msk [tilespmem:v55+s10+$0x0], $0xffff  }
0x26f: {  	v23 =	vmovc v4;
	v7 =	vsel vm0, $0x2, v2;
	vm0 =	vgt.f32 v43, v49;
	v49 =	vor.u32 v24, v4;
	v4 =	vld [tilespmem:$0x1FF70]  }
0x270: {  	v59 =	vor.u32 v15, v28;
	v29 =	vor.u32 v7, v29;
	v7 =	vsel vm0, $0x2, v2;
	v1 =	vld.idx.msk [tilespmem:v1+s10+$0x0], $0xffff  }
0x271: {  	v32 =	vor.u32 v22, v32;
	vm0 =	vgt.f32 v52, v57;
	v57 =	vor.u32 v7, v63;
	v63 =	vld [tilespmem:$0x1FE40]  }
0x272: {  	v62 =	vor.u32 v22, v29;
	vm1 =	vgt.f32 v45, v34;
	v34 =	vsel vm0, $0x8, v2  }
0x273: {  	v56 =	vld.idx.msk [tilespmem:v56+s10+$0x0], $0xffff;
	v57 =	vor.u32 v5, v57;
	v31 =	vor.u32 v31, v34;
	vm0 =	vgt.f32 v39, v48  }
0x274: {  	v0 =	vld.idx.msk [tilespmem:v0+s10+$0x0], $0xffff;
	v48 =	vor.u32 v13, v31;
	v7 =	vsel vm0, $0x2, v2;
	vm0 =	vgt.f32 v38, v55  }
0x275: {  	v22 =	vld.idx.msk [tilespmem:v44+s2+$0x0], $0xffff;
	vm2 =	vgt.f32 v40, v1;
	v1 =	vor.u32 v7, v30;
	v30 =	vsel vm0, $0x2, v2  }
0x276: {  	v34 =	vld.idx.msk [tilespmem:v59+s10+$0x0], $0xffff;
	v29 =	vor.u32 v4, v63;
	v63 =	vsel vm1, $0x4, v2;
	vm1 =	vgt.f32 v41, v35  }
0x277: {  	v59 =	vld.idx.msk [tilespmem:v32+s10+$0x0], $0xffff;
	v55 =	vsel vm2, $0x2, v2;
	v1 =	vor.u32 v5, v1;
	v41 =	vor.u32 v63, v50  }
0x278: {  	v35 =	vld.idx.msk [tilespmem:v49+s10+$0x0], $0xffff;
	v30 =	vor.u32 v30, v60;
	vm0 =	vgt.f32 v51, v56;
	v50 =	vor.u32 v25, v41  }
0x279: {  	v60 =	vld.idx.msk [tilespmem:v57+s10+$0x0], $0xffff;
	v33 =	vor.u32 v55, v33;
	v7 =	vsel vm1, $0x1, v2;
	v30 =	vor.u32 v5, v30  }
0x27a: {  	v63 =	vld.idx.msk [tilespmem:v62+s10+$0x0], $0xffff;
	v56 =	vsel vm0, $0x8, v2;
	vm0 =	vgt.f32 v42, v0;
	v33 =	vor.u32 v5, v33  }
0x27b: {  	vm1 =	vgt.f32 v37, v34;
	v34 =	vor.u32 v61, v56;
	v0 =	vsel vm0, $0x8, v2;
	v48 =	vld.idx.msk [tilespmem:v48+s10+$0x0], $0xffff  }
0x27c: {  	v36 =	vor.u32 v7, v36;
	v5 =	vsel vm1, $0x4, v2;
	vm0 =	vgt.f32 v11, v59;
	v44 =	vld.idx.msk [tilespmem:v1+s10+$0x0], $0xffff  }
0x27d: {  	v47 =	vor.u32 v47, v0;
	v61 =	vor.u32 v15, v34;
	v11 =	vsel vm0, $0x1, v2;
	v56 =	vld.idx.msk [tilespmem:v50+s10+$0x0], $0xffff  }
0x27e: {  	v59 =	vor.u32 v15, v47;
	v15 =	vld.idx.msk [tilespmem:v58+s2+$0x0], $0xffff;
	v32 =	vor.u32 v11, v32;
	vm1 =	vgt.f32 v43, v60  }
0x27f: {  	v55 =	vld.idx.msk [tilespmem:v29+s10+$0x0], $0xffff;
	v60 =	vsel vm1, $0x1, v2  }
0x280: {  	v28 =	vor.u32 v5, v28;
	v0 =	vld.idx.msk [tilespmem:v30+s10+$0x0], $0xffff;
	vm2 =	vgt.f32 v52, v48;
	v57 =	vor.u32 v60, v57  }
0x281: {  	v43 =	vor.u32 v25, v28;
	v36 =	vld.idx.msk [tilespmem:v36+s2+$0x0], $0xffff;
	v7 =	vsel vm2, $0x4, v2  }
0x282: {  	v48 =	vld.idx.msk [tilespmem:v33+s10+$0x0], $0xffff;
	v31 =	vor.u32 v7, v31;
	vm0 =	vgt.f32 v39, v44;
	vm1 =	vgt.f32 v45, v56  }
0x283: {  	v32 =	vld.idx.msk [tilespmem:v32+s2+$0x0], $0xffff;
	v7 =	vor.u32 v24, v31;
	v44 =	vsel vm0, $0x1, v2;
	v5 =	vsel vm1, $0x2, v2  }
0x284: {  	v56 =	vld.idx.msk [tilespmem:v61+s10+$0x0], $0xffff;
	v1 =	vor.u32 v44, v1;
	v11 =	vor.u32 v5, v41  }
0x285: {  	vm1 =	vgt.f32 v38, v0;
	v58 =	vld.idx.msk [tilespmem:v57+s2+$0x0], $0xffff;
	v39 =	vor.u32 v21, v11  }
0x286: {  	v0 =	vld.idx.msk [tilespmem:v43+s10+$0x0], $0xffff;
	v49 =	vsel vm1, $0x1, v2  }
0x287: {  	vm0 =	vgt.f32 v40, v48;
	v41 =	vld.idx.msk [tilespmem:v59+s10+$0x0], $0xffff;
	v30 =	vor.u32 v49, v30  }
0x288: {  	vm1 =	vgt.f32 v46, v63;
	v50 =	vsel vm0, $0x1, v2;
	v60 =	vld.idx.msk [tilespmem:v7+s10+$0x0], $0xffff  }
0x289: {  	s21 =	simm.s32 $0x9D00;
	v59 =	vsel vm1, $0x1, v2;
	v33 =	vor.u32 v50, v33;
	vm0 =	vgt.f32 v51, v56;
	v1 =	vld.idx.msk [tilespmem:v1+s2+$0x0], $0xffff  }
0x28a: {  	v43 =	vor.u32 v59, v62;
	v61 =	vsel vm0, $0x4, v2;
	[tilespmem:s21+$0x80] =	vst v58;
	v62 =	vld.idx.msk [tilespmem:v39+s10+$0x0], $0xffff  }
0x28b: {  	v34 =	vor.u32 v61, v34;
	v5 =	vld [tilespmem:$0x1FFD0]  }
0x28c: {  	v63 =	vor.u32 v25, v34;
	v30 =	vld.idx.msk [tilespmem:v30+s2+$0x0], $0xffff  }
0x28d: {  	v44 =	vld [tilespmem:s23+$0x90]  }
0x28e: {  	v33 =	vld.idx.msk [tilespmem:v33+s2+$0x0], $0xffff;
	vm0 =	vgt.f32 v52, v60  }
0x28f: {  	vm1 =	vgt.f32 v37, v0;
	v40 =	vld.idx.msk [tilespmem:v43+s2+$0x0], $0xffff;
	v50 =	vsel vm0, $0x2, v2;
	[tilespmem:s21+$0xFFFFFF00] =	vst v1;
	vm0 =	vgt.f32 v45, v62  }
0x290: {  	v59 =	vsel vm1, $0x2, v2;
	v48 =	vld [tilespmem:s23+$0xFFFFFF10];
	v56 =	vsel vm0, $0x1, v2  }
0x291: {  	v28 =	vor.u32 v59, v28;
	v1 =	vld.idx.msk [tilespmem:v63+s10+$0x0], $0xffff;
	[tilespmem:s21+$0xFFFFFF80] =	vst v30;
	v30 =	vor.u32 v56, v39  }
0x292: {  	v28 =	vor.u32 v21, v28;
	v46 =	vld [tilespmem:s23+$0xFFFFFF90]  }
0x293: {  	[tilespmem:s21+$0x0] =	vst v33;
	vm0 =	vgt.f32 v42, v41;
	v11 =	vld.idx.msk [tilespmem:v5+s10+$0x0], $0xffff  }
0x294: {  	v31 =	vor.u32 v50, v31;
	v45 =	vld [tilespmem:s23+$0x10];
	v0 =	vsel vm0, $0x4, v2  }
0x295: {  	v31 =	vor.u32 v4, v31;
	v57 =	vld.idx.msk [tilespmem:v5+s10+$0x0], $0xffff;
	v0 =	vor.u32 v0, v47  }
0x296: {  	v61 =	vor.u32 v25, v0;
	v30 =	vld.idx.msk [tilespmem:v30+s2+$0x0], $0xffff  }
0x297: {  	v41 =	vld.idx.msk [tilespmem:v28+s10+$0x0], $0xffff  }
0x298: {  	v58 =	vld.idx.msk [tilespmem:v5+s10+$0x0], $0xffff;
	vm0 =	vgt.f32 v44, v11  }
0x299: {  	v60 =	vld.idx.msk [tilespmem:v5+s10+$0x0], $0xffff;
	v38 =	vsel vm0, $0x10, v2  }
0x29a: {  	[tilespmem:s18+$0xFFFFFF30] =	vst v36;
	v62 =	vld.idx.msk [tilespmem:v31+s10+$0x0], $0xffff;
	vm0 =	vgt.f32 v51, v1;
	v63 =	vor.u32 v12, v38  }
0x29b: {  	v1 =	vsel vm0, $0x2, v2;
	vm0 =	vgt.f32 v48, v57;
	v33 =	vld.idx.msk [tilespmem:v61+s10+$0x0], $0xffff;
	[tilespmem:s20+$0xA0] =	vst v30  }
0x29c: {  	v1 =	vor.u32 v1, v34;
	v34 =	vsel vm0, $0x10, v2;
	v11 =	vld [tilespmem:$0x1FF30]  }
0x29d: {  	v7 =	vor.u32 v12, v34;
	v30 =	vld.idx.msk [tilespmem:v3+s10+$0x0], $0xffff  }
0x29e: {  	v1 =	vor.u32 v21, v1;
	v39 =	vld [tilespmem:s19+$0xB0];
	[tilespmem:s18+$0xFFFFFFB0] =	vst v32  }
0x29f: {  	vm1 =	vgt.f32 v46, v58;
	vm0 =	vgt.f32 v52, v62;
	[tilespmem:s18+$0x30] =	vst v40;
	v49 =	vld.idx.msk [tilespmem:v63+s10+$0x0], $0xffff  }
0x2a0: {  	v47 =	vsel vm1, $0x10, v2;
	v59 =	vsel vm0, $0x1, v2;
	vm0 =	vgt.f32 v45, v60;
	v18 =	vld [tilespmem:$0x1FFF0]  }
0x2a1: {  	v31 =	vor.u32 v59, v31;
	v56 =	vsel vm0, $0x10, v2;
	vm0 =	vgt.f32 v42, v33;
	v33 =	vld [tilespmem:s22+$0xFFFFFF40]  }
0x2a2: {  	v60 =	vor.u32 v12, v47;
	v63 =	vld.idx.msk [tilespmem:v7+s10+$0x0], $0xffff  }
0x2a3: {  	v61 =	vor.u32 v12, v56;
	v62 =	vld.idx.msk [tilespmem:v1+s10+$0x0], $0xffff  }
0x2a4: {  	v7 =	vsel vm0, $0x2, v2;
	v43 =	vld.idx.msk [tilespmem:v11+s10+$0x0], $0xffff  }
0x2a5: {  	v0 =	vor.u32 v7, v0;
	v7 =	vld [tilespmem:$0x1FF40]  }
0x2a6: {  	vm0 =	vgt.f32 v37, v41;
	v0 =	vor.u32 v21, v0;
	v21 =	vld.idx.msk [tilespmem:v31+s2+$0x0], $0xffff;
	vm1 =	vgt.f32 v44, v49  }
0x2a7: {  	v50 =	vsel vm0, $0x1, v2;
	v31 =	vld.idx.msk [tilespmem:v60+s10+$0x0], $0xffff;
	v57 =	vsel vm1, $0x8, v2;
	vm1 =	vgt.f32 v48, v63  }
0x2a8: {  	v28 =	vor.u32 v50, v28;
	v59 =	vld.idx.msk [tilespmem:v61+s10+$0x0], $0xffff;
	v38 =	vor.u32 v38, v57;
	v63 =	vsel vm1, $0x8, v2  }
0x2a9: {  	v37 =	vld.idx.msk [tilespmem:v3+s10+$0x0], $0xffff;
	v60 =	vor.u32 v18, v38;
	v34 =	vor.u32 v34, v63;
	vm0 =	vgt.f32 v39, v43  }
0x2aa: {  	v49 =	vld.idx.msk [tilespmem:v3+s10+$0x0], $0xffff;
	v50 =	vor.u32 v18, v34;
	v41 =	vsel vm0, $0x10, v2;
	vm0 =	vgt.f32 v51, v62  }
0x2ab: {  	v3 =	vld [tilespmem:$0x1FE50];
	v61 =	vor.u32 v7, v41;
	v62 =	vsel vm0, $0x1, v2  }
0x2ac: {  	v32 =	vld.idx.msk [tilespmem:v0+s10+$0x0], $0xffff;
	vm3 =	vgt.f32 v46, v31;
	v1 =	vor.u32 v62, v1  }
0x2ad: {  	v51 =	vld.idx.msk [tilespmem:v28+s2+$0x0], $0xffff;
	v28 =	vsel vm3, $0x8, v2;
	vm3 =	vgt.f32 v45, v59  }
0x2ae: {  	vm2 =	vgt.f32 v27, v54;
	v31 =	vld.idx.msk [tilespmem:v60+s10+$0x0], $0xffff;
	v43 =	vor.u32 v47, v28;
	v28 =	vsel vm3, $0x8, v2  }
0x2af: {  	v62 =	vsel vm2, $0x2, v2;
	v54 =	vor.u32 v56, v28;
	vm2 =	vgt.f32 v33, v30;
	v30 =	vld.idx.msk [tilespmem:v50+s10+$0x0], $0xffff  }
0x2b0: {  	vm1 =	vgt.f32 v3, v53;
	vm0 =	vgt.f32 v26, v35;
	v60 =	vor.u32 v18, v54;
	v40 =	vld.idx.msk [tilespmem:v61+s10+$0x0], $0xffff  }
0x2b1: {  	v63 =	vor.u32 v18, v43;
	v61 =	vsel vm1, $0x2, v2;
	vm1 =	vgt.f32 v42, v32;
	v1 =	vld.idx.msk [tilespmem:v1+s2+$0x0], $0xffff  }
0x2b2: {  	v35 =	vld [tilespmem:s22+$0xFFFFFFC0];
	[tilespmem:s20+$0xFFFFFF20] =	vst v51;
	v32 =	vor.u32 v62, v9;
	v9 =	vmovc v11;
	v56 =	vor.u32 v61, v10;
	v61 =	vsel vm1, $0x1, v2  }
0x2b3: {  	v47 =	vld.idx.msk [tilespmem:v11+s10+$0x0], $0xffff;
	vm1 =	vgt.f32 v44, v31;
	v0 =	vor.u32 v61, v0  }
0x2b4: {  	v42 =	vsel vm2, $0x10, v2;
	v36 =	vld [tilespmem:s19+$0xFFFFFF30];
	v31 =	vsel vm1, $0x4, v2  }
0x2b5: {  	v51 =	vor.u32 v17, v42;
	v52 =	vor.u32 v31, v38;
	v38 =	vld.idx.msk [tilespmem:v60+s10+$0x0], $0xffff  }
0x2b6: {  	vm1 =	vgt.f32 v39, v40;
	v40 =	vld.idx.msk [tilespmem:v63+s10+$0x0], $0xffff;
	[tilespmem:s20+$0xFFFFFFA0] =	vst v1  }
0x2b7: {  	v59 =	vld.idx.msk [tilespmem:v9+s10+$0x0], $0xffff  }
0x2b8: {  	v53 =	vor.u32 v20, v52;
	v31 =	vsel vm1, $0x8, v2;
	vm1 =	vgt.f32 v48, v30;
	v0 =	vld.idx.msk [tilespmem:v0+s2+$0x0], $0xffff  }
0x2b9: {  	v41 =	vor.u32 v41, v31;
	v1 =	vld [tilespmem:$0x1FE60];
	v63 =	vsel vm1, $0x4, v2;
	vm1 =	vgt.f32 v36, v47  }
0x2ba: {  	v58 =	vor.u32 v63, v34;
	v34 =	vld.idx.msk [tilespmem:v51+s10+$0x0], $0xffff;
	v51 =	vsel vm1, $0x10, v2;
	vm1 =	vgt.f32 v45, v38  }
0x2bb: {  	vm2 =	vgt.f32 v35, v37;
	v37 =	vld [tilespmem:s19+$0xFFFFFFB0];
	v60 =	vor.u32 v8, v41;
	v38 =	vsel vm1, $0x4, v2  }
0x2bc: {  	v28 =	vld [tilespmem:s22+$0x40];
	v63 =	vor.u32 v38, v54  }
0x2bd: {  	v62 =	vsel vm0, $0x2, v2;
	[tilespmem:s20+$0x20] =	vst v0;
	v0 =	vor.u32 v20, v63  }
0x2be: {  	v11 =	vor.u32 v62, v23;
	v57 =	vsel vm2, $0x10, v2  }
0x2bf: {  	v31 =	vor.u32 v4, v56;
	v56 =	vor.u32 v7, v51;
	vm2 =	vgt.f32 v46, v40;
	v40 =	vld.idx.msk [tilespmem:v53+s10+$0x0], $0xffff  }
0x2c0: {  	vm0 =	vgt.f32 v1, v55;
	v55 =	vor.u32 v17, v57;
	vm1 =	vgt.f32 v37, v59;
	v53 =	vld.idx.msk [tilespmem:v60+s10+$0x0], $0xffff  }
0x2c1: {  	v30 =	vsel vm0, $0x1, v2;
	vm0 =	vgt.f32 v28, v49;
	v49 =	vor.u32 v20, v58;
	v62 =	vld.idx.msk [tilespmem:v9+s10+$0x0], $0xffff  }
0x2c2: {  	v50 =	vsel vm2, $0x4, v2;
	v59 =	vsel vm1, $0x10, v2;
	v30 =	vor.u32 v30, v29;
	v29 =	vld.idx.msk [tilespmem:v0+s10+$0x0], $0xffff  }
0x2c3: {  	v47 =	vsel vm0, $0x10, v2;
	vm0 =	vgt.f32 v33, v34;
	v34 =	vor.u32 v7, v59;
	v0 =	vld [tilespmem:$0x1FE70]  }
0x2c4: {  	v61 =	vor.u32 v50, v43;
	v38 =	vld [tilespmem:s19+$0x30]  }
0x2c5: {  	v43 =	vld.idx.msk [tilespmem:v55+s10+$0x0], $0xffff;
	v55 =	vor.u32 v20, v61  }
0x2c6: {  	v32 =	vor.u32 v4, v32;
	v1 =	vor.u32 v17, v47;
	vm1 =	vgt.f32 v44, v40;
	v49 =	vld.idx.msk [tilespmem:v49+s10+$0x0], $0xffff  }
0x2c7: {  	v60 =	vsel vm0, $0x8, v2;
	v9 =	vsel vm1, $0x2, v2;
	vm2 =	vgt.f32 v39, v53;
	v53 =	vld.idx.msk [tilespmem:v56+s10+$0x0], $0xffff  }
0x2c8: {  	v42 =	vor.u32 v42, v60;
	v40 =	vor.u32 v9, v52;
	v34 =	vld.idx.msk [tilespmem:v34+s10+$0x0], $0xffff;
	[tilespmem:s16+$0xC0] =	vst v0  }
0x2c9: {  	v9 =	vor.u32 v13, v42;
	v60 =	vor.u32 v19, v40;
	v50 =	vsel vm2, $0x4, v2;
	v0 =	vld [tilespmem:$0x1FE80]  }
0x2ca: {  	vm1 =	vgt.f32 v38, v62;
	v54 =	vor.u32 v50, v41;
	v56 =	vld.idx.msk [tilespmem:v55+s10+$0x0], $0xffff;
	vm0 =	vgt.f32 v35, v43  }
0x2cb: {  	v40 =	vld.idx.msk [tilespmem:v31+s10+$0x0], $0xffff;
	v50 =	vor.u32 v6, v54;
	v55 =	vsel vm0, $0x8, v2;
	vm0 =	vgt.f32 v48, v49  }
0x2cc: {  	v14 =	vmovc v26;
	v6 =	vld.idx.msk [tilespmem:v1+s10+$0x0], $0xffff;
	vm2 =	vgt.f32 v45, v29;
	v43 =	vor.u32 v57, v55;
	v1 =	vsel vm0, $0x2, v2  }
0x2cd: {  	v10 =	vmovc v18;
	v18 =	vmovc v12;
	v55 =	vsel vm1, $0x10, v2;
	vm0 =	vgt.f32 v36, v53;
	v57 =	vor.u32 v13, v43  }
0x2ce: {  	v41 =	vld.idx.msk [tilespmem:v32+s10+$0x0], $0xffff;
	v1 =	vor.u32 v1, v58;
	v29 =	vsel vm0, $0x8, v2;
	[tilespmem:s17+$0xC0] =	vst v0;
	v0 =	vor.u32 v7, v55  }
0x2cf: {  	v49 =	vld.idx.msk [tilespmem:v9+s10+$0x0], $0xffff;
	vm0 =	vgt.f32 v37, v34;
	v62 =	vor.u32 v19, v1;
	vm1 =	vgt.f32 v46, v56  }
0x2d0: {  	v17 =	vmovc v5;
	[tilespmem:s16+$0xFFFFFF40] =	vst v22;
	v1 =	vld.idx.msk [tilespmem:v60+s10+$0x0], $0xffff;
	v52 =	vor.u32 v51, v29;
	v9 =	vsel vm0, $0x8, v2;
	v29 =	vsel vm1, $0x2, v2  }
0x2d1: {  	[tilespmem:s16+$0xFFFFFFC0] =	vst v15;
	vm0 =	vgt.f32 v3, v40;
	v56 =	vld.idx.msk [tilespmem:v50+s10+$0x0], $0xffff;
	v7 =	vor.u32 v29, v61;
	v29 =	vsel vm2, $0x2, v2  }
0x2d2: {  	v53 =	vor.u32 v59, v9;
	vm1 =	vgt.f32 v28, v6;
	v58 =	vor.u32 v29, v63;
	v50 =	vld.idx.msk [tilespmem:v57+s10+$0x0], $0xffff  }
0x2d3: {  	v40 =	vor.u32 v8, v53;
	v29 =	vor.u32 v4, v11;
	v61 =	vor.u32 v19, v58;
	v58 =	vld.idx.msk [tilespmem:v0+s10+$0x0], $0xffff  }
0x2d4: {  	s24 =	simm.s32 $0x10;
	s22 =	simm.s32 $0x1D00;
	[tilespmem:s18+$0xC0] =	vst v21;
	v63 =	vor.u32 v19, v7;
	v57 =	vor.u32 v8, v52;
	v19 =	vmov v10;
	v0 =	vld.idx.msk [tilespmem:v62+s10+$0x0], $0xffff  }
.LBB2_3:
0x2d5: {  	v3 =	vld [tilespmem:$0x1FFA0]  }
0x2d6: {  	v13 =	vld [tilespmem:$0x1FF50]  }
0x2d7: {  	v25 =	vld [tilespmem:$0x1FEA0]  }
0x2d8: {  	v8 =	vld [tilespmem:$0x1FFB0]  }
0x2d9: {  	v40 =	vld.idx.msk [tilespmem:v40+s10+$0x0], $0xffff  }
0x2da: {  	v22 =	vld [tilespmem:$0x1FEB0]  }
0x2db: {  	v10 =	vld [tilespmem:$0x1FEE0]  }
0x2dc: {  	v15 =	vmov v14;
	v14 =	vld [tilespmem:$0x1FF60]  }
0x2dd: {  	v26 =	vld [tilespmem:$0x1FE90]  }
0x2de: {  	v11 =	vld [tilespmem:$0x1FFC0]  }
0x2df: {  	v12 =	vld [tilespmem:$0x1FEF0]  }
0x2e0: {  	s23 =	sadd.s32 $0x200, s23;
	v23 =	vld [tilespmem:$0x1FEC0]  }
0x2e1: {  	v4 =	vsel vm1, $0x8, v2;
	v59 =	vsel vm0, $0x1, v2;
	v51 =	vld [tilespmem:s23+$0x80]  }
0x2e2: {  	vm0 =	vgt.f32 v27, v41;
	vm1 =	vgt.f32 v44, v1;
	vm2 =	vgt.f32 v39, v56;
	v44 =	vld [tilespmem:s23+$0xFFFFFF80]  }
0x2e3: {  	v1 =	vor.u32 v47, v4;
	vm3 =	vgt.f32 v38, v58;
	v56 =	vsel vm2, $0x2, v2;
	v3 =	vld.idx.msk [tilespmem:v3+s10+$0x0], $0xffff  }
0x2e4: {  	v34 =	vmovc v33;
	v27 =	vmovc v35;
	v35 =	vld [tilespmem:s23+$0x0];
	vm4 =	vgt.f32 v48, v0;
	v47 =	vsel vm1, $0x1, v2;
	v33 =	vor.u32 v56, v54  }
0x2e5: {  	v41 =	vor.u32 v13, v1;
	v4 =	vor.u32 v47, v60;
	v47 =	vld [tilespmem:s23+$0xFFFFFF00];
	v33 =	vor.u32 v25, v33  }
0x2e6: {  	v0 =	vld.idx.msk [tilespmem:v63+s10+$0x0], $0xffff;
	vm2 =	vgt.f32 v34, v49;
	vm1 =	vgt.f32 v27, v50;
	v58 =	vsel vm3, $0x8, v2  }
0x2e7: {  	v49 =	vsel vm2, $0x4, v2;
	v60 =	vsel vm4, $0x1, v2;
	v54 =	vld.idx.msk [tilespmem:v61+s10+$0x0], $0xffff;
	v55 =	vor.u32 v55, v58  }
0x2e8: {  	v24 =	vld [tilespmem:$0x1FED0];
	v48 =	vor.u32 v60, v62;
	vm2 =	vgt.f32 v51, v3;
	vm3 =	vgt.f32 v44, v3  }
0x2e9: {  	v50 =	vld.idx.msk [tilespmem:v57+s10+$0x0], $0xffff;
	v56 =	vsel vm2, $0x10, v2;
	v57 =	vsel vm3, $0x10, v2;
	vm2 =	vgt.f32 v35, v3  }
0x2ea: {  	v62 =	vld.idx.msk [tilespmem:v33+s10+$0x0], $0xffff;
	vm3 =	vgt.f32 v47, v3;
	v58 =	vor.u32 v8, v56;
	v3 =	vor.u32 v8, v57  }
0x2eb: {  	v4 =	vld.idx.msk [tilespmem:v4+s2+$0x0], $0xffff;
	v60 =	vsel vm2, $0x10, v2;
	v5 =	vsel vm3, $0x10, v2;
	vm2 =	vgt.f32 v46, v0  }
0x2ec: {  	v0 =	vsel vm1, $0x4, v2;
	v46 =	vld.idx.msk [tilespmem:v41+s10+$0x0], $0xffff;
	vm1 =	vgt.f32 v45, v54;
	v41 =	vor.u32 v49, v42  }
0x2ed: {  	v21 =	vld [tilespmem:$0x1FF00];
	v6 =	vor.u32 v8, v60;
	v8 =	vor.u32 v8, v5;
	v9 =	vsel vm2, $0x1, v2  }
0x2ee: {  	v48 =	vld.idx.msk [tilespmem:v48+s2+$0x0], $0xffff;
	v45 =	vsel vm1, $0x1, v2;
	vm1 =	vgt.f32 v36, v50;
	v9 =	vor.u32 v9, v63  }
0x2ef: {  	v63 =	vor.u32 v45, v61;
	v45 =	vsel vm1, $0x4, v2;
	vm1 =	vgt.f32 v39, v62;
	v42 =	vld.idx.msk [tilespmem:v58+s10+$0x0], $0xffff  }
0x2f0: {  	v50 =	vsel vm1, $0x1, v2;
	v3 =	vld.idx.msk [tilespmem:v3+s10+$0x0], $0xffff;
	[tilespmem:s21+$0x90] =	vst v4  }
0x2f1: {  	v43 =	vor.u32 v0, v43;
	v33 =	vor.u32 v50, v33;
	v0 =	vld.idx.msk [tilespmem:v10+s10+$0x0], $0xffff  }
0x2f2: {  	v39 =	vld [tilespmem:s22+$0xA0]  }
0x2f3: {  	v8 =	vld.idx.msk [tilespmem:v8+s10+$0x0], $0xffff  }
0x2f4: {  	v6 =	vld.idx.msk [tilespmem:v6+s10+$0x0], $0xffff  }
0x2f5: {  	vm2 =	vgt.f32 v37, v40;
	v4 =	vor.u32 v45, v52;
	v52 =	vor.u32 v14, v41;
	v9 =	vld.idx.msk [tilespmem:v9+s2+$0x0], $0xffff  }
0x2f6: {  	vm1 =	vgt.f32 v28, v46;
	v46 =	vor.u32 v59, v31;
	[tilespmem:s21+$0xFFFFFF10] =	vst v48;
	v49 =	vld.idx.msk [tilespmem:v33+s2+$0x0], $0xffff  }
0x2f7: {  	v58 =	vsel vm2, $0x4, v2;
	v54 =	vor.u32 v26, v4;
	v33 =	vld [tilespmem:s22+$0xFFFFFF20]  }
0x2f8: {  	v7 =	vor.u32 v22, v55;
	v50 =	vor.u32 v58, v53;
	vm2 =	vgt.f32 v44, v3;
	v3 =	vld.idx.msk [tilespmem:v63+s2+$0x0], $0xffff  }
0x2f9: {  	v53 =	vor.u32 v14, v43;
	v61 =	vsel vm1, $0x4, v2;
	vm1 =	vgt.f32 v51, v42;
	v42 =	vld.idx.msk [tilespmem:v10+s10+$0x0], $0xffff  }
0x2fa: {  	v45 =	vor.u32 v61, v1;
	v52 =	vld.idx.msk [tilespmem:v52+s10+$0x0], $0xffff;
	v1 =	vsel vm1, $0x8, v2;
	v62 =	vsel vm2, $0x8, v2  }
0x2fb: {  	v46 =	vld.idx.msk [tilespmem:v46+s2+$0x0], $0xffff;
	vm1 =	vgt.f32 v39, v0;
	v1 =	vor.u32 v56, v1;
	v0 =	vor.u32 v57, v62  }
0x2fc: {  	v56 =	vsel vm1, $0x10, v2;
	vm1 =	vgt.f32 v47, v8;
	[tilespmem:s21+$0xFFFFFF90] =	vst v9;
	v9 =	vld.idx.msk [tilespmem:v54+s10+$0x0], $0xffff;
	v40 =	vor.u32 v11, v1  }
0x2fd: {  	v57 =	vor.u32 v12, v56;
	v63 =	vsel vm1, $0x8, v2;
	vm1 =	vgt.f32 v35, v6;
	v6 =	vld.idx.msk [tilespmem:v7+s10+$0x0], $0xffff  }
0x2fe: {  	v53 =	vld.idx.msk [tilespmem:v53+s10+$0x0], $0xffff;
	v61 =	vsel vm1, $0x8, v2  }
0x2ff: {  	v5 =	vor.u32 v5, v63;
	v59 =	vor.u32 v60, v61;
	v60 =	vld.idx.msk [tilespmem:v10+s10+$0x0], $0xffff  }
0x300: {  	v7 =	vsel vm0, $0x1, v2;
	v54 =	vor.u32 v11, v5;
	vm0 =	vgt.f32 v33, v42;
	v42 =	vld [tilespmem:s22+$0xFFFFFFA0]  }
0x301: {  	v8 =	vor.u32 v11, v0;
	v40 =	vld.idx.msk [tilespmem:v40+s10+$0x0], $0xffff  }
0x302: {  	v48 =	vor.u32 v14, v45;
	v31 =	vor.u32 v7, v32;
	v7 =	vld.idx.msk [tilespmem:v57+s10+$0x0], $0xffff;
	[tilespmem:s20+$0xB0] =	vst v49  }
0x303: {  	[tilespmem:s21+$0x10] =	vst v3;
	v3 =	vor.u32 v11, v59;
	v61 =	vld.idx.msk [tilespmem:v23+s10+$0x0], $0xffff  }
0x304: {  	vm1 =	vgt.f32 v36, v9;
	v49 =	vld [tilespmem:s19+$0xC0]  }
0x305: {  	v57 =	vsel vm0, $0x10, v2;
	vm0 =	vgt.f32 v38, v6;
	v63 =	vsel vm1, $0x2, v2;
	v6 =	vld.idx.msk [tilespmem:v54+s10+$0x0], $0xffff  }
0x306: {  	v58 =	vor.u32 v26, v50;
	v8 =	vld.idx.msk [tilespmem:v8+s10+$0x0], $0xffff;
	v4 =	vor.u32 v63, v4;
	v54 =	vsel vm0, $0x4, v2  }
0x307: {  	v48 =	vld.idx.msk [tilespmem:v48+s10+$0x0], $0xffff;
	v62 =	vor.u32 v12, v57;
	v32 =	vor.u32 v25, v4;
	v9 =	vor.u32 v54, v55  }
0x308: {  	v3 =	vld.idx.msk [tilespmem:v3+s10+$0x0], $0xffff;
	v54 =	vor.u32 v26, v9;
	vm0 =	vgt.f32 v51, v40;
	vm1 =	vgt.f32 v39, v7  }
0x309: {  	v30 =	vld.idx.msk [tilespmem:v30+s2+$0x0], $0xffff;
	v40 =	vsel vm0, $0x4, v2;
	vm0 =	vgt.f32 v49, v61;
	v11 =	vsel vm1, $0x8, v2  }
0x30a: {  	v55 =	vld.idx.msk [tilespmem:v10+s10+$0x0], $0xffff;
	v1 =	vor.u32 v40, v1;
	v7 =	vsel vm0, $0x10, v2;
	vm0 =	vgt.f32 v47, v6  }
0x30b: {  	v40 =	vld [tilespmem:s22+$0x20];
	v4 =	vor.u32 v16, v1;
	v63 =	vsel vm0, $0x4, v2;
	vm0 =	vgt.f32 v44, v8  }
0x30c: {  	v6 =	vld.idx.msk [tilespmem:v62+s10+$0x0], $0xffff;
	v62 =	vor.u32 v24, v7;
	v8 =	vor.u32 v56, v11;
	v61 =	vsel vm0, $0x4, v2  }
0x30d: {  	v56 =	vld.idx.msk [tilespmem:v58+s10+$0x0], $0xffff;
	vm0 =	vgt.f32 v35, v3;
	v3 =	vor.u32 v21, v8;
	v5 =	vor.u32 v63, v5  }
0x30e: {  	v54 =	vld.idx.msk [tilespmem:v54+s10+$0x0], $0xffff;
	v0 =	vor.u32 v61, v0;
	v58 =	vsel vm0, $0x4, v2;
	v63 =	vor.u32 v16, v5  }
0x30f: {  	v61 =	vld.idx.msk [tilespmem:v32+s10+$0x0], $0xffff;
	v10 =	vor.u32 v16, v0;
	v58 =	vor.u32 v58, v59  }
0x310: {  	vm0 =	vgt.f32 v42, v60;
	v59 =	vor.u32 v16, v58;
	vm1 =	vgt.f32 v40, v55;
	v4 =	vld.idx.msk [tilespmem:v4+s10+$0x0], $0xffff  }
0x311: {  	vm2 =	vgt.f32 v33, v6;
	v6 =	vsel vm0, $0x10, v2;
	v55 =	vld.idx.msk [tilespmem:v62+s10+$0x0], $0xffff;
	v60 =	vsel vm1, $0x10, v2  }
0x312: {  	v62 =	vsel vm2, $0x8, v2;
	v11 =	vor.u32 v12, v6;
	vm0 =	vgt.f32 v37, v56;
	v3 =	vld.idx.msk [tilespmem:v3+s10+$0x0], $0xffff  }
0x313: {  	v12 =	vor.u32 v12, v60;
	v57 =	vor.u32 v57, v62;
	vm1 =	vgt.f32 v38, v54;
	v54 =	vld.idx.msk [tilespmem:v63+s10+$0x0], $0xffff  }
0x314: {  	v62 =	vsel vm0, $0x2, v2;
	v56 =	vor.u32 v21, v57;
	v63 =	vsel vm1, $0x2, v2;
	v10 =	vld.idx.msk [tilespmem:v10+s10+$0x0], $0xffff  }
0x315: {  	v62 =	vor.u32 v62, v50;
	v9 =	vor.u32 v63, v9;
	v50 =	vld.idx.msk [tilespmem:v59+s10+$0x0], $0xffff;
	vm0 =	vgt.f32 v51, v4  }
0x316: {  	v4 =	vor.u32 v25, v62;
	v62 =	vld [tilespmem:$0x1FF90];
	v63 =	vsel vm0, $0x2, v2;
	vm0 =	vgt.f32 v49, v55  }
0x317: {  	v9 =	vor.u32 v25, v9;
	v25 =	vld [tilespmem:$0x1FF10];
	v1 =	vor.u32 v63, v1;
	v55 =	vsel vm0, $0x8, v2  }
0x318: {  	v31 =	vld.idx.msk [tilespmem:v31+s2+$0x0], $0xffff;
	vm0 =	vgt.f32 v39, v3;
	vm1 =	vgt.f32 v47, v54;
	v3 =	vor.u32 v7, v55  }
0x319: {  	v11 =	vld.idx.msk [tilespmem:v11+s10+$0x0], $0xffff;
	v59 =	vsel vm0, $0x4, v2;
	vm0 =	vgt.f32 v36, v61;
	v36 =	vor.u32 v13, v3  }
0x31a: {  	v12 =	vld.idx.msk [tilespmem:v12+s10+$0x0], $0xffff;
	v63 =	vsel vm1, $0x2, v2;
	v8 =	vor.u32 v59, v8;
	v54 =	vsel vm0, $0x1, v2  }
0x31b: {  	v7 =	vld.idx.msk [tilespmem:v56+s10+$0x0], $0xffff;
	vm0 =	vgt.f32 v44, v10;
	v5 =	vor.u32 v63, v5;
	v1 =	vor.u32 v62, v1  }
0x31c: {  	v10 =	vor.u32 v25, v8;
	v56 =	vld.idx.msk [tilespmem:v4+s10+$0x0], $0xffff;
	v61 =	vsel vm0, $0x2, v2;
	vm0 =	vgt.f32 v35, v50  }
0x31d: {  	v50 =	vld.idx.msk [tilespmem:v9+s10+$0x0], $0xffff;
	v5 =	vor.u32 v62, v5;
	v32 =	vor.u32 v54, v32;
	v0 =	vor.u32 v61, v0  }
0x31e: {  	v63 =	vsel vm0, $0x2, v2;
	vm0 =	vgt.f32 v42, v11;
	v0 =	vor.u32 v62, v0;
	v11 =	vld.idx.msk [tilespmem:v36+s10+$0x0], $0xffff  }
0x31f: {  	v55 =	vor.u32 v63, v58;
	v61 =	vsel vm0, $0x8, v2;
	vm0 =	vgt.f32 v40, v12;
	v36 =	vld.idx.msk [tilespmem:v29+s10+$0x0], $0xffff  }
0x320: {  	v55 =	vor.u32 v62, v55;
	vm1 =	vgt.f32 v33, v7;
	v6 =	vor.u32 v6, v61;
	v59 =	vld.idx.msk [tilespmem:v1+s10+$0x0], $0xffff  }
0x321: {  	v62 =	vsel vm0, $0x8, v2;
	v12 =	vsel vm1, $0x4, v2;
	v58 =	vor.u32 v21, v6;
	v10 =	vld.idx.msk [tilespmem:v10+s10+$0x0], $0xffff  }
0x322: {  	v7 =	vor.u32 v60, v62;
	v60 =	vld.idx.msk [tilespmem:v5+s10+$0x0], $0xffff;
	v12 =	vor.u32 v12, v57;
	vm0 =	vgt.f32 v37, v56  }
0x323: {  	v57 =	vor.u32 v21, v7;
	v21 =	vld [tilespmem:$0x1FF20];
	v61 =	vsel vm0, $0x1, v2;
	vm0 =	vgt.f32 v38, v50  }
0x324: {  	[tilespmem:s17+$0xFFFFFF40] =	vst v46;
	v56 =	vor.u32 v25, v12;
	v37 =	vld.idx.msk [tilespmem:v0+s10+$0x0], $0xffff;
	v50 =	vsel vm0, $0x1, v2  }
0x325: {  	v32 =	vld.idx.msk [tilespmem:v32+s2+$0x0], $0xffff;
	v4 =	vor.u32 v61, v4;
	vm0 =	vgt.f32 v49, v11;
	vm1 =	vgt.f32 v51, v59  }
0x326: {  	v38 =	vld.idx.msk [tilespmem:v55+s10+$0x0], $0xffff;
	v54 =	vsel vm0, $0x4, v2;
	vm0 =	vgt.f32 v39, v10;
	v63 =	vsel vm1, $0x1, v2  }
0x327: {  	v58 =	vld.idx.msk [tilespmem:v58+s10+$0x0], $0xffff;
	v3 =	vor.u32 v54, v3;
	v62 =	vsel vm0, $0x2, v2;
	v1 =	vor.u32 v63, v1  }
0x328: {  	v59 =	vld.idx.msk [tilespmem:v57+s10+$0x0], $0xffff;
	vm0 =	vgt.f32 v47, v60;
	v63 =	vor.u32 v14, v3;
	v8 =	vor.u32 v62, v8  }
0x329: {  	[tilespmem:s17+$0xFFFFFFC0] =	vst v31;
	v46 =	vld.idx.msk [tilespmem:v56+s10+$0x0], $0xffff;
	v47 =	vsel vm0, $0x1, v2;
	vm0 =	vgt.f32 v44, v37;
	v8 =	vor.u32 v21, v8  }
0x32a: {  	vm2 =	vgt.f32 v27, v53;
	v4 =	vld.idx.msk [tilespmem:v4+s2+$0x0], $0xffff;
	v5 =	vor.u32 v47, v5;
	v37 =	vsel vm0, $0x1, v2  }
0x32b: {  	v9 =	vor.u32 v50, v9;
	v14 =	vld [tilespmem:$0x1FF70];
	vm0 =	vgt.f32 v35, v38;
	v0 =	vor.u32 v37, v0  }
0x32c: {  	v35 =	vsel vm0, $0x1, v2;
	vm0 =	vgt.f32 v34, v52;
	vm1 =	vgt.f32 v42, v58;
	v1 =	vld.idx.msk [tilespmem:v1+s2+$0x0], $0xffff  }
0x32d: {  	v31 =	vor.u32 v35, v55;
	v51 =	vsel vm1, $0x4, v2;
	vm1 =	vgt.f32 v40, v59;
	v50 =	vld.idx.msk [tilespmem:v63+s10+$0x0], $0xffff  }
0x32e: {  	vm15 =	vgt.f32 v33, v46;
	v6 =	vor.u32 v51, v6;
	v10 =	vsel vm1, $0x4, v2;
	v52 =	vld.idx.msk [tilespmem:v8+s10+$0x0], $0xffff  }
0x32f: {  	v53 =	vsel vm15, $0x2, v2;
	v54 =	vor.u32 v25, v6;
	v7 =	vor.u32 v10, v7;
	v5 =	vld.idx.msk [tilespmem:v5+s2+$0x0], $0xffff  }
0x330: {  	v55 =	vor.u32 v53, v12;
	v12 =	vor.u32 v25, v7;
	v25 =	vld [tilespmem:$0x1FF30]  }
0x331: {  	[tilespmem:s16+$0x40] =	vst v30;
	s16 =	smov.u32 s17;
	s17 =	smov.u32 s18;
	s18 =	smov.u32 s20;
	v0 =	vld.idx.msk [tilespmem:v0+s2+$0x0], $0xffff  }
0x332: {  	s20 =	smov.u32 s21;
	s21 =	sadd.s32 $0x200, s21;
	[tilespmem:s18+$0xFFFFFFB0] =	vst v4;
	v56 =	vld.idx.msk [tilespmem:v31+s2+$0x0], $0xffff  }
0x333: {  	[tilespmem:s21+$0x80] =	vst v1;
	v1 =	vld.idx.msk [tilespmem:v9+s2+$0x0], $0xffff  }
0x334: {  	v62 =	vld.idx.msk [tilespmem:v54+s10+$0x0], $0xffff  }
0x335: {  	vm3 =	vgt.f32 v28, v48;
	v30 =	vsel vm0, $0x2, v2;
	[tilespmem:s18+$0xFFFFFF30] =	vst v32;
	vm0 =	vgt.f32 v49, v50;
	v59 =	vld.idx.msk [tilespmem:v17+s10+$0x0], $0xffff  }
0x336: {  	v57 =	vsel vm3, $0x2, v2;
	v60 =	vsel vm0, $0x2, v2;
	v44 =	vld [tilespmem:s23+$0x90];
	[tilespmem:s21+$0xFFFFFF00] =	vst v5  }
0x337: {  	v61 =	vor.u32 v57, v45;
	vm0 =	vgt.f32 v39, v52;
	v3 =	vor.u32 v60, v3;
	v35 =	vld.idx.msk [tilespmem:v17+s10+$0x0], $0xffff  }
0x338: {  	v58 =	vor.u32 v30, v41;
	v63 =	vsel vm0, $0x1, v2;
	[tilespmem:s21+$0xFFFFFF80] =	vst v0;
	v48 =	vld [tilespmem:s23+$0xFFFFFF10];
	v3 =	vor.u32 v14, v3  }
0x339: {  	v38 =	vor.u32 v14, v61;
	v31 =	vsel vm2, $0x2, v2;
	v0 =	vor.u32 v63, v8;
	v39 =	vld.idx.msk [tilespmem:v17+s10+$0x0], $0xffff  }
0x33a: {  	v10 =	vor.u32 v21, v55;
	v30 =	vor.u32 v31, v43;
	v31 =	vor.u32 v14, v58;
	[tilespmem:s21+$0x0] =	vst v56;
	v46 =	vld [tilespmem:s23+$0xFFFFFF90]  }
0x33b: {  	v32 =	vor.u32 v14, v30;
	vm0 =	vgt.f32 v15, v36;
	v14 =	vmov v28;
	v28 =	vld.idx.msk [tilespmem:v17+s10+$0x0], $0xffff;
	[tilespmem:s18+$0x30] =	vst v1  }
0x33c: {  	v1 =	vsel vm0, $0x1, v2;
	vm0 =	vgt.f32 v44, v59;
	v45 =	vld [tilespmem:s23+$0x10]  }
0x33d: {  	v30 =	vor.u32 v1, v29;
	v1 =	vsel vm0, $0x10, v2;
	v41 =	vld.idx.msk [tilespmem:v3+s10+$0x0], $0xffff  }
0x33e: {  	vm0 =	vgt.f32 v42, v62;
	v43 =	vor.u32 v18, v1;
	v0 =	vld.idx.msk [tilespmem:v0+s2+$0x0], $0xffff  }
0x33f: {  	v47 =	vld.idx.msk [tilespmem:v12+s10+$0x0], $0xffff;
	v4 =	vsel vm0, $0x2, v2  }
0x340: {  	v12 =	vld.idx.msk [tilespmem:v10+s10+$0x0], $0xffff;
	v4 =	vor.u32 v4, v6  }
0x341: {  	v61 =	vld.idx.msk [tilespmem:v23+s10+$0x0], $0xffff;
	vm0 =	vgt.f32 v48, v35;
	v4 =	vor.u32 v21, v4  }
0x342: {  	vm1 =	vgt.f32 v46, v39;
	v35 =	vld [tilespmem:s19+$0xFFFFFFC0];
	v9 =	vsel vm0, $0x10, v2  }
0x343: {  	v50 =	vor.u32 v18, v9;
	v11 =	vld.idx.msk [tilespmem:v43+s10+$0x0], $0xffff;
	vm0 =	vgt.f32 v49, v41;
	[tilespmem:s20+$0xA0] =	vst v0  }
0x344: {  	v8 =	vsel vm1, $0x10, v2;
	v5 =	vsel vm0, $0x1, v2;
	vm0 =	vgt.f32 v45, v28;
	v28 =	vld.idx.msk [tilespmem:v25+s10+$0x0], $0xffff  }
0x345: {  	v51 =	vor.u32 v18, v8;
	v39 =	vld [tilespmem:s22+$0xB0]  }
0x346: {  	v3 =	vor.u32 v5, v3;
	v52 =	vsel vm0, $0x10, v2;
	v54 =	vld.idx.msk [tilespmem:v4+s10+$0x0], $0xffff;
	vm0 =	vgt.f32 v40, v47  }
0x347: {  	vm1 =	vgt.f32 v33, v12;
	v33 =	vld [tilespmem:s19+$0xFFFFFF40];
	v53 =	vor.u32 v18, v52;
	v12 =	vsel vm0, $0x2, v2  }
0x348: {  	v55 =	vld.idx.msk [tilespmem:v50+s10+$0x0], $0xffff;
	v7 =	vor.u32 v12, v7  }
0x349: {  	v56 =	vsel vm1, $0x1, v2;
	vm0 =	vgt.f32 v44, v11;
	v7 =	vor.u32 v21, v7;
	v21 =	vld [tilespmem:$0x1FF40]  }
0x34a: {  	v10 =	vor.u32 v56, v10;
	v5 =	vld.idx.msk [tilespmem:v51+s10+$0x0], $0xffff;
	v57 =	vsel vm0, $0x8, v2;
	vm0 =	vgt.f32 v39, v28  }
0x34b: {  	v3 =	vld.idx.msk [tilespmem:v3+s2+$0x0], $0xffff;
	v1 =	vor.u32 v1, v57;
	v59 =	vsel vm0, $0x10, v2;
	vm0 =	vgt.f32 v42, v54  }
0x34c: {  	v58 =	vld.idx.msk [tilespmem:v53+s10+$0x0], $0xffff;
	v28 =	vor.u32 v19, v1;
	v62 =	vsel vm0, $0x1, v2  }
0x34d: {  	v0 =	vld.idx.msk [tilespmem:v23+s10+$0x0], $0xffff;
	vm1 =	vgt.f32 v48, v55;
	v4 =	vor.u32 v62, v4  }
0x34e: {  	v12 =	vld.idx.msk [tilespmem:v23+s10+$0x0], $0xffff;
	v63 =	vsel vm1, $0x8, v2;
	v60 =	vor.u32 v21, v59  }
0x34f: {  	v9 =	vor.u32 v9, v63;
	v47 =	vld.idx.msk [tilespmem:v7+s10+$0x0], $0xffff  }
0x350: {  	v10 =	vld.idx.msk [tilespmem:v10+s2+$0x0], $0xffff;
	vm0 =	vgt.f32 v46, v5;
	[tilespmem:s18+$0xC0] =	vst v3;
	v3 =	vor.u32 v19, v9  }
0x351: {  	v49 =	vld.idx.msk [tilespmem:v28+s10+$0x0], $0xffff;
	v28 =	vsel vm0, $0x8, v2;
	vm0 =	vgt.f32 v45, v58  }
0x352: {  	v8 =	vor.u32 v8, v28;
	v28 =	vsel vm0, $0x8, v2;
	v4 =	vld.idx.msk [tilespmem:v4+s2+$0x0], $0xffff  }
0x353: {  	vm0 =	vgt.f32 v33, v0;
	v50 =	vld.idx.msk [tilespmem:v60+s10+$0x0], $0xffff;
	v0 =	vor.u32 v19, v8;
	v41 =	vor.u32 v52, v28  }
0x354: {  	v42 =	vsel vm0, $0x10, v2;
	vm0 =	vgt.f32 v40, v47;
	v28 =	vld [tilespmem:s19+$0x40];
	v51 =	vor.u32 v19, v41  }
0x355: {  	v53 =	vsel vm0, $0x1, v2;
	v3 =	vld.idx.msk [tilespmem:v3+s10+$0x0], $0xffff;
	[tilespmem:s20+$0xFFFFFF20] =	vst v10  }
0x356: {  	vm1 =	vgt.f32 v35, v12;
	s19 =	smov.u32 s22;
	v7 =	vor.u32 v53, v7;
	v54 =	vld.idx.msk [tilespmem:v25+s10+$0x0], $0xffff  }
0x357: {  	v11 =	vsel vm1, $0x10, v2;
	vm0 =	vgt.f32 v44, v49;
	v36 =	vld [tilespmem:s19+$0xFFFFFF30]  }
0x358: {  	v52 =	vor.u32 v24, v42;
	v55 =	vsel vm0, $0x4, v2;
	vm0 =	vgt.f32 v39, v50;
	v0 =	vld.idx.msk [tilespmem:v0+s10+$0x0], $0xffff  }
0x359: {  	v60 =	vor.u32 v24, v11;
	v1 =	vor.u32 v55, v1;
	[tilespmem:s20+$0xFFFFFFA0] =	vst v4;
	v56 =	vsel vm0, $0x8, v2;
	v12 =	vld.idx.msk [tilespmem:v51+s10+$0x0], $0xffff  }
0x35a: {  	v57 =	vor.u32 v20, v1;
	v58 =	vld.idx.msk [tilespmem:v25+s10+$0x0], $0xffff;
	v4 =	vor.u32 v59, v56  }
0x35b: {  	vm1 =	vgt.f32 v48, v3;
	v3 =	vld.idx.msk [tilespmem:v7+s2+$0x0], $0xffff;
	v59 =	vor.u32 v22, v4  }
0x35c: {  	vm0 =	vgt.f32 v28, v61;
	v37 =	vld [tilespmem:s19+$0xFFFFFFB0]  }
0x35d: {  	v6 =	vld.idx.msk [tilespmem:v52+s10+$0x0], $0xffff;
	v47 =	vsel vm0, $0x10, v2;
	v61 =	vsel vm1, $0x4, v2;
	vm0 =	vgt.f32 v36, v54  }
0x35e: {  	v49 =	vld.idx.msk [tilespmem:v60+s10+$0x0], $0xffff;
	v7 =	vor.u32 v61, v9;
	v9 =	vsel vm0, $0x10, v2;
	vm0 =	vgt.f32 v46, v0  }
0x35f: {  	v62 =	vor.u32 v20, v7;
	v0 =	vld.idx.msk [tilespmem:v57+s10+$0x0], $0xffff;
	v55 =	vsel vm0, $0x4, v2;
	vm0 =	vgt.f32 v45, v12  }
0x360: {  	v5 =	vor.u32 v24, v47;
	v56 =	vsel vm0, $0x4, v2;
	[tilespmem:s20+$0x20] =	vst v3;
	v12 =	vld.idx.msk [tilespmem:v59+s10+$0x0], $0xffff  }
0x361: {  	v63 =	vor.u32 v21, v9;
	v8 =	vor.u32 v55, v8;
	v51 =	vor.u32 v56, v41;
	v41 =	vld.idx.msk [tilespmem:v25+s10+$0x0], $0xffff  }
0x362: {  	v29 =	vmov v38;
	vm0 =	vgt.f32 v37, v58;
	v50 =	vor.u32 v20, v8;
	v38 =	vld [tilespmem:s19+$0x30]  }
0x363: {  	v15 =	vld [tilespmem:$0x1FF80];
	v10 =	vsel vm0, $0x10, v2;
	vm0 =	vgt.f32 v33, v6;
	v3 =	vor.u32 v20, v51  }
0x364: {  	v57 =	vor.u32 v21, v10;
	v52 =	vld.idx.msk [tilespmem:v62+s10+$0x0], $0xffff;
	vm1 =	vgt.f32 v44, v0;
	v0 =	vsel vm0, $0x8, v2  }
0x365: {  	v5 =	vld.idx.msk [tilespmem:v5+s10+$0x0], $0xffff;
	v58 =	vsel vm1, $0x2, v2;
	v42 =	vor.u32 v42, v0  }
0x366: {  	v40 =	vld.idx.msk [tilespmem:v63+s10+$0x0], $0xffff;
	vm0 =	vgt.f32 v39, v12;
	v1 =	vor.u32 v58, v1;
	v12 =	vor.u32 v13, v42  }
0x367: {  	v0 =	vld.idx.msk [tilespmem:v50+s10+$0x0], $0xffff;
	vm1 =	vgt.f32 v38, v41;
	v59 =	vsel vm0, $0x4, v2;
	vm0 =	vgt.f32 v35, v49  }
0x368: {  	v3 =	vld.idx.msk [tilespmem:v3+s10+$0x0], $0xffff;
	v60 =	vor.u32 v15, v1;
	v54 =	vor.u32 v59, v4;
	v1 =	vsel vm0, $0x8, v2  }
0x369: {  	v50 =	vld.idx.msk [tilespmem:v57+s10+$0x0], $0xffff;
	vm0 =	vgt.f32 v48, v52;
	v6 =	vor.u32 v26, v54;
	v43 =	vor.u32 v11, v1  }
0x36a: {  	v41 =	vld.idx.msk [tilespmem:v32+s10+$0x0], $0xffff;
	v55 =	vsel vm1, $0x10, v2;
	v1 =	vsel vm0, $0x2, v2;
	v11 =	vor.u32 v13, v43  }
0x36b: {  	s24 =	sadd.s32 $0x4, s24;
	v59 =	vld.idx.msk [tilespmem:v31+s10+$0x0], $0xffff;
	vm0 =	vgt.f32 v36, v40;
	v1 =	vor.u32 v1, v7;
	v7 =	vor.u32 v21, v55  }
0x36c: {  	p0 =	slt.u32 s24, $0xFC;
	v62 =	vor.u32 v15, v1;
	vm1 =	vgt.f32 v46, v0;
	v0 =	vsel vm0, $0x8, v2;
	v49 =	vld.idx.msk [tilespmem:v12+s10+$0x0], $0xffff  }
.Ltmp0:
0x36d: {  	v1 =	vld.idx.msk [tilespmem:v60+s10+$0x0], $0xffff;
	v63 =	vsel vm1, $0x2, v2;
	vm0 =	vgt.f32 v45, v3;
	v52 =	vor.u32 v9, v0;
	(pc) =	sbr.rel @p0 .LBB2_3-.Ltmp0, $4  }
0x36e: {  	v0 =	vor.u32 v63, v8;
	v3 =	vsel vm0, $0x2, v2;
	vm0 =	vgt.f32 v37, v50;
	v56 =	vld.idx.msk [tilespmem:v6+s10+$0x0], $0xffff  }
0x36f: {  	v63 =	vor.u32 v15, v0;
	v0 =	vor.u32 v3, v51;
	v3 =	vsel vm0, $0x8, v2;
	v50 =	vld.idx.msk [tilespmem:v11+s10+$0x0], $0xffff  }
0x370: {  	vm1 =	vgt.f32 v28, v5;
	v57 =	vor.u32 v22, v52;
	v53 =	vor.u32 v10, v3;
	v58 =	vld.idx.msk [tilespmem:v7+s10+$0x0], $0xffff  }
0x371: {  	s22 =	smov.u32 s23;
	vm0 =	vgt.f32 v34, v59;
	v61 =	vor.u32 v15, v0;
	v0 =	vld.idx.msk [tilespmem:v62+s10+$0x0], $0xffff;
	v40 =	vor.u32 v22, v53  }
0x372: {  	vm2 =	vgt.f32 v44, v1  }
0x373: {  	v3 =	vsel vm2, $0x1, v2  }
0x374: {  	v3 =	vor.u32 v3, v60;
	_ =	sdelay $0x1  }
0x375: {  	v1 =	vld.idx.msk [tilespmem:v63+s10+$0x0], $0xffff  }
0x376: {  	vm14 =	vgt.f32 v48, v0;
	v0 =	vld.idx.msk [tilespmem:v61+s10+$0x0], $0xffff;
	_ =	sdelay $0x1  }
0x377: {  	v3 =	vld.idx.msk [tilespmem:v3+s2+$0x0], $0xffff  }
0x378: {  	v4 =	vsel vm14, $0x1, v2  }
0x379: {  	vm15 =	vgt.f32 v46, v1;
	v4 =	vor.u32 v4, v62  }
0x37a: {  	v1 =	vsel vm15, $0x1, v2;
	vm4 =	vgt.f32 v45, v0  }
0x37b: {  	v1 =	vor.u32 v1, v63;
	v0 =	vsel vm4, $0x1, v2  }
0x37c: {  	v0 =	vor.u32 v0, v61;
	[tilespmem:s21+$0x90] =	vst v3  }
0x37d: {  	v13 =	vld [tilespmem:$0x1FEE0]  }
0x37e: {  	v4 =	vld.idx.msk [tilespmem:v4+s2+$0x0], $0xffff;
	_ =	sdelay $0x1  }
0x37f: {  	v1 =	vld.idx.msk [tilespmem:v1+s2+$0x0], $0xffff  }
0x380: {  	v0 =	vld.idx.msk [tilespmem:v0+s2+$0x0], $0xffff;
	_ =	sdelay $0x1  }
0x381: {  	v5 =	vld [tilespmem:s22+$0xA0];
	[tilespmem:s21+$0xFFFFFF10] =	vst v4  }
0x382: {  	v6 =	vld [tilespmem:s22+$0xFFFFFF20]  }
0x383: {  	[tilespmem:s21+$0xFFFFFF90] =	vst v1;
	v3 =	vld.idx.msk [tilespmem:v13+s10+$0x0], $0xffff  }
0x384: {  	v4 =	vld.idx.msk [tilespmem:v13+s10+$0x0], $0xffff;
	[tilespmem:s21+$0x10] =	vst v0  }
0x385: {  	v25 =	vld [tilespmem:$0x1FEF0];
	_ =	sdelay $0x1  }
0x386: {  	v1 =	vld.idx.msk [tilespmem:v13+s10+$0x0], $0xffff  }
0x387: {  	vm5 =	vgt.f32 v5, v3;
	v3 =	vld [tilespmem:s22+$0xFFFFFFA0]  }
0x388: {  	v8 =	vld.idx.msk [tilespmem:v13+s10+$0x0], $0xffff;
	v7 =	vsel vm5, $0x10, v2  }
0x389: {  	vm6 =	vgt.f32 v6, v4;
	v4 =	vld [tilespmem:s22+$0x20];
	v0 =	vor.u32 v25, v7  }
0x38a: {  	v9 =	vsel vm6, $0x10, v2  }
0x38b: {  	v10 =	vor.u32 v25, v9  }
0x38c: {  	vm7 =	vgt.f32 v3, v1  }
0x38d: {  	v1 =	vsel vm7, $0x10, v2  }
0x38e: {  	vm8 =	vgt.f32 v4, v8;
	v0 =	vld.idx.msk [tilespmem:v0+s10+$0x0], $0xffff;
	v11 =	vor.u32 v25, v1  }
0x38f: {  	v8 =	vsel vm8, $0x10, v2  }
0x390: {  	v10 =	vld.idx.msk [tilespmem:v10+s10+$0x0], $0xffff;
	v12 =	vor.u32 v25, v8  }
0x391: {  	v15 =	vld [tilespmem:$0x1FF00];
	_ =	sdelay $0x1  }
0x392: {  	vm9 =	vgt.f32 v5, v0;
	v0 =	vld.idx.msk [tilespmem:v11+s10+$0x0], $0xffff  }
0x393: {  	v11 =	vsel vm9, $0x8, v2  }
0x394: {  	vm10 =	vgt.f32 v6, v10;
	v10 =	vld.idx.msk [tilespmem:v12+s10+$0x0], $0xffff;
	v7 =	vor.u32 v7, v11  }
0x395: {  	v12 =	vsel vm10, $0x8, v2;
	v11 =	vor.u32 v15, v7  }
0x396: {  	v9 =	vor.u32 v9, v12  }
0x397: {  	vm11 =	vgt.f32 v3, v0;
	v0 =	vor.u32 v15, v9  }
0x398: {  	v12 =	vsel vm11, $0x8, v2  }
0x399: {  	vm12 =	vgt.f32 v4, v10;
	v1 =	vor.u32 v1, v12  }
0x39a: {  	v12 =	vsel vm12, $0x8, v2;
	v11 =	vld.idx.msk [tilespmem:v11+s10+$0x0], $0xffff;
	v10 =	vor.u32 v15, v1  }
0x39b: {  	v8 =	vor.u32 v8, v12  }
0x39c: {  	v12 =	vor.u32 v15, v8;
	v0 =	vld.idx.msk [tilespmem:v0+s10+$0x0], $0xffff  }
0x39d: {  	v21 =	vld [tilespmem:$0x1FF10];
	_ =	sdelay $0x1  }
0x39e: {  	vm13 =	vgt.f32 v5, v11;
	v10 =	vld.idx.msk [tilespmem:v10+s10+$0x0], $0xffff  }
0x39f: {  	v11 =	vsel vm13, $0x4, v2  }
0x3a0: {  	v7 =	vor.u32 v11, v7;
	vm14 =	vgt.f32 v6, v0;
	v0 =	vld.idx.msk [tilespmem:v12+s10+$0x0], $0xffff  }
0x3a1: {  	v11 =	vor.u32 v21, v7;
	v12 =	vsel vm14, $0x4, v2  }
0x3a2: {  	v9 =	vor.u32 v12, v9  }
0x3a3: {  	vm15 =	vgt.f32 v3, v10;
	v10 =	vor.u32 v21, v9  }
0x3a4: {  	v12 =	vsel vm15, $0x4, v2  }
0x3a5: {  	v1 =	vor.u32 v12, v1;
	vm4 =	vgt.f32 v4, v0  }
0x3a6: {  	v11 =	vld.idx.msk [tilespmem:v11+s10+$0x0], $0xffff;
	v0 =	vor.u32 v21, v1;
	v12 =	vsel vm4, $0x4, v2  }
0x3a7: {  	v8 =	vor.u32 v12, v8  }
0x3a8: {  	v10 =	vld.idx.msk [tilespmem:v10+s10+$0x0], $0xffff;
	v12 =	vor.u32 v21, v8  }
0x3a9: {  	v60 =	vld [tilespmem:$0x1FF20];
	_ =	sdelay $0x1  }
0x3aa: {  	vm5 =	vgt.f32 v5, v11;
	v0 =	vld.idx.msk [tilespmem:v0+s10+$0x0], $0xffff  }
0x3ab: {  	v11 =	vsel vm5, $0x2, v2  }
0x3ac: {  	v7 =	vor.u32 v11, v7;
	vm6 =	vgt.f32 v6, v10;
	v10 =	vld.idx.msk [tilespmem:v12+s10+$0x0], $0xffff  }
0x3ad: {  	v7 =	vor.u32 v60, v7;
	v11 =	vsel vm6, $0x2, v2  }
0x3ae: {  	v9 =	vor.u32 v11, v9  }
0x3af: {  	vm7 =	vgt.f32 v3, v0;
	v0 =	vor.u32 v60, v9  }
0x3b0: {  	v9 =	vsel vm7, $0x2, v2  }
0x3b1: {  	v1 =	vor.u32 v9, v1;
	vm8 =	vgt.f32 v4, v10  }
0x3b2: {  	v9 =	vld.idx.msk [tilespmem:v7+s10+$0x0], $0xffff;
	v1 =	vor.u32 v60, v1;
	v10 =	vsel vm8, $0x2, v2  }
0x3b3: {  	v8 =	vor.u32 v10, v8  }
0x3b4: {  	v10 =	vld.idx.msk [tilespmem:v0+s10+$0x0], $0xffff;
	v8 =	vor.u32 v60, v8;
	_ =	sdelay $0x2  }
0x3b5: {  	vm9 =	vgt.f32 v5, v9;
	v5 =	vld.idx.msk [tilespmem:v1+s10+$0x0], $0xffff  }
0x3b6: {  	v9 =	vsel vm9, $0x1, v2  }
0x3b7: {  	v7 =	vor.u32 v9, v7;
	vm10 =	vgt.f32 v6, v10;
	v6 =	vld.idx.msk [tilespmem:v8+s10+$0x0], $0xffff  }
0x3b8: {  	v9 =	vsel vm10, $0x1, v2  }
0x3b9: {  	v0 =	vor.u32 v9, v0  }
0x3ba: {  	vm11 =	vgt.f32 v3, v5  }
0x3bb: {  	v3 =	vsel vm11, $0x1, v2  }
0x3bc: {  	v5 =	vld.idx.msk [tilespmem:v7+s2+$0x0], $0xffff;
	v1 =	vor.u32 v3, v1;
	vm12 =	vgt.f32 v4, v6  }
0x3bd: {  	v3 =	vsel vm12, $0x1, v2  }
0x3be: {  	v0 =	vld.idx.msk [tilespmem:v0+s2+$0x0], $0xffff;
	v3 =	vor.u32 v3, v8;
	_ =	sdelay $0x2  }
0x3bf: {  	[tilespmem:s21+$0xA0] =	vst v5;
	v1 =	vld.idx.msk [tilespmem:v1+s2+$0x0], $0xffff  }
0x3c0: {  	v59 =	vld [tilespmem:$0x1FF30]  }
0x3c1: {  	[tilespmem:s21+$0xFFFFFF20] =	vst v0;
	v0 =	vld.idx.msk [tilespmem:v3+s2+$0x0], $0xffff;
	_ =	sdelay $0x1  }
0x3c2: {  	v9 =	vld.idx.msk [tilespmem:v57+s10+$0x0], $0xffff  }
0x3c3: {  	v48 =	vld [tilespmem:s22+$0xB0]  }
0x3c4: {  	v45 =	vld [tilespmem:s22+$0xFFFFFF30];
	[tilespmem:s21+$0xFFFFFFA0] =	vst v1  }
0x3c5: {  	v46 =	vld [tilespmem:s22+$0xFFFFFFB0];
	[tilespmem:s21+$0x20] =	vst v0  }
0x3c6: {  	v62 =	vld [tilespmem:$0x1FF40]  }
0x3c7: {  	v4 =	vld.idx.msk [tilespmem:v59+s10+$0x0], $0xffff  }
0x3c8: {  	v44 =	vld [tilespmem:s22+$0x30]  }
0x3c9: {  	v57 =	vld [tilespmem:$0x1FEB0]  }
0x3ca: {  	v3 =	vld.idx.msk [tilespmem:v59+s10+$0x0], $0xffff  }
0x3cb: {  	v1 =	vld.idx.msk [tilespmem:v59+s10+$0x0], $0xffff  }
0x3cc: {  	v5 =	vld.idx.msk [tilespmem:v59+s10+$0x0], $0xffff;
	vm13 =	vgt.f32 v48, v4  }
0x3cd: {  	v4 =	vsel vm13, $0x10, v2  }
0x3ce: {  	vm3 =	vgt.f32 v38, v58;
	v0 =	vor.u32 v62, v4  }
0x3cf: {  	v7 =	vsel vm3, $0x8, v2  }
0x3d0: {  	v7 =	vor.u32 v55, v7;
	vm14 =	vgt.f32 v45, v3;
	vm15 =	vgt.f32 v46, v1  }
0x3d1: {  	vm4 =	vgt.f32 v44, v5;
	v5 =	vor.u32 v57, v7;
	v3 =	vsel vm14, $0x10, v2  }
0x3d2: {  	v6 =	vsel vm15, $0x10, v2;
	v1 =	vor.u32 v62, v3  }
0x3d3: {  	v8 =	vor.u32 v62, v6;
	v0 =	vld.idx.msk [tilespmem:v0+s10+$0x0], $0xffff  }
0x3d4: {  	v11 =	vld.idx.msk [tilespmem:v40+s10+$0x0], $0xffff  }
0x3d5: {  	v55 =	vld [tilespmem:$0x1FEA0]  }
0x3d6: {  	v5 =	vld.idx.msk [tilespmem:v5+s10+$0x0], $0xffff  }
0x3d7: {  	vm5 =	vgt.f32 v39, v56;
	v1 =	vld.idx.msk [tilespmem:v1+s10+$0x0], $0xffff  }
0x3d8: {  	v34 =	vsel vm5, $0x2, v2;
	v10 =	vsel vm4, $0x10, v2;
	vm6 =	vgt.f32 v48, v0;
	v0 =	vld.idx.msk [tilespmem:v8+s10+$0x0], $0xffff  }
0x3d9: {  	v12 =	vor.u32 v62, v10;
	v8 =	vor.u32 v34, v54;
	v54 =	vld [tilespmem:$0x1FE90]  }
0x3da: {  	vm8 =	vgt.f32 v37, v11;
	vm7 =	vgt.f32 v36, v9  }
0x3db: {  	v58 =	vsel vm8, $0x4, v2;
	v56 =	vsel vm7, $0x4, v2;
	v9 =	vsel vm6, $0x8, v2  }
0x3dc: {  	vm9 =	vgt.f32 v45, v1;
	v8 =	vor.u32 v55, v8;
	v4 =	vor.u32 v4, v9  }
0x3dd: {  	v61 =	vsel vm9, $0x8, v2;
	v9 =	vor.u32 v56, v52;
	v11 =	vor.u32 v57, v4  }
0x3de: {  	v12 =	vld.idx.msk [tilespmem:v12+s10+$0x0], $0xffff;
	vm11 =	vgt.f32 v38, v5;
	v3 =	vor.u32 v3, v61;
	v34 =	vor.u32 v54, v9  }
0x3df: {  	v1 =	vor.u32 v58, v53;
	v5 =	vor.u32 v57, v3;
	vm10 =	vgt.f32 v46, v0  }
0x3e0: {  	v0 =	vor.u32 v54, v1;
	v63 =	vsel vm10, $0x8, v2  }
0x3e1: {  	v51 =	vld.idx.msk [tilespmem:v8+s10+$0x0], $0xffff;
	v6 =	vor.u32 v6, v63  }
0x3e2: {  	v11 =	vld.idx.msk [tilespmem:v11+s10+$0x0], $0xffff;
	v58 =	vor.u32 v57, v6  }
0x3e3: {  	vm12 =	vgt.f32 v44, v12;
	v56 =	vsel vm11, $0x4, v2;
	v12 =	vld.idx.msk [tilespmem:v34+s10+$0x0], $0xffff  }
0x3e4: {  	v61 =	vsel vm12, $0x8, v2;
	v7 =	vor.u32 v56, v7;
	v5 =	vld.idx.msk [tilespmem:v5+s10+$0x0], $0xffff  }
0x3e5: {  	v10 =	vor.u32 v10, v61;
	v40 =	vor.u32 v54, v7;
	v0 =	vld.idx.msk [tilespmem:v0+s10+$0x0], $0xffff  }
0x3e6: {  	v34 =	vor.u32 v57, v10  }
0x3e7: {  	vm13 =	vgt.f32 v39, v51;
	vm14 =	vgt.f32 v48, v11;
	v11 =	vld.idx.msk [tilespmem:v58+s10+$0x0], $0xffff  }
0x3e8: {  	v39 =	vsel vm13, $0x1, v2;
	vm15 =	vgt.f32 v36, v12;
	v12 =	vsel vm14, $0x4, v2  }
0x3e9: {  	v8 =	vor.u32 v39, v8;
	vm5 =	vgt.f32 v45, v5;
	v4 =	vor.u32 v12, v4  }
0x3ea: {  	v40 =	vld.idx.msk [tilespmem:v40+s10+$0x0], $0xffff;
	vm4 =	vgt.f32 v37, v0;
	v63 =	vsel vm15, $0x2, v2;
	v0 =	vor.u32 v54, v4  }
0x3eb: {  	v5 =	vsel vm5, $0x4, v2;
	v12 =	vld.idx.msk [tilespmem:v34+s10+$0x0], $0xffff;
	v51 =	vsel vm4, $0x2, v2;
	v9 =	vor.u32 v63, v9  }
0x3ec: {  	v1 =	vor.u32 v51, v1;
	v9 =	vor.u32 v55, v9;
	vm6 =	vgt.f32 v46, v11  }
0x3ed: {  	v3 =	vor.u32 v5, v3;
	v1 =	vor.u32 v55, v1;
	v5 =	vsel vm6, $0x4, v2  }
0x3ee: {  	v11 =	vor.u32 v54, v3;
	v5 =	vor.u32 v5, v6  }
0x3ef: {  	vm7 =	vgt.f32 v38, v40;
	v52 =	vor.u32 v54, v5;
	v0 =	vld.idx.msk [tilespmem:v0+s10+$0x0], $0xffff  }
0x3f0: {  	v8 =	vld.idx.msk [tilespmem:v8+s2+$0x0], $0xffff;
	v6 =	vsel vm7, $0x2, v2;
	vm8 =	vgt.f32 v44, v12  }
0x3f1: {  	v6 =	vor.u32 v6, v7;
	v7 =	vsel vm8, $0x4, v2;
	v12 =	vld.idx.msk [tilespmem:v9+s10+$0x0], $0xffff  }
0x3f2: {  	v7 =	vor.u32 v7, v10;
	v10 =	vld.idx.msk [tilespmem:v1+s10+$0x0], $0xffff  }
0x3f3: {  	v6 =	vor.u32 v55, v6;
	v11 =	vld.idx.msk [tilespmem:v11+s10+$0x0], $0xffff  }
0x3f4: {  	v53 =	vor.u32 v54, v7;
	vm9 =	vgt.f32 v48, v0;
	v0 =	vld.idx.msk [tilespmem:v52+s10+$0x0], $0xffff  }
0x3f5: {  	[tilespmem:s20+$0xB0] =	vst v8;
	v56 =	vsel vm9, $0x2, v2  }
0x3f6: {  	v22 =	vld [tilespmem:$0x1FEC0];
	v4 =	vor.u32 v56, v4  }
0x3f7: {  	vm10 =	vgt.f32 v36, v12;
	vm11 =	vgt.f32 v37, v10;
	v4 =	vor.u32 v55, v4  }
0x3f8: {  	v8 =	vld.idx.msk [tilespmem:v6+s10+$0x0], $0xffff;
	vm12 =	vgt.f32 v45, v11;
	v36 =	vsel vm10, $0x1, v2;
	v37 =	vsel vm11, $0x1, v2  }
0x3f9: {  	v10 =	vld.idx.msk [tilespmem:v53+s10+$0x0], $0xffff;
	v11 =	vsel vm12, $0x2, v2;
	v9 =	vor.u32 v36, v9;
	vm13 =	vgt.f32 v46, v0  }
0x3fa: {  	v0 =	vor.u32 v37, v1;
	v1 =	vor.u32 v11, v3;
	v3 =	vsel vm13, $0x2, v2  }
0x3fb: {  	v34 =	vld [tilespmem:s19+$0xC0];
	v1 =	vor.u32 v55, v1;
	v3 =	vor.u32 v3, v5  }
0x3fc: {  	v5 =	vld.idx.msk [tilespmem:v4+s10+$0x0], $0xffff;
	v3 =	vor.u32 v55, v3  }
0x3fd: {  	v23 =	vld [tilespmem:$0x1FED0];
	vm14 =	vgt.f32 v38, v8  }
0x3fe: {  	v12 =	vld.idx.msk [tilespmem:v22+s10+$0x0], $0xffff;
	v8 =	vsel vm14, $0x1, v2;
	vm15 =	vgt.f32 v44, v10  }
0x3ff: {  	v6 =	vor.u32 v8, v6;
	v10 =	vsel vm15, $0x2, v2;
	v8 =	vld.idx.msk [tilespmem:v9+s2+$0x0], $0xffff  }
0x400: {  	v7 =	vor.u32 v10, v7;
	v11 =	vld.idx.msk [tilespmem:v1+s10+$0x0], $0xffff  }
0x401: {  	v7 =	vor.u32 v55, v7;
	vm7 =	vgt.f32 v48, v5;
	v5 =	vld.idx.msk [tilespmem:v3+s10+$0x0], $0xffff;
	_ =	sdelay $0x1  }
0x402: {  	v0 =	vld.idx.msk [tilespmem:v0+s2+$0x0], $0xffff  }
0x403: {  	vm6 =	vgt.f32 v34, v12;
	v12 =	vsel vm7, $0x1, v2  }
0x404: {  	v9 =	vsel vm6, $0x10, v2;
	v6 =	vld.idx.msk [tilespmem:v6+s2+$0x0], $0xffff;
	v4 =	vor.u32 v12, v4;
	vm8 =	vgt.f32 v45, v11  }
0x405: {  	v10 =	vor.u32 v23, v9;
	[tilespmem:s20+$0xFFFFFF30] =	vst v8;
	v12 =	vld.idx.msk [tilespmem:v7+s10+$0x0], $0xffff;
	v8 =	vsel vm8, $0x1, v2;
	vm9 =	vgt.f32 v46, v5  }
0x406: {  	v38 =	vld [tilespmem:s19+$0xFFFFFF40];
	v1 =	vor.u32 v8, v1;
	v11 =	vsel vm9, $0x1, v2  }
0x407: {  	[tilespmem:s20+$0xFFFFFFB0] =	vst v0;
	v0 =	vld.idx.msk [tilespmem:v22+s10+$0x0], $0xffff;
	v3 =	vor.u32 v11, v3  }
0x408: {  	v37 =	vld [tilespmem:s19+$0xFFFFFFC0]  }
0x409: {  	v4 =	vld.idx.msk [tilespmem:v4+s2+$0x0], $0xffff  }
0x40a: {  	v10 =	vld.idx.msk [tilespmem:v10+s10+$0x0], $0xffff;
	vm10 =	vgt.f32 v44, v12  }
0x40b: {  	v8 =	vsel vm10, $0x1, v2;
	v1 =	vld.idx.msk [tilespmem:v1+s2+$0x0], $0xffff  }
0x40c: {  	v7 =	vor.u32 v8, v7;
	v3 =	vld.idx.msk [tilespmem:v3+s2+$0x0], $0xffff  }
0x40d: {  	[tilespmem:s20+$0x30] =	vst v6;
	v5 =	vld.idx.msk [tilespmem:v22+s10+$0x0], $0xffff  }
0x40e: {  	v6 =	vld.idx.msk [tilespmem:v22+s10+$0x0], $0xffff;
	[tilespmem:s21+$0xB0] =	vst v4  }
0x40f: {  	v4 =	vld.idx.msk [tilespmem:v22+s10+$0x0], $0xffff  }
0x410: {  	v44 =	vld [tilespmem:s22+$0xC0];
	[tilespmem:s21+$0xFFFFFF30] =	vst v1  }
0x411: {  	v7 =	vld.idx.msk [tilespmem:v7+s2+$0x0], $0xffff;
	[tilespmem:s21+$0xFFFFFFB0] =	vst v3  }
0x412: {  	v53 =	vld [tilespmem:$0x1FF50]  }
0x413: {  	v36 =	vld [tilespmem:s19+$0x40];
	vm11 =	vgt.f32 v38, v0  }
0x414: {  	v11 =	vsel vm11, $0x10, v2;
	v39 =	vld [tilespmem:s22+$0xFFFFFF40]  }
0x415: {  	vm12 =	vgt.f32 v37, v5;
	v5 =	vor.u32 v23, v11;
	v1 =	vsel vm1, $0x8, v2;
	v3 =	vld.idx.msk [tilespmem:v22+s10+$0x0], $0xffff  }
0x416: {  	v1 =	vor.u32 v47, v1;
	v0 =	vld.idx.msk [tilespmem:v22+s10+$0x0], $0xffff  }
0x417: {  	v12 =	vsel vm12, $0x10, v2;
	vm13 =	vgt.f32 v44, v4;
	v40 =	vld [tilespmem:s22+$0xFFFFFFC0];
	[tilespmem:s21+$0x30] =	vst v7;
	v8 =	vor.u32 v53, v1  }
0x418: {  	v4 =	vor.u32 v23, v12;
	v7 =	vsel vm13, $0x10, v2;
	v58 =	vld.idx.msk [tilespmem:v22+s10+$0x0], $0xffff  }
0x419: {  	vm14 =	vgt.f32 v36, v6;
	vm1 =	vgt.f32 v27, v41;
	v6 =	vor.u32 v23, v7;
	v27 =	vld [tilespmem:s22+$0x40]  }
0x41a: {  	vm4 =	vgt.f32 v35, v50;
	vm15 =	vgt.f32 v33, v49;
	v41 =	vsel vm14, $0x10, v2;
	v5 =	vld.idx.msk [tilespmem:v5+s10+$0x0], $0xffff  }
0x41b: {  	v61 =	vsel vm15, $0x4, v2;
	v63 =	vor.u32 v23, v41;
	v56 =	vld [tilespmem:$0x1FF60];
	vm7 =	vgt.f32 v39, v3  }
0x41c: {  	vm9 =	vgt.f32 v34, v10;
	v48 =	vsel vm7, $0x10, v2;
	vm8 =	vgt.f32 v40, v0;
	v8 =	vld.idx.msk [tilespmem:v8+s10+$0x0], $0xffff  }
0x41d: {  	v0 =	vor.u32 v61, v42;
	v4 =	vld.idx.msk [tilespmem:v4+s10+$0x0], $0xffff;
	v42 =	vor.u32 v23, v48;
	v46 =	vsel vm8, $0x10, v2  }
0x41e: {  	v52 =	vsel vm9, $0x8, v2;
	v6 =	vld.idx.msk [tilespmem:v6+s10+$0x0], $0xffff;
	v10 =	vor.u32 v23, v46;
	vm10 =	vgt.f32 v27, v58  }
0x41f: {  	v9 =	vor.u32 v9, v52;
	v3 =	vsel vm4, $0x4, v2;
	v45 =	vsel vm10, $0x10, v2  }
0x420: {  	vm12 =	vgt.f32 v38, v5;
	v3 =	vor.u32 v3, v43;
	v58 =	vld.idx.msk [tilespmem:v63+s10+$0x0], $0xffff;
	v61 =	vor.u32 v23, v45  }
0x421: {  	v49 =	vor.u32 v56, v0;
	vm11 =	vgt.f32 v28, v8;
	v8 =	vor.u32 v53, v9  }
0x422: {  	v5 =	vor.u32 v56, v3;
	v63 =	vsel vm12, $0x8, v2;
	vm13 =	vgt.f32 v37, v4;
	v4 =	vld.idx.msk [tilespmem:v42+s10+$0x0], $0xffff  }
0x423: {  	v11 =	vor.u32 v11, v63;
	v51 =	vsel vm13, $0x8, v2;
	vm14 =	vgt.f32 v44, v6;
	v6 =	vld.idx.msk [tilespmem:v10+s10+$0x0], $0xffff  }
0x424: {  	v10 =	vor.u32 v53, v11;
	v12 =	vor.u32 v12, v51;
	v52 =	vsel vm14, $0x8, v2  }
0x425: {  	vm15 =	vgt.f32 v36, v58;
	v50 =	vor.u32 v53, v12;
	v7 =	vor.u32 v7, v52;
	v42 =	vld.idx.msk [tilespmem:v61+s10+$0x0], $0xffff  }
0x426: {  	v61 =	vsel vm15, $0x8, v2;
	v63 =	vor.u32 v53, v7;
	v8 =	vld.idx.msk [tilespmem:v8+s10+$0x0], $0xffff  }
0x427: {  	v43 =	vld.idx.msk [tilespmem:v49+s10+$0x0], $0xffff;
	v41 =	vor.u32 v41, v61;
	v58 =	vsel vm11, $0x4, v2;
	vm4 =	vgt.f32 v39, v4  }
0x428: {  	v4 =	vld.idx.msk [tilespmem:v5+s10+$0x0], $0xffff;
	v5 =	vor.u32 v53, v41;
	v52 =	vsel vm4, $0x8, v2;
	vm5 =	vgt.f32 v40, v6  }
0x429: {  	v1 =	vor.u32 v58, v1;
	v10 =	vld.idx.msk [tilespmem:v10+s10+$0x0], $0xffff;
	v47 =	vor.u32 v48, v52;
	v58 =	vsel vm5, $0x8, v2  }
0x42a: {  	v6 =	vsel vm0, $0x1, v2;
	v49 =	vld.idx.msk [tilespmem:v50+s10+$0x0], $0xffff;
	v50 =	vor.u32 v53, v47;
	v46 =	vor.u32 v46, v58  }
0x42b: {  	vm6 =	vgt.f32 v27, v42;
	v42 =	vor.u32 v53, v46;
	vm7 =	vgt.f32 v34, v8;
	v8 =	vld.idx.msk [tilespmem:v63+s10+$0x0], $0xffff  }
0x42c: {  	v48 =	vor.u32 v56, v1;
	v6 =	vor.u32 v6, v31;
	v61 =	vsel vm6, $0x8, v2  }
0x42d: {  	v58 =	vsel vm1, $0x1, v2;
	v45 =	vor.u32 v45, v61;
	v5 =	vld.idx.msk [tilespmem:v5+s10+$0x0], $0xffff;
	v63 =	vsel vm7, $0x4, v2  }
0x42e: {  	v31 =	vor.u32 v58, v32;
	v61 =	vor.u32 v53, v45;
	v9 =	vor.u32 v63, v9  }
0x42f: {  	vm9 =	vgt.f32 v35, v4;
	vm10 =	vgt.f32 v38, v10;
	v4 =	vld.idx.msk [tilespmem:v50+s10+$0x0], $0xffff;
	v63 =	vor.u32 v56, v9  }
0x430: {  	vm11 =	vgt.f32 v37, v49;
	v10 =	vsel vm10, $0x4, v2;
	vm12 =	vgt.f32 v44, v8;
	v8 =	vld.idx.msk [tilespmem:v42+s10+$0x0], $0xffff  }
0x431: {  	v52 =	vsel vm11, $0x4, v2;
	v10 =	vor.u32 v10, v11;
	v42 =	vld.idx.msk [tilespmem:v48+s10+$0x0], $0xffff;
	v11 =	vsel vm12, $0x4, v2  }
0x432: {  	v58 =	vor.u32 v56, v10;
	vm13 =	vgt.f32 v36, v5;
	v5 =	vor.u32 v11, v7  }
0x433: {  	v7 =	vld.idx.msk [tilespmem:v61+s10+$0x0], $0xffff;
	v11 =	vor.u32 v52, v12;
	v12 =	vsel vm13, $0x4, v2;
	v61 =	vor.u32 v56, v5  }
0x434: {  	vm8 =	vgt.f32 v33, v43;
	v32 =	vld.idx.msk [tilespmem:v63+s10+$0x0], $0xffff;
	v63 =	vor.u32 v56, v11;
	v12 =	vor.u32 v12, v41  }
0x435: {  	vm14 =	vgt.f32 v39, v4;
	v4 =	vor.u32 v56, v12;
	vm15 =	vgt.f32 v40, v8  }
0x436: {  	v48 =	vld [tilespmem:$0x1FF70];
	v8 =	vsel vm14, $0x4, v2;
	vm6 =	vgt.f32 v28, v42;
	v51 =	vsel vm15, $0x4, v2  }
0x437: {  	v42 =	vld.idx.msk [tilespmem:v58+s10+$0x0], $0xffff;
	v58 =	vsel vm9, $0x2, v2;
	v8 =	vor.u32 v8, v47;
	v41 =	vor.u32 v51, v46  }
0x438: {  	v46 =	vor.u32 v56, v8;
	vm7 =	vgt.f32 v27, v7;
	v7 =	vsel vm8, $0x2, v2;
	v43 =	vld.idx.msk [tilespmem:v61+s10+$0x0], $0xffff  }
0x439: {  	v47 =	vor.u32 v56, v41;
	v52 =	vsel vm7, $0x4, v2;
	vm8 =	vgt.f32 v34, v32;
	v32 =	vld.idx.msk [tilespmem:v63+s10+$0x0], $0xffff  }
0x43a: {  	v3 =	vor.u32 v58, v3;
	v45 =	vor.u32 v52, v45;
	v4 =	vld.idx.msk [tilespmem:v4+s10+$0x0], $0xffff  }
0x43b: {  	v3 =	vor.u32 v48, v3;
	v63 =	vsel vm8, $0x2, v2;
	v56 =	vor.u32 v56, v45  }
0x43c: {  	v30 =	vld.idx.msk [tilespmem:v30+s2+$0x0], $0xffff;
	v61 =	vsel vm6, $0x2, v2;
	v0 =	vor.u32 v7, v0;
	v7 =	vor.u32 v63, v9  }
0x43d: {  	v1 =	vor.u32 v61, v1;
	v0 =	vor.u32 v48, v0;
	v7 =	vor.u32 v48, v7;
	v9 =	vld.idx.msk [tilespmem:v46+s10+$0x0], $0xffff  }
0x43e: {  	v1 =	vor.u32 v48, v1;
	vm10 =	vgt.f32 v38, v42;
	vm9 =	vgt.f32 v44, v43;
	v58 =	vld.idx.msk [tilespmem:v47+s10+$0x0], $0xffff  }
0x43f: {  	v6 =	vld.idx.msk [tilespmem:v6+s2+$0x0], $0xffff;
	vm11 =	vgt.f32 v37, v32;
	v61 =	vsel vm9, $0x2, v2;
	vm12 =	vgt.f32 v36, v4  }
0x440: {  	v4 =	vsel vm10, $0x2, v2;
	v49 =	vsel vm11, $0x2, v2;
	v5 =	vor.u32 v61, v5;
	v63 =	vld.idx.msk [tilespmem:v56+s10+$0x0], $0xffff  }
0x441: {  	v31 =	vld.idx.msk [tilespmem:v31+s2+$0x0], $0xffff;
	v4 =	vor.u32 v4, v10;
	v11 =	vor.u32 v49, v11;
	v5 =	vor.u32 v48, v5  }
0x442: {  	v51 =	vsel vm12, $0x2, v2;
	v10 =	vld.idx.msk [tilespmem:v7+s10+$0x0], $0xffff;
	v4 =	vor.u32 v48, v4;
	vm13 =	vgt.f32 v39, v9  }
0x443: {  	v11 =	vor.u32 v48, v11;
	v9 =	vld.idx.msk [tilespmem:v0+s10+$0x0], $0xffff;
	vm14 =	vgt.f32 v40, v58;
	v50 =	vsel vm13, $0x2, v2  }
0x444: {  	v43 =	vld.idx.msk [tilespmem:v3+s10+$0x0], $0xffff;
	v12 =	vor.u32 v51, v12;
	v56 =	vsel vm14, $0x2, v2;
	v8 =	vor.u32 v50, v8  }
0x445: {  	v51 =	vld.idx.msk [tilespmem:v1+s10+$0x0], $0xffff;
	vm15 =	vgt.f32 v27, v63;
	v58 =	vor.u32 v56, v41;
	v8 =	vor.u32 v48, v8  }
0x446: {  	v61 =	vld.idx.msk [tilespmem:v5+s10+$0x0], $0xffff;
	v63 =	vsel vm15, $0x2, v2;
	v32 =	vor.u32 v48, v58  }
0x447: {  	vm4 =	vgt.f32 v34, v10;
	v10 =	vor.u32 v48, v12;
	v12 =	vld.idx.msk [tilespmem:v4+s10+$0x0], $0xffff;
	v46 =	vor.u32 v63, v45  }
0x448: {  	v47 =	vsel vm4, $0x1, v2;
	vm5 =	vgt.f32 v33, v9;
	v9 =	vld.idx.msk [tilespmem:v11+s10+$0x0], $0xffff;
	v49 =	vor.u32 v48, v46  }
0x449: {  	v52 =	vld.idx.msk [tilespmem:v29+s10+$0x0], $0xffff;
	vm6 =	vgt.f32 v35, v43;
	v7 =	vor.u32 v47, v7;
	v50 =	vsel vm5, $0x1, v2  }
0x44a: {  	v26 =	vsel vm6, $0x1, v2;
	vm11 =	vgt.f32 v28, v51;
	v0 =	vor.u32 v50, v0;
	v56 =	vld.idx.msk [tilespmem:v8+s10+$0x0], $0xffff  }
0x44b: {  	v3 =	vor.u32 v26, v3;
	v35 =	vsel vm11, $0x1, v2;
	vm8 =	vgt.f32 v44, v61;
	v26 =	vld.idx.msk [tilespmem:v32+s10+$0x0], $0xffff  }
0x44c: {  	v1 =	vor.u32 v35, v1;
	vm9 =	vgt.f32 v38, v12;
	v12 =	vld.idx.msk [tilespmem:v10+s10+$0x0], $0xffff;
	v41 =	vsel vm8, $0x1, v2  }
0x44d: {  	v38 =	vsel vm9, $0x1, v2;
	vm10 =	vgt.f32 v37, v9;
	v5 =	vor.u32 v41, v5;
	v9 =	vld.idx.msk [tilespmem:v49+s10+$0x0], $0xffff  }
0x44e: {  	vm7 =	vgt.f32 v14, v52;
	v7 =	vld.idx.msk [tilespmem:v7+s2+$0x0], $0xffff;
	v63 =	vsel vm10, $0x1, v2;
	v4 =	vor.u32 v38, v4  }
0x44f: {  	v58 =	vsel vm7, $0x1, v2;
	v0 =	vld.idx.msk [tilespmem:v0+s2+$0x0], $0xffff;
	v11 =	vor.u32 v63, v11;
	vm12 =	vgt.f32 v39, v56  }
0x450: {  	[tilespmem:s17+$0xFFFFFF40] =	vst v6;
	v3 =	vld.idx.msk [tilespmem:v3+s2+$0x0], $0xffff;
	v61 =	vor.u32 v58, v29;
	v6 =	vsel vm12, $0x1, v2;
	vm13 =	vgt.f32 v40, v26  }
0x451: {  	[tilespmem:s17+$0xFFFFFFC0] =	vst v31;
	v1 =	vld.idx.msk [tilespmem:v1+s2+$0x0], $0xffff;
	vm14 =	vgt.f32 v36, v12;
	v12 =	vsel vm13, $0x1, v2;
	v6 =	vor.u32 v6, v8  }
0x452: {  	[tilespmem:s16+$0x40] =	vst v30;
	v8 =	vsel vm14, $0x1, v2;
	v5 =	vld.idx.msk [tilespmem:v5+s2+$0x0], $0xffff;
	v12 =	vor.u32 v12, v32;
	vm15 =	vgt.f32 v27, v9  }
0x453: {  	[tilespmem:s20+$0xC0] =	vst v7;
	v4 =	vld.idx.msk [tilespmem:v4+s2+$0x0], $0xffff;
	v7 =	vor.u32 v8, v10;
	v8 =	vsel vm15, $0x1, v2  }
0x454: {  	[tilespmem:s18+$0xFFFFFF40] =	vst v0;
	v0 =	vld.idx.msk [tilespmem:v11+s2+$0x0], $0xffff;
	v8 =	vor.u32 v8, v49  }
0x455: {  	[tilespmem:s18+$0xFFFFFFC0] =	vst v3;
	v26 =	vld.idx.msk [tilespmem:v61+s2+$0x0], $0xffff  }
0x456: {  	[tilespmem:s18+$0x40] =	vst v1;
	v3 =	vld.idx.msk [tilespmem:v6+s2+$0x0], $0xffff  }
0x457: {  	[tilespmem:s21+$0xC0] =	vst v5;
	v5 =	vld.idx.msk [tilespmem:v12+s2+$0x0], $0xffff  }
0x458: {  	[tilespmem:s20+$0xFFFFFF40] =	vst v4;
	v4 =	vld.idx.msk [tilespmem:v7+s2+$0x0], $0xffff  }
0x459: {  	[tilespmem:s20+$0xFFFFFFC0] =	vst v0;
	v0 =	vld.idx.msk [tilespmem:v8+s2+$0x0], $0xffff  }
0x45a: {  	[tilespmem:s17+$0x40] =	vst v26  }
0x45b: {  	[tilespmem:s21+$0xFFFFFF40] =	vst v3  }
0x45c: {  	[tilespmem:s21+$0xFFFFFFC0] =	vst v5  }
0x45d: {  	[tilespmem:s20+$0x40] =	vst v4  }
0x45e: {  	s15 =	sadd.s32 s6, s15;
	s14 =	sadd.s32 $0x1, s14;
	[tilespmem:s21+$0x40] =	vst v0  }
0x45f: {  	[hbm4b:s15+s2] =	stream.linear.scatter [tilespmem:s12], [sflag:$0x1], $0x8000, $0x38;
	[tilespmem:$0x11400] =	vst v63  }
0x460: {  	p0 =	sne.s32 s14, $0x4;
	_ =	swait.ge [sflag:s9], $0x8000  }
.Ltmp1:
0x461: {  	v5 =	vld [tilespmem:$0x1FF90];
	(pc) =	sbr.rel @p0 .LBB2_2-.Ltmp1, $4  }
0x462: {  	v0 =	vld [tilespmem:$0x1FFA0]  }
0x463: {  	v14 =	vmovc v25;
	v25 =	vmov v21;
	v21 =	vmov v60;
	v60 =	vmov v62;
	v9 =	vld [tilespmem:$0x1FFB0]  }
0x464: {  	v62 =	vmovc v23;
	v61 =	vmovc v53;
	v10 =	vmov v22;
	v11 =	vmov v55;
	v12 =	vmov v18;
	[sflag:s9] =	ssyncset.done $0x0;
	v7 =	vld [tilespmem:$0x1FFC0]  }
0x465: {  	v18 =	vmovc v19;
	v8 =	vmovc v17;
	v17 =	vmov v54;
	v3 =	vmov v16;
	v16 =	vmov v57;
	v19 =	vld [tilespmem:$0x1FF80];
	[sflag:s9] =	ssyncadd.s32 $0xFFFF8000  }
0x466: {  	s13 =	sadd.s32 $0x1, s13  }
0x467: {  	p0 =	sne.s32 s13, s8  }
.Ltmp2:
0x468: {  	_ = 	snop;
	(pc) =	sbr.rel @p0 .LBB2_1-.Ltmp2, $1  }
0x469: {  	_ =	sdelay $0x3  }
0x46a: {  	_ =	sfence.sel $0x180000  }
0x46b: {  	[bflag:$0x0] =	sbarrier.arrive $0xFFFF  }
0x46c: {  	p0 =	sne.s32 s4, $0x0;
	_ =	strace $0x90000047  }
0x46d: {  	s0 =	sadd.s32 @!p0 $0x100000, s0;
	[bflag:$0x2] =	sbarrier.arrive $0xFFFF  }
0x46e: {  	[sflag:s0] =	ssyncadd.tile.s32 @!p0 $0x1;
	_ =	shalt  }
.Lfunc_end2:
_tile_overlayer_lowered:
.L_overlay_start_2:
0x46f: {  	(tag) =	ssettag $0x2  }
0x470: {  	s0 =	rddreg [dreg:$0x0];
	s2 =	stileid.u32  }
0x471: {  	s1 =	rddreg [dreg:$0x1];
	p0 =	sne.s32 s2, $0x0  }
0x472: {  	s3 =	rddreg [dreg:$0x2];
	[bflag:$0x3] =	sbarrier.arrive $0xFFFF;
	s2 =	simm.s32 @!p0 $0x1C01  }
0x473: {  	[timem:s3], [sflag:s2] =	dma.local @!p0 [hbm:s0], s1  }
0x474: {  	s0 =	simm.s32 @!p0 $0x1  }
0x475: {  	_ =	swait.ge @!p0 [sflag:s0], s1  }
0x476: {  	s1 =	ssub.s32 @!p0 $0x0, s1;
	[sflag:s0] =	ssyncset.done @!p0 $0x0  }
0x477: {  	[sflag:s0] =	ssyncadd.s32 @!p0 s1  }
0x478: {  	[bflag:$0x3] =	sbarrier.arrive $0xFFFF  }
0x479: {  	_ =	shalt  }

</sc_bundles>
